<compile_context>
chip_gen: v7x
topology: tpu7x:2x2x1
jax: 0.10.2.dev20260603
libtpu: 0.0.44.dev20260713+nightly
codegen_flags: <defaults>
</compile_context>

<pallas_src>
import functools

import jax
import jax.numpy as jnp
from jax import lax
from jax.experimental import pallas as pl
from jax.experimental.pallas import tpu as pltpu
from jax.experimental.pallas import tpu_sc as plsc

_G = 16
_N = 256
_D = 128
_B = 4
_ITEMS = 256
_EPOCHS = 3
_LR = 0.01
_STEPS = _EPOCHS * _ITEMS


def _gram_body(emb_ref, nodes_ref, d0_ref, xx_ref, sqn0_ref):
    nodes = nodes_ref[...]
    sqn0_ref[...] = jnp.sum(nodes * nodes, axis=1, keepdims=True)
    for b in range(_B):
        xb = emb_ref[b]
        d0_ref[b, :, 0:256] = jax.lax.dot_general(
            nodes, xb, (((1,), (1,)), ((), ())),
            preferred_element_type=jnp.float32,
            precision=jax.lax.Precision.HIGHEST)
        xx_ref[b, :, :] = jax.lax.dot_general(
            xb, xb, (((1,), (1,)), ((), ())),
            preferred_element_type=jnp.float32,
            precision=jax.lax.Precision.HIGHEST)


def _gram(embeddings, nodes_flat):
    return pl.pallas_call(
        _gram_body,
        out_shape=(
            jax.ShapeDtypeStruct((_B, _N, _ITEMS + 1), jnp.float32),
            jax.ShapeDtypeStruct((_B, _ITEMS, _ITEMS), jnp.float32),
            jax.ShapeDtypeStruct((_N, 1), jnp.float32),
        ),
    )(embeddings, nodes_flat)


def _tree_min(vs):
    while len(vs) > 1:
        vs = [jnp.minimum(vs[i], vs[i + 1]) for i in range(0, len(vs), 2)]
    return vs[0]


_mesh = plsc.VectorSubcoreMesh(core_axis_name="c", subcore_axis_name="s")


@functools.partial(
    pl.kernel,
    out_type=jax.ShapeDtypeStruct((_B, _D), jnp.float32),
    mesh=_mesh,
    scratch_types=[
        pltpu.VMEM((_N * (_ITEMS + 1),), jnp.float32),
        pltpu.VMEM((_N * _D,), jnp.float32),
        pltpu.VMEM((_N,), jnp.float32),
        pltpu.VMEM((_N,), jnp.float32),
        pltpu.VMEM((2 * _ITEMS,), jnp.float32),
        pltpu.VMEM((2 * _D,), jnp.float32),
        pltpu.VMEM((_D,), jnp.float32),
        pltpu.VMEM_SHARED((2, _ITEMS, _ITEMS), jnp.float32),
        pltpu.VMEM_SHARED((2, _ITEMS, _D), jnp.float32),
        pltpu.SemaphoreType.DMA,
        pltpu.SemaphoreType.DMA,
        pltpu.SemaphoreType.DMA,
    ],
    compiler_params=pltpu.CompilerParams(needs_layout_passes=False,
                                         use_tc_tiling_on_sc=False),
)
def _som_sc(emb_hbm, nodes_hbm, sqn0_hbm, d0_hbm, xx_hbm, out_hbm,
            d_v, g_v, sqn_v, lam_v, xx_v, x_v, out_v, xx_sp, x_sp,
            sem_xx, sem_x, sem_p):
    wid = lax.axis_index("s") * 2 + lax.axis_index("c")

    @pl.when(wid < _B)
    def _body():
        b = wid
        iota = lax.iota(jnp.int32, 16)

        lidx = wid >> 1
        cp1 = pltpu.async_copy(d0_hbm.at[b], d_v, sem_p)
        cp2 = pltpu.async_copy(nodes_hbm, g_v, sem_p)
        cp3 = pltpu.async_copy(sqn0_hbm, sqn_v, sem_p)
        cp4 = pltpu.async_copy(xx_hbm.at[b], xx_sp.at[lidx], sem_p)
        cp5 = pltpu.async_copy(emb_hbm.at[b], x_sp.at[lidx], sem_p)
        cp1.wait()
        cp2.wait()
        cp3.wait()
        cp4.wait()
        cp5.wait()
        pltpu.async_copy(xx_sp.at[lidx, 0], xx_v.at[pl.ds(0, _ITEMS)], sem_xx)
        pltpu.async_copy(x_sp.at[lidx, 0], x_v.at[pl.ds(0, _D)], sem_x)

        lane_lt4 = iota < 4
        ones16 = jnp.full((16,), 1.0, jnp.float32)
        for c in range(16):
            lam_v[pl.ds(c * 16, 16)] = ones16

        def step(s, carry):
            t = s & (_ITEMS - 1)
            slot = s & 1
            nslot = 1 - slot
            tn = (s + 1) & (_ITEMS - 1)
            tvec = jnp.full((16,), t, jnp.int32)

            keys = []
            iota257 = iota * 257
            for c in range(16):
                dcol = plsc.load_gather(d_v, [iota257 + (c * 16 * 257 + t)])
                sc = (sqn_v[pl.ds(c * 16, 16)]
                      - 2.0 * (lam_v[pl.ds(c * 16, 16)] * dcol))
                bits = plsc.bitcast(sc, jnp.int32)
                sortable = bits ^ (lax.shift_right_arithmetic(bits, 31)
                                   & jnp.int32(0x7FFFFFFF))
                keys.append((sortable & jnp.int32(-256)) | (iota + (c * 16)))
            key1 = jnp.min(_tree_min(keys))
            bmu1 = key1 & 255
            masked = [jnp.where(k == key1, jnp.int32(0x7FFFFFFF), k)
                      for k in keys]
            key2 = jnp.min(_tree_min(masked))
            bmu2 = key2 & 255

            pltpu.make_async_copy(xx_sp.at[lidx, t],
                                  xx_v.at[pl.ds(slot * _ITEMS, _ITEMS)],
                                  sem_xx).wait()
            pltpu.make_async_copy(x_sp.at[lidx, t],
                                  x_v.at[pl.ds(slot * _D, _D)],
                                  sem_x).wait()
            pltpu.async_copy(xx_sp.at[lidx, tn],
                             xx_v.at[pl.ds(nslot * _ITEMS, _ITEMS)], sem_xx)
            pltpu.async_copy(x_sp.at[lidx, tn],
                             x_v.at[pl.ds(nslot * _D, _D)], sem_x)

            xcs = [x_v[pl.ds(slot * _D + jc * 16, 16)] for jc in range(8)]
            acc1 = None
            acc2 = None
            rb1 = bmu1 * _D
            rb2 = bmu2 * _D
            for jc in range(8):
                xc = xcs[jc]
                df1 = g_v[pl.ds(rb1 + jc * 16, 16)] - xc
                df2 = g_v[pl.ds(rb2 + jc * 16, 16)] - xc
                sq1 = df1 * df1
                sq2 = df2 * df2
                acc1 = sq1 if acc1 is None else acc1 + sq1
                acc2 = sq2 if acc2 is None else acc2 + sq2
            d1 = jnp.sum(acc1)
            d2 = jnp.sum(acc2)
            take2 = (d2 < d1) | ((d2 == d1) & (bmu2 < bmu1))
            bmu = jnp.where(take2, bmu2, bmu1)

            bx = bmu >> 4
            by = bmu & 15
            bxv = bx + (jnp.where(iota == 1, 1, 0)
                        - jnp.where(iota == 3, 1, 0))
            byv = by + (jnp.where(iota == 0, 1, 0)
                        - jnp.where(iota == 2, 1, 0))
            validv = (lane_lt4 & (bxv >= 0) & (bxv < _G)
                      & (byv >= 0) & (byv < _G))
            rv = (jnp.clip(bxv, 0, _G - 1) * _G
                  + jnp.clip(byv, 0, _G - 1))
            cvec = jnp.where(validv, jnp.float32(_LR), jnp.float32(0.0))

            lam_old = plsc.load_gather(lam_v, [rv])
            drow = lam_old * plsc.load_gather(d_v, [rv * 257 + t])
            xx_tt = plsc.load_gather(
                xx_v, [jnp.full((16,), slot * _ITEMS + t, jnp.int32)])
            sqn_old = plsc.load_gather(sqn_v, [rv])
            omc = 1.0 - cvec
            sqn_new = (omc * omc * sqn_old + 2.0 * cvec * omc * drow
                       + cvec * cvec * xx_tt)
            plsc.store_scatter(sqn_v, [rv], sqn_new, mask=validv)
            lam_new = omc * lam_old
            plsc.store_scatter(lam_v, [rv], lam_new, mask=validv)
            addv = cvec / lam_new

            rs = []
            crs = []
            adds = []
            for j, (dx, dy) in enumerate(((0, 1), (1, 0), (0, -1), (-1, 0))):
                nx = bx + dx
                ny = by + dy
                ok = ((nx >= 0) & (nx < _G) & (ny >= 0) & (ny < _G))
                r = (jnp.clip(nx, 0, _G - 1) * _G
                     + jnp.clip(ny, 0, _G - 1))
                rs.append(r)
                crs.append(jnp.where(ok, jnp.float32(_LR), jnp.float32(0.0)))
                adds.append(lax.squeeze(lax.slice(addv, (j,), (j + 1,)),
                                        (0,)))

            xxcs = [xx_v[pl.ds(slot * _ITEMS + cchunk * 16, 16)]
                    for cchunk in range(16)]
            for cchunk in range(16):
                for j in range(4):
                    plsc.addupdate(d_v.at[pl.ds(rs[j] * 257 + cchunk * 16, 16)],
                                   adds[j] * xxcs[cchunk])
            for jc in range(8):
                xc = xcs[jc]
                gss = [g_v[pl.ds(rs[j] * _D + jc * 16, 16)]
                       for j in range(4)]
                ngs = [gss[j] + crs[j] * (xc - gss[j]) for j in range(4)]
                for j in range(4):
                    g_v[pl.ds(rs[j] * _D + jc * 16, 16)] = ngs[j]
            return carry

        lax.fori_loop(0, _STEPS, step, 0)
        pltpu.make_async_copy(xx_sp.at[lidx, 0],
                              xx_v.at[pl.ds(0, _ITEMS)], sem_xx).wait()
        pltpu.make_async_copy(x_sp.at[lidx, 0],
                              x_v.at[pl.ds(0, _D)], sem_x).wait()

        def acc_row(r, accs):
            return tuple(accs[j] + g_v[pl.ds(r * _D + j * 16, 16)]
                         for j in range(8))
        accs = tuple(jnp.zeros((16,), jnp.float32) for _ in range(8))
        accs = lax.fori_loop(0, _N, acc_row, accs)
        for j in range(8):
            out_v[pl.ds(j * 16, 16)] = accs[j]
        pltpu.sync_copy(out_v, out_hbm.at[b])


def kernel(embeddings, nodes):
    nodes_flat = nodes.reshape(_N, _D)
    d0, xx, sqn0 = _gram(embeddings, nodes_flat)
    out = _som_sc(
        embeddings,
        nodes_flat.reshape(_N * _D),
        sqn0.reshape(_N),
        d0.reshape(_B, _N * (_ITEMS + 1)),
        xx,
    )
    return out

# --- scband reference (transcript-rebuilt; emitter-appended) ---
"""Pipeline reference for scband-agsom-50620484551281 (READ-ONLY COPY).

The authoritative reference and input builder live on the scoring server;
editing this copy changes nothing except your own understanding.
"""

import jax, jax.numpy as jnp
import numpy as np

GRID_SIZE = 16
EMBED_DIM = 128
LR = 0.01


def setup_inputs(seed: int = 0) -> dict:
    key = jax.random.key(seed)
    k1, k2 = jax.random.split(key)
    embeddings = jax.random.normal(k1, (4, 256, EMBED_DIM), dtype=jnp.float32)
    nodes = jax.random.normal(k2, (GRID_SIZE, GRID_SIZE, EMBED_DIM), dtype=jnp.float32)
    return {"embeddings": embeddings, "nodes": nodes}


def _item_step(grid, item):
    # grid: [G, G, D], item: [D]
    flat = grid.reshape(-1, EMBED_DIM)
    dists = jnp.sqrt(jnp.sum((flat - item) ** 2, axis=1))
    bmp_idx = jnp.argmin(dists)
    x = bmp_idx // GRID_SIZE
    y = bmp_idx % GRID_SIZE
    # 4-neighborhood update (BMU itself is NOT updated, matching torch code)
    for dx, dy in [(0, 1), (1, 0), (0, -1), (-1, 0)]:
        nx = x + dx
        ny = y + dy
        valid = (nx >= 0) & (nx < GRID_SIZE) & (ny >= 0) & (ny < GRID_SIZE)
        nxc = jnp.clip(nx, 0, GRID_SIZE - 1)
        nyc = jnp.clip(ny, 0, GRID_SIZE - 1)
        cur = grid[nxc, nyc]
        upd = cur + LR * (item - cur)
        grid = grid.at[nxc, nyc].set(jnp.where(valid, upd, cur))
    return grid, None


def _per_batch(items, nodes):
    # items: [num_items, D]; replicates torch: grid = nodes.clone(); 3 epochs over items
    grid = nodes
    for _ in range(3):
        grid, _ = jax.lax.scan(_item_step, grid, items)
    return grid.reshape(-1, EMBED_DIM).sum(axis=0)


def reference(embeddings, nodes):
    # embeddings: [B, num_items, D]; nodes: [G, G, D]
    # The error-tracking branches in the torch code are all no-ops ('pass'),
    # so they do not affect the output.
    return jax.vmap(lambda it: _per_batch(it, nodes))(embeddings)

if __name__ == "__main__":
    import jax
    _d = setup_inputs()
    print(jax.jit(kernel)(*tuple(_d.values())))

</pallas_src>

<mosaic_0001>
#map = affine_map<(d0, d1) -> (0, 0, 0)>
#map1 = affine_map<(d0, d1) -> (0)>
#map2 = affine_map<(d0, d1) -> (0, 0)>
module attributes {stable_mosaic.version = 14 : i64} {
  func.func @_som_sc(%arg0: i32, %arg1: i32, %arg2: memref<4x256x128xf32, #tpu.memory_space<hbm>>, %arg3: memref<32768xf32, #tpu.memory_space<hbm>>, %arg4: memref<256xf32, #tpu.memory_space<hbm>>, %arg5: memref<4x65792xf32, #tpu.memory_space<hbm>>, %arg6: memref<4x256x256xf32, #tpu.memory_space<hbm>>, %arg7: memref<4x128xf32, #tpu.memory_space<hbm>>, %arg8: memref<65792xf32, #tpu.memory_space<vmem>>, %arg9: memref<32768xf32, #tpu.memory_space<vmem>>, %arg10: memref<256xf32, #tpu.memory_space<vmem>>, %arg11: memref<256xf32, #tpu.memory_space<vmem>>, %arg12: memref<512xf32, #tpu.memory_space<vmem>>, %arg13: memref<256xf32, #tpu.memory_space<vmem>>, %arg14: memref<128xf32, #tpu.memory_space<vmem>>, %arg15: memref<2x256x256xf32, #tpu.memory_space<vmem_shared>>, %arg16: memref<2x256x128xf32, #tpu.memory_space<vmem_shared>>, %arg17: memref<!tpu.dma_semaphore, #tpu.memory_space<semaphore_mem>>, %arg18: memref<!tpu.dma_semaphore, #tpu.memory_space<semaphore_mem>>, %arg19: memref<!tpu.dma_semaphore, #tpu.memory_space<semaphore_mem>>) attributes {dimension_semantics = [#tpu.dimension_semantics<core_parallel>, #tpu.dimension_semantics<subcore_parallel>], iteration_bounds = array<i64: 2, 16>, scalar_prefetch = 0 : i64, scratch_operands = 12 : i64, tpu.core_type = #tpu.core_type<sc_vector_subcore>, window_params = [{transform_indices = #map}, {transform_indices = #map1}, {transform_indices = #map1}, {transform_indices = #map2}, {transform_indices = #map}, {transform_indices = #map2}]} {
    %mul3A = arith.constant 2 : i32
    %mul3A_0 = arith.muli %arg1, %mul3A : i32
    %add3A = arith.addi %mul3A_0, %arg0 : i32
    %lt3A = arith.constant 4 : i32
    %lt3A_1 = arith.cmpi slt, %add3A, %lt3A : i32
    %convert_element_type3A = arith.extui %lt3A_1 : i1 to i32
    %cond3A = arith.constant 0 : i32
    %cond3A_2 = arith.cmpi ne, %convert_element_type3A, %cond3A : i32
    scf.if %cond3A_2 {
      %iota3A = tpu.iota {dimensions = array<i32: 0>} : vector<16xi32>
      %shift_right_arithmetic3A = arith.constant 1 : i32
      %shift_right_arithmetic3A_3 = arith.shrsi %add3A, %shift_right_arithmetic3A : i32
      %dma_start3A = arith.constant 0 : i32
      %dma_start3A_4 = tpu.memref_slice %arg5[%add3A, %dma_start3A] : memref<4x65792xf32, #tpu.memory_space<hbm>> -> memref<1x65792xf32, #tpu.memory_space<hbm>>
      %dma_start3A_5 = tpu.memref_squeeze %dma_start3A_4 : memref<1x65792xf32, #tpu.memory_space<hbm>> -> memref<65792xf32, #tpu.memory_space<hbm>>
      %dma_start3A_6 = arith.constant 0 : i32
      %dma_start3A_7 = tpu.memref_slice %arg5[%add3A, %dma_start3A_6] : memref<4x65792xf32, #tpu.memory_space<hbm>> -> memref<1x65792xf32, #tpu.memory_space<hbm>>
      %dma_start3A_8 = tpu.memref_squeeze %dma_start3A_7 : memref<1x65792xf32, #tpu.memory_space<hbm>> -> memref<65792xf32, #tpu.memory_space<hbm>>
      tpu.enqueue_dma source(%dma_start3A_8 : memref<65792xf32, #tpu.memory_space<hbm>>) target(%arg8 : memref<65792xf32, #tpu.memory_space<vmem>>) target_semaphore(%arg19 : memref<!tpu.dma_semaphore, #tpu.memory_space<semaphore_mem>>)
      tpu.enqueue_dma source(%arg3 : memref<32768xf32, #tpu.memory_space<hbm>>) target(%arg9 : memref<32768xf32, #tpu.memory_space<vmem>>) target_semaphore(%arg19 : memref<!tpu.dma_semaphore, #tpu.memory_space<semaphore_mem>>)
      tpu.enqueue_dma source(%arg4 : memref<256xf32, #tpu.memory_space<hbm>>) target(%arg10 : memref<256xf32, #tpu.memory_space<vmem>>) target_semaphore(%arg19 : memref<!tpu.dma_semaphore, #tpu.memory_space<semaphore_mem>>)
      %dma_start3A_9 = arith.constant 0 : i32
      %dma_start3A_10 = arith.constant 0 : i32
      %dma_start3A_11 = tpu.memref_slice %arg15[%shift_right_arithmetic3A_3, %dma_start3A_9, %dma_start3A_10] : memref<2x256x256xf32, #tpu.memory_space<vmem_shared>> -> memref<1x256x256xf32, #tpu.memory_space<vmem_shared>>
      %dma_start3A_12 = tpu.memref_squeeze %dma_start3A_11 : memref<1x256x256xf32, #tpu.memory_space<vmem_shared>> -> memref<256x256xf32, #tpu.memory_space<vmem_shared>>
      %dma_start3A_13 = arith.constant 0 : i32
      %dma_start3A_14 = arith.constant 0 : i32
      %dma_start3A_15 = tpu.memref_slice %arg6[%add3A, %dma_start3A_13, %dma_start3A_14] : memref<4x256x256xf32, #tpu.memory_space<hbm>> -> memref<1x256x256xf32, #tpu.memory_space<hbm>>
      %dma_start3A_16 = tpu.memref_squeeze %dma_start3A_15 : memref<1x256x256xf32, #tpu.memory_space<hbm>> -> memref<256x256xf32, #tpu.memory_space<hbm>>
      tpu.enqueue_dma source(%dma_start3A_16 : memref<256x256xf32, #tpu.memory_space<hbm>>) target(%dma_start3A_12 : memref<256x256xf32, #tpu.memory_space<vmem_shared>>) target_semaphore(%arg19 : memref<!tpu.dma_semaphore, #tpu.memory_space<semaphore_mem>>)
      %dma_start3A_17 = arith.constant 0 : i32
      %dma_start3A_18 = arith.constant 0 : i32
      %dma_start3A_19 = tpu.memref_slice %arg16[%shift_right_arithmetic3A_3, %dma_start3A_17, %dma_start3A_18] : memref<2x256x128xf32, #tpu.memory_space<vmem_shared>> -> memref<1x256x128xf32, #tpu.memory_space<vmem_shared>>
      %dma_start3A_20 = tpu.memref_squeeze %dma_start3A_19 : memref<1x256x128xf32, #tpu.memory_space<vmem_shared>> -> memref<256x128xf32, #tpu.memory_space<vmem_shared>>
      %dma_start3A_21 = arith.constant 0 : i32
      %dma_start3A_22 = arith.constant 0 : i32
      %dma_start3A_23 = tpu.memref_slice %arg2[%add3A, %dma_start3A_21, %dma_start3A_22] : memref<4x256x128xf32, #tpu.memory_space<hbm>> -> memref<1x256x128xf32, #tpu.memory_space<hbm>>
      %dma_start3A_24 = tpu.memref_squeeze %dma_start3A_23 : memref<1x256x128xf32, #tpu.memory_space<hbm>> -> memref<256x128xf32, #tpu.memory_space<hbm>>
      tpu.enqueue_dma source(%dma_start3A_24 : memref<256x128xf32, #tpu.memory_space<hbm>>) target(%dma_start3A_20 : memref<256x128xf32, #tpu.memory_space<vmem_shared>>) target_semaphore(%arg19 : memref<!tpu.dma_semaphore, #tpu.memory_space<semaphore_mem>>)
      %dma_wait3A = arith.constant 0 : i32
      %dma_wait3A_25 = tpu.memref_slice %arg5[%add3A, %dma_wait3A] : memref<4x65792xf32, #tpu.memory_space<hbm>> -> memref<1x65792xf32, #tpu.memory_space<hbm>>
      %dma_wait3A_26 = tpu.memref_squeeze %dma_wait3A_25 : memref<1x65792xf32, #tpu.memory_space<hbm>> -> memref<65792xf32, #tpu.memory_space<hbm>>
      %dma_wait3A_27 = arith.constant 0 : i32
      %dma_wait3A_28 = tpu.memref_slice %arg5[%add3A, %dma_wait3A_27] : memref<4x65792xf32, #tpu.memory_space<hbm>> -> memref<1x65792xf32, #tpu.memory_space<hbm>>
      %dma_wait3A_29 = tpu.memref_squeeze %dma_wait3A_28 : memref<1x65792xf32, #tpu.memory_space<hbm>> -> memref<65792xf32, #tpu.memory_space<hbm>>
      tpu.wait_dma2 semaphore(%arg19 : memref<!tpu.dma_semaphore, #tpu.memory_space<semaphore_mem>>) src(%dma_wait3A_29 : memref<65792xf32, #tpu.memory_space<hbm>>) dst(%arg8 : memref<65792xf32, #tpu.memory_space<vmem>>)
      tpu.wait_dma2 semaphore(%arg19 : memref<!tpu.dma_semaphore, #tpu.memory_space<semaphore_mem>>) src(%arg3 : memref<32768xf32, #tpu.memory_space<hbm>>) dst(%arg9 : memref<32768xf32, #tpu.memory_space<vmem>>)
      tpu.wait_dma2 semaphore(%arg19 : memref<!tpu.dma_semaphore, #tpu.memory_space<semaphore_mem>>) src(%arg4 : memref<256xf32, #tpu.memory_space<hbm>>) dst(%arg10 : memref<256xf32, #tpu.memory_space<vmem>>)
      %dma_wait3A_30 = arith.constant 0 : i32
      %dma_wait3A_31 = arith.constant 0 : i32
      %dma_wait3A_32 = tpu.memref_slice %arg15[%shift_right_arithmetic3A_3, %dma_wait3A_30, %dma_wait3A_31] : memref<2x256x256xf32, #tpu.memory_space<vmem_shared>> -> memref<1x256x256xf32, #tpu.memory_space<vmem_shared>>
      %dma_wait3A_33 = tpu.memref_squeeze %dma_wait3A_32 : memref<1x256x256xf32, #tpu.memory_space<vmem_shared>> -> memref<256x256xf32, #tpu.memory_space<vmem_shared>>
      %dma_wait3A_34 = arith.constant 0 : i32
      %dma_wait3A_35 = arith.constant 0 : i32
      %dma_wait3A_36 = tpu.memref_slice %arg6[%add3A, %dma_wait3A_34, %dma_wait3A_35] : memref<4x256x256xf32, #tpu.memory_space<hbm>> -> memref<1x256x256xf32, #tpu.memory_space<hbm>>
      %dma_wait3A_37 = tpu.memref_squeeze %dma_wait3A_36 : memref<1x256x256xf32, #tpu.memory_space<hbm>> -> memref<256x256xf32, #tpu.memory_space<hbm>>
      tpu.wait_dma2 semaphore(%arg19 : memref<!tpu.dma_semaphore, #tpu.memory_space<semaphore_mem>>) src(%dma_wait3A_37 : memref<256x256xf32, #tpu.memory_space<hbm>>) dst(%dma_wait3A_33 : memref<256x256xf32, #tpu.memory_space<vmem_shared>>)
      %dma_wait3A_38 = arith.constant 0 : i32
      %dma_wait3A_39 = arith.constant 0 : i32
      %dma_wait3A_40 = tpu.memref_slice %arg16[%shift_right_arithmetic3A_3, %dma_wait3A_38, %dma_wait3A_39] : memref<2x256x128xf32, #tpu.memory_space<vmem_shared>> -> memref<1x256x128xf32, #tpu.memory_space<vmem_shared>>
      %dma_wait3A_41 = tpu.memref_squeeze %dma_wait3A_40 : memref<1x256x128xf32, #tpu.memory_space<vmem_shared>> -> memref<256x128xf32, #tpu.memory_space<vmem_shared>>
      %dma_wait3A_42 = arith.constant 0 : i32
      %dma_wait3A_43 = arith.constant 0 : i32
      %dma_wait3A_44 = tpu.memref_slice %arg2[%add3A, %dma_wait3A_42, %dma_wait3A_43] : memref<4x256x128xf32, #tpu.memory_space<hbm>> -> memref<1x256x128xf32, #tpu.memory_space<hbm>>
      %dma_wait3A_45 = tpu.memref_squeeze %dma_wait3A_44 : memref<1x256x128xf32, #tpu.memory_space<hbm>> -> memref<256x128xf32, #tpu.memory_space<hbm>>
      tpu.wait_dma2 semaphore(%arg19 : memref<!tpu.dma_semaphore, #tpu.memory_space<semaphore_mem>>) src(%dma_wait3A_45 : memref<256x128xf32, #tpu.memory_space<hbm>>) dst(%dma_wait3A_41 : memref<256x128xf32, #tpu.memory_space<vmem_shared>>)
      %dma_start3A_46 = arith.constant 0 : i32
      %dma_start3A_47 = arith.constant 0 : i32
      %dma_start3A_48 = tpu.memref_slice %arg12[%dma_start3A_47] : memref<512xf32, #tpu.memory_space<vmem>> -> memref<256xf32, #tpu.memory_space<vmem>>
      %dma_start3A_49 = arith.constant 0 : i32
      %dma_start3A_50 = tpu.memref_slice %arg15[%shift_right_arithmetic3A_3, %dma_start3A_46, %dma_start3A_49] : memref<2x256x256xf32, #tpu.memory_space<vmem_shared>> -> memref<1x1x256xf32, #tpu.memory_space<vmem_shared>>
      %dma_start3A_51 = tpu.memref_squeeze %dma_start3A_50 : memref<1x1x256xf32, #tpu.memory_space<vmem_shared>> -> memref<256xf32, #tpu.memory_space<vmem_shared>>
      %dma_start3A_52 = arith.constant 0 : i32
      %dma_start3A_53 = tpu.memref_slice %arg12[%dma_start3A_52] : memref<512xf32, #tpu.memory_space<vmem>> -> memref<256xf32, #tpu.memory_space<vmem>>
      %dma_start3A_54 = arith.constant 0 : i32
      %dma_start3A_55 = tpu.memref_slice %arg15[%shift_right_arithmetic3A_3, %dma_start3A_46, %dma_start3A_54] : memref<2x256x256xf32, #tpu.memory_space<vmem_shared>> -> memref<1x1x256xf32, #tpu.memory_space<vmem_shared>>
      %dma_start3A_56 = tpu.memref_squeeze %dma_start3A_55 : memref<1x1x256xf32, #tpu.memory_space<vmem_shared>> -> memref<256xf32, #tpu.memory_space<vmem_shared>>
      tpu.enqueue_dma source(%dma_start3A_56 : memref<256xf32, #tpu.memory_space<vmem_shared>>) target(%dma_start3A_53 : memref<256xf32, #tpu.memory_space<vmem>>) target_semaphore(%arg17 : memref<!tpu.dma_semaphore, #tpu.memory_space<semaphore_mem>>)
      %dma_start3A_57 = arith.constant 0 : i32
      %dma_start3A_58 = arith.constant 0 : i32
      %dma_start3A_59 = tpu.memref_slice %arg13[%dma_start3A_58] : memref<256xf32, #tpu.memory_space<vmem>> -> memref<128xf32, #tpu.memory_space<vmem>>
      %dma_start3A_60 = arith.constant 0 : i32
      %dma_start3A_61 = tpu.memref_slice %arg16[%shift_right_arithmetic3A_3, %dma_start3A_57, %dma_start3A_60] : memref<2x256x128xf32, #tpu.memory_space<vmem_shared>> -> memref<1x1x128xf32, #tpu.memory_space<vmem_shared>>
      %dma_start3A_62 = tpu.memref_squeeze %dma_start3A_61 : memref<1x1x128xf32, #tpu.memory_space<vmem_shared>> -> memref<128xf32, #tpu.memory_space<vmem_shared>>
      %dma_start3A_63 = arith.constant 0 : i32
      %dma_start3A_64 = tpu.memref_slice %arg13[%dma_start3A_63] : memref<256xf32, #tpu.memory_space<vmem>> -> memref<128xf32, #tpu.memory_space<vmem>>
      %dma_start3A_65 = arith.constant 0 : i32
      %dma_start3A_66 = tpu.memref_slice %arg16[%shift_right_arithmetic3A_3, %dma_start3A_57, %dma_start3A_65] : memref<2x256x128xf32, #tpu.memory_space<vmem_shared>> -> memref<1x1x128xf32, #tpu.memory_space<vmem_shared>>
      %dma_start3A_67 = tpu.memref_squeeze %dma_start3A_66 : memref<1x1x128xf32, #tpu.memory_space<vmem_shared>> -> memref<128xf32, #tpu.memory_space<vmem_shared>>
      tpu.enqueue_dma source(%dma_start3A_67 : memref<128xf32, #tpu.memory_space<vmem_shared>>) target(%dma_start3A_64 : memref<128xf32, #tpu.memory_space<vmem>>) target_semaphore(%arg18 : memref<!tpu.dma_semaphore, #tpu.memory_space<semaphore_mem>>)
      %lt3A_68 = arith.constant 4 : i32
      %lt3A_69 = vector.broadcast %lt3A_68 : i32 to vector<16xi32>
      %lt3A_70 = arith.cmpi slt, %iota3A, %lt3A_69 : vector<16xi32>
      %broadcast_in_dim3A = arith.constant 1.000000e+00 : f32
      %broadcast_in_dim3A_71 = vector.broadcast %broadcast_in_dim3A : f32 to vector<16xf32>
      %swap3A = arith.constant 0 : index
      %swap3A_72 = tpu.vector_load %arg11[%swap3A] {strides = array<i32>} : memref<256xf32, #tpu.memory_space<vmem>>, vector<16xf32>,
      tpu.vector_store %arg11[%swap3A], %broadcast_in_dim3A_71 {strides = array<i32>} : memref<256xf32, #tpu.memory_space<vmem>>, vector<16xf32>,
      %swap3A_73 = arith.constant 16 : index
      %swap3A_74 = tpu.vector_load %arg11[%swap3A_73] {strides = array<i32>} : memref<256xf32, #tpu.memory_space<vmem>>, vector<16xf32>,
      tpu.vector_store %arg11[%swap3A_73], %broadcast_in_dim3A_71 {strides = array<i32>} : memref<256xf32, #tpu.memory_space<vmem>>, vector<16xf32>,
      %swap3A_75 = arith.constant 32 : index
      %swap3A_76 = tpu.vector_load %arg11[%swap3A_75] {strides = array<i32>} : memref<256xf32, #tpu.memory_space<vmem>>, vector<16xf32>,
      tpu.vector_store %arg11[%swap3A_75], %broadcast_in_dim3A_71 {strides = array<i32>} : memref<256xf32, #tpu.memory_space<vmem>>, vector<16xf32>,
      %swap3A_77 = arith.constant 48 : index
      %swap3A_78 = tpu.vector_load %arg11[%swap3A_77] {strides = array<i32>} : memref<256xf32, #tpu.memory_space<vmem>>, vector<16xf32>,
      tpu.vector_store %arg11[%swap3A_77], %broadcast_in_dim3A_71 {strides = array<i32>} : memref<256xf32, #tpu.memory_space<vmem>>, vector<16xf32>,
      %swap3A_79 = arith.constant 64 : index
      %swap3A_80 = tpu.vector_load %arg11[%swap3A_79] {strides = array<i32>} : memref<256xf32, #tpu.memory_space<vmem>>, vector<16xf32>,
      tpu.vector_store %arg11[%swap3A_79], %broadcast_in_dim3A_71 {strides = array<i32>} : memref<256xf32, #tpu.memory_space<vmem>>, vector<16xf32>,
      %swap3A_81 = arith.constant 80 : index
      %swap3A_82 = tpu.vector_load %arg11[%swap3A_81] {strides = array<i32>} : memref<256xf32, #tpu.memory_space<vmem>>, vector<16xf32>,
      tpu.vector_store %arg11[%swap3A_81], %broadcast_in_dim3A_71 {strides = array<i32>} : memref<256xf32, #tpu.memory_space<vmem>>, vector<16xf32>,
      %swap3A_83 = arith.constant 96 : index
      %swap3A_84 = tpu.vector_load %arg11[%swap3A_83] {strides = array<i32>} : memref<256xf32, #tpu.memory_space<vmem>>, vector<16xf32>,
      tpu.vector_store %arg11[%swap3A_83], %broadcast_in_dim3A_71 {strides = array<i32>} : memref<256xf32, #tpu.memory_space<vmem>>, vector<16xf32>,
      %swap3A_85 = arith.constant 112 : index
      %swap3A_86 = tpu.vector_load %arg11[%swap3A_85] {strides = array<i32>} : memref<256xf32, #tpu.memory_space<vmem>>, vector<16xf32>,
      tpu.vector_store %arg11[%swap3A_85], %broadcast_in_dim3A_71 {strides = array<i32>} : memref<256xf32, #tpu.memory_space<vmem>>, vector<16xf32>,
      %swap3A_87 = arith.constant 128 : index
      %swap3A_88 = tpu.vector_load %arg11[%swap3A_87] {strides = array<i32>} : memref<256xf32, #tpu.memory_space<vmem>>, vector<16xf32>,
      tpu.vector_store %arg11[%swap3A_87], %broadcast_in_dim3A_71 {strides = array<i32>} : memref<256xf32, #tpu.memory_space<vmem>>, vector<16xf32>,
      %swap3A_89 = arith.constant 144 : index
      %swap3A_90 = tpu.vector_load %arg11[%swap3A_89] {strides = array<i32>} : memref<256xf32, #tpu.memory_space<vmem>>, vector<16xf32>,
      tpu.vector_store %arg11[%swap3A_89], %broadcast_in_dim3A_71 {strides = array<i32>} : memref<256xf32, #tpu.memory_space<vmem>>, vector<16xf32>,
      %swap3A_91 = arith.constant 160 : index
      %swap3A_92 = tpu.vector_load %arg11[%swap3A_91] {strides = array<i32>} : memref<256xf32, #tpu.memory_space<vmem>>, vector<16xf32>,
      tpu.vector_store %arg11[%swap3A_91], %broadcast_in_dim3A_71 {strides = array<i32>} : memref<256xf32, #tpu.memory_space<vmem>>, vector<16xf32>,
      %swap3A_93 = arith.constant 176 : index
      %swap3A_94 = tpu.vector_load %arg11[%swap3A_93] {strides = array<i32>} : memref<256xf32, #tpu.memory_space<vmem>>, vector<16xf32>,
      tpu.vector_store %arg11[%swap3A_93], %broadcast_in_dim3A_71 {strides = array<i32>} : memref<256xf32, #tpu.memory_space<vmem>>, vector<16xf32>,
      %swap3A_95 = arith.constant 192 : index
      %swap3A_96 = tpu.vector_load %arg11[%swap3A_95] {strides = array<i32>} : memref<256xf32, #tpu.memory_space<vmem>>, vector<16xf32>,
      tpu.vector_store %arg11[%swap3A_95], %broadcast_in_dim3A_71 {strides = array<i32>} : memref<256xf32, #tpu.memory_space<vmem>>, vector<16xf32>,
      %swap3A_97 = arith.constant 208 : index
      %swap3A_98 = tpu.vector_load %arg11[%swap3A_97] {strides = array<i32>} : memref<256xf32, #tpu.memory_space<vmem>>, vector<16xf32>,
      tpu.vector_store %arg11[%swap3A_97], %broadcast_in_dim3A_71 {strides = array<i32>} : memref<256xf32, #tpu.memory_space<vmem>>, vector<16xf32>,
      %swap3A_99 = arith.constant 224 : index
      %swap3A_100 = tpu.vector_load %arg11[%swap3A_99] {strides = array<i32>} : memref<256xf32, #tpu.memory_space<vmem>>, vector<16xf32>,
      tpu.vector_store %arg11[%swap3A_99], %broadcast_in_dim3A_71 {strides = array<i32>} : memref<256xf32, #tpu.memory_space<vmem>>, vector<16xf32>,
      %swap3A_101 = arith.constant 240 : index
      %swap3A_102 = tpu.vector_load %arg11[%swap3A_101] {strides = array<i32>} : memref<256xf32, #tpu.memory_space<vmem>>, vector<16xf32>,
      tpu.vector_store %arg11[%swap3A_101], %broadcast_in_dim3A_71 {strides = array<i32>} : memref<256xf32, #tpu.memory_space<vmem>>, vector<16xf32>,
      %scan3A = arith.constant 0 : i32
      %scan3A_103 = arith.constant 0 : i32
      %scan3A_104 = arith.constant 768 : i32
      %scan3A_105 = arith.addi %scan3A_103, %scan3A_104 : i32
      %scan3A_106 = arith.constant 1 : i32
      scf.for %scan3A_168 = %scan3A_103 to %scan3A_105 step %scan3A_106  : i32 {
        %and3A = arith.constant 255 : i32
        %and3A_169 = arith.andi %scan3A_168, %and3A : i32
        %and3A_170 = arith.constant 1 : i32
        %and3A_171 = arith.andi %scan3A_168, %and3A_170 : i32
        %sub3A = arith.constant 1 : i32
        %sub3A_172 = arith.subi %sub3A, %and3A_171 : i32
        %add3A_173 = arith.constant 1 : i32
        %add3A_174 = arith.addi %scan3A_168, %add3A_173 : i32
        %and3A_175 = arith.constant 255 : i32
        %and3A_176 = arith.andi %add3A_174, %and3A_175 : i32
        %broadcast_in_dim3A_177 = vector.broadcast %and3A_169 : i32 to vector<16xi32>
        %mul3A_178 = arith.constant 257 : i32
        %mul3A_179 = vector.broadcast %mul3A_178 : i32 to vector<16xi32>
        %mul3A_180 = arith.muli %iota3A, %mul3A_179 : vector<16xi32>
        %add3A_181 = arith.constant 0 : i32
        %add3A_182 = arith.addi %add3A_181, %and3A_169 : i32
        %add3A_183 = vector.broadcast %add3A_182 : i32 to vector<16xi32>
        %add3A_184 = arith.addi %mul3A_180, %add3A_183 : vector<16xi32>
        %gather3A = tpu.vector_load_idx %arg8[%add3A_184] : memref<65792xf32, #tpu.memory_space<vmem>>[vector<16xi32>], vector<16xf32>,
        %get3A = arith.constant 0 : index
        %get3A_185 = tpu.vector_load %arg10[%get3A] {strides = array<i32>} : memref<256xf32, #tpu.memory_space<vmem>>, vector<16xf32>,
        %get3A_186 = arith.constant 0 : index
        %get3A_187 = tpu.vector_load %arg11[%get3A_186] {strides = array<i32>} : memref<256xf32, #tpu.memory_space<vmem>>, vector<16xf32>,
        %mul3A_188 = arith.mulf %get3A_187, %gather3A : vector<16xf32>
        %mul3A_189 = arith.constant 2.000000e+00 : f32
        %mul3A_190 = vector.broadcast %mul3A_189 : f32 to vector<16xf32>
        %mul3A_191 = arith.mulf %mul3A_190, %mul3A_188 : vector<16xf32>
        %sub3A_192 = arith.subf %get3A_185, %mul3A_191 : vector<16xf32>
        %bitcast3A = vector.bitcast %sub3A_192 : vector<16xf32> to vector<16xi32>
        %shift_right_arithmetic3A_193 = arith.constant 31 : i32
        %shift_right_arithmetic3A_194 = vector.broadcast %shift_right_arithmetic3A_193 : i32 to vector<16xi32>
        %shift_right_arithmetic3A_195 = arith.shrsi %bitcast3A, %shift_right_arithmetic3A_194 : vector<16xi32>
        %and3A_196 = arith.constant 2147483647 : i32
        %and3A_197 = vector.broadcast %and3A_196 : i32 to vector<16xi32>
        %and3A_198 = arith.andi %shift_right_arithmetic3A_195, %and3A_197 : vector<16xi32>
        %xor3A = arith.xori %bitcast3A, %and3A_198 : vector<16xi32>
        %and3A_199 = arith.constant -256 : i32
        %and3A_200 = vector.broadcast %and3A_199 : i32 to vector<16xi32>
        %and3A_201 = arith.andi %xor3A, %and3A_200 : vector<16xi32>
        %add3A_202 = arith.constant 0 : i32
        %add3A_203 = vector.broadcast %add3A_202 : i32 to vector<16xi32>
        %add3A_204 = arith.addi %iota3A, %add3A_203 : vector<16xi32>
        %or3A = arith.ori %and3A_201, %add3A_204 : vector<16xi32>
        %add3A_205 = arith.constant 4112 : i32
        %add3A_206 = arith.addi %add3A_205, %and3A_169 : i32
        %add3A_207 = vector.broadcast %add3A_206 : i32 to vector<16xi32>
        %add3A_208 = arith.addi %mul3A_180, %add3A_207 : vector<16xi32>
        %gather3A_209 = tpu.vector_load_idx %arg8[%add3A_208] : memref<65792xf32, #tpu.memory_space<vmem>>[vector<16xi32>], vector<16xf32>,
        %get3A_210 = arith.constant 16 : index
        %get3A_211 = tpu.vector_load %arg10[%get3A_210] {strides = array<i32>} : memref<256xf32, #tpu.memory_space<vmem>>, vector<16xf32>,
        %get3A_212 = arith.constant 16 : index
        %get3A_213 = tpu.vector_load %arg11[%get3A_212] {strides = array<i32>} : memref<256xf32, #tpu.memory_space<vmem>>, vector<16xf32>,
        %mul3A_214 = arith.mulf %get3A_213, %gather3A_209 : vector<16xf32>
        %mul3A_215 = arith.constant 2.000000e+00 : f32
        %mul3A_216 = vector.broadcast %mul3A_215 : f32 to vector<16xf32>
        %mul3A_217 = arith.mulf %mul3A_216, %mul3A_214 : vector<16xf32>
        %sub3A_218 = arith.subf %get3A_211, %mul3A_217 : vector<16xf32>
        %bitcast3A_219 = vector.bitcast %sub3A_218 : vector<16xf32> to vector<16xi32>
        %shift_right_arithmetic3A_220 = arith.constant 31 : i32
        %shift_right_arithmetic3A_221 = vector.broadcast %shift_right_arithmetic3A_220 : i32 to vector<16xi32>
        %shift_right_arithmetic3A_222 = arith.shrsi %bitcast3A_219, %shift_right_arithmetic3A_221 : vector<16xi32>
        %and3A_223 = arith.constant 2147483647 : i32
        %and3A_224 = vector.broadcast %and3A_223 : i32 to vector<16xi32>
        %and3A_225 = arith.andi %shift_right_arithmetic3A_222, %and3A_224 : vector<16xi32>
        %xor3A_226 = arith.xori %bitcast3A_219, %and3A_225 : vector<16xi32>
        %and3A_227 = arith.constant -256 : i32
        %and3A_228 = vector.broadcast %and3A_227 : i32 to vector<16xi32>
        %and3A_229 = arith.andi %xor3A_226, %and3A_228 : vector<16xi32>
        %add3A_230 = arith.constant 16 : i32
        %add3A_231 = vector.broadcast %add3A_230 : i32 to vector<16xi32>
        %add3A_232 = arith.addi %iota3A, %add3A_231 : vector<16xi32>
        %or3A_233 = arith.ori %and3A_229, %add3A_232 : vector<16xi32>
        %add3A_234 = arith.constant 8224 : i32
        %add3A_235 = arith.addi %add3A_234, %and3A_169 : i32
        %add3A_236 = vector.broadcast %add3A_235 : i32 to vector<16xi32>
        %add3A_237 = arith.addi %mul3A_180, %add3A_236 : vector<16xi32>
        %gather3A_238 = tpu.vector_load_idx %arg8[%add3A_237] : memref<65792xf32, #tpu.memory_space<vmem>>[vector<16xi32>], vector<16xf32>,
        %get3A_239 = arith.constant 32 : index
        %get3A_240 = tpu.vector_load %arg10[%get3A_239] {strides = array<i32>} : memref<256xf32, #tpu.memory_space<vmem>>, vector<16xf32>,
        %get3A_241 = arith.constant 32 : index
        %get3A_242 = tpu.vector_load %arg11[%get3A_241] {strides = array<i32>} : memref<256xf32, #tpu.memory_space<vmem>>, vector<16xf32>,
        %mul3A_243 = arith.mulf %get3A_242, %gather3A_238 : vector<16xf32>
        %mul3A_244 = arith.constant 2.000000e+00 : f32
        %mul3A_245 = vector.broadcast %mul3A_244 : f32 to vector<16xf32>
        %mul3A_246 = arith.mulf %mul3A_245, %mul3A_243 : vector<16xf32>
        %sub3A_247 = arith.subf %get3A_240, %mul3A_246 : vector<16xf32>
        %bitcast3A_248 = vector.bitcast %sub3A_247 : vector<16xf32> to vector<16xi32>
        %shift_right_arithmetic3A_249 = arith.constant 31 : i32
        %shift_right_arithmetic3A_250 = vector.broadcast %shift_right_arithmetic3A_249 : i32 to vector<16xi32>
        %shift_right_arithmetic3A_251 = arith.shrsi %bitcast3A_248, %shift_right_arithmetic3A_250 : vector<16xi32>
        %and3A_252 = arith.constant 2147483647 : i32
        %and3A_253 = vector.broadcast %and3A_252 : i32 to vector<16xi32>
        %and3A_254 = arith.andi %shift_right_arithmetic3A_251, %and3A_253 : vector<16xi32>
        %xor3A_255 = arith.xori %bitcast3A_248, %and3A_254 : vector<16xi32>
        %and3A_256 = arith.constant -256 : i32
        %and3A_257 = vector.broadcast %and3A_256 : i32 to vector<16xi32>
        %and3A_258 = arith.andi %xor3A_255, %and3A_257 : vector<16xi32>
        %add3A_259 = arith.constant 32 : i32
        %add3A_260 = vector.broadcast %add3A_259 : i32 to vector<16xi32>
        %add3A_261 = arith.addi %iota3A, %add3A_260 : vector<16xi32>
        %or3A_262 = arith.ori %and3A_258, %add3A_261 : vector<16xi32>
        %add3A_263 = arith.constant 12336 : i32
        %add3A_264 = arith.addi %add3A_263, %and3A_169 : i32
        %add3A_265 = vector.broadcast %add3A_264 : i32 to vector<16xi32>
        %add3A_266 = arith.addi %mul3A_180, %add3A_265 : vector<16xi32>
        %gather3A_267 = tpu.vector_load_idx %arg8[%add3A_266] : memref<65792xf32, #tpu.memory_space<vmem>>[vector<16xi32>], vector<16xf32>,
        %get3A_268 = arith.constant 48 : index
        %get3A_269 = tpu.vector_load %arg10[%get3A_268] {strides = array<i32>} : memref<256xf32, #tpu.memory_space<vmem>>, vector<16xf32>,
        %get3A_270 = arith.constant 48 : index
        %get3A_271 = tpu.vector_load %arg11[%get3A_270] {strides = array<i32>} : memref<256xf32, #tpu.memory_space<vmem>>, vector<16xf32>,
        %mul3A_272 = arith.mulf %get3A_271, %gather3A_267 : vector<16xf32>
        %mul3A_273 = arith.constant 2.000000e+00 : f32
        %mul3A_274 = vector.broadcast %mul3A_273 : f32 to vector<16xf32>
        %mul3A_275 = arith.mulf %mul3A_274, %mul3A_272 : vector<16xf32>
        %sub3A_276 = arith.subf %get3A_269, %mul3A_275 : vector<16xf32>
        %bitcast3A_277 = vector.bitcast %sub3A_276 : vector<16xf32> to vector<16xi32>
        %shift_right_arithmetic3A_278 = arith.constant 31 : i32
        %shift_right_arithmetic3A_279 = vector.broadcast %shift_right_arithmetic3A_278 : i32 to vector<16xi32>
        %shift_right_arithmetic3A_280 = arith.shrsi %bitcast3A_277, %shift_right_arithmetic3A_279 : vector<16xi32>
        %and3A_281 = arith.constant 2147483647 : i32
        %and3A_282 = vector.broadcast %and3A_281 : i32 to vector<16xi32>
        %and3A_283 = arith.andi %shift_right_arithmetic3A_280, %and3A_282 : vector<16xi32>
        %xor3A_284 = arith.xori %bitcast3A_277, %and3A_283 : vector<16xi32>
        %and3A_285 = arith.constant -256 : i32
        %and3A_286 = vector.broadcast %and3A_285 : i32 to vector<16xi32>
        %and3A_287 = arith.andi %xor3A_284, %and3A_286 : vector<16xi32>
        %add3A_288 = arith.constant 48 : i32
        %add3A_289 = vector.broadcast %add3A_288 : i32 to vector<16xi32>
        %add3A_290 = arith.addi %iota3A, %add3A_289 : vector<16xi32>
        %or3A_291 = arith.ori %and3A_287, %add3A_290 : vector<16xi32>
        %add3A_292 = arith.constant 16448 : i32
        %add3A_293 = arith.addi %add3A_292, %and3A_169 : i32
        %add3A_294 = vector.broadcast %add3A_293 : i32 to vector<16xi32>
        %add3A_295 = arith.addi %mul3A_180, %add3A_294 : vector<16xi32>
        %gather3A_296 = tpu.vector_load_idx %arg8[%add3A_295] : memref<65792xf32, #tpu.memory_space<vmem>>[vector<16xi32>], vector<16xf32>,
        %get3A_297 = arith.constant 64 : index
        %get3A_298 = tpu.vector_load %arg10[%get3A_297] {strides = array<i32>} : memref<256xf32, #tpu.memory_space<vmem>>, vector<16xf32>,
        %get3A_299 = arith.constant 64 : index
        %get3A_300 = tpu.vector_load %arg11[%get3A_299] {strides = array<i32>} : memref<256xf32, #tpu.memory_space<vmem>>, vector<16xf32>,
        %mul3A_301 = arith.mulf %get3A_300, %gather3A_296 : vector<16xf32>
        %mul3A_302 = arith.constant 2.000000e+00 : f32
        %mul3A_303 = vector.broadcast %mul3A_302 : f32 to vector<16xf32>
        %mul3A_304 = arith.mulf %mul3A_303, %mul3A_301 : vector<16xf32>
        %sub3A_305 = arith.subf %get3A_298, %mul3A_304 : vector<16xf32>
        %bitcast3A_306 = vector.bitcast %sub3A_305 : vector<16xf32> to vector<16xi32>
        %shift_right_arithmetic3A_307 = arith.constant 31 : i32
        %shift_right_arithmetic3A_308 = vector.broadcast %shift_right_arithmetic3A_307 : i32 to vector<16xi32>
        %shift_right_arithmetic3A_309 = arith.shrsi %bitcast3A_306, %shift_right_arithmetic3A_308 : vector<16xi32>
        %and3A_310 = arith.constant 2147483647 : i32
        %and3A_311 = vector.broadcast %and3A_310 : i32 to vector<16xi32>
        %and3A_312 = arith.andi %shift_right_arithmetic3A_309, %and3A_311 : vector<16xi32>
        %xor3A_313 = arith.xori %bitcast3A_306, %and3A_312 : vector<16xi32>
        %and3A_314 = arith.constant -256 : i32
        %and3A_315 = vector.broadcast %and3A_314 : i32 to vector<16xi32>
        %and3A_316 = arith.andi %xor3A_313, %and3A_315 : vector<16xi32>
        %add3A_317 = arith.constant 64 : i32
        %add3A_318 = vector.broadcast %add3A_317 : i32 to vector<16xi32>
        %add3A_319 = arith.addi %iota3A, %add3A_318 : vector<16xi32>
        %or3A_320 = arith.ori %and3A_316, %add3A_319 : vector<16xi32>
        %add3A_321 = arith.constant 20560 : i32
        %add3A_322 = arith.addi %add3A_321, %and3A_169 : i32
        %add3A_323 = vector.broadcast %add3A_322 : i32 to vector<16xi32>
        %add3A_324 = arith.addi %mul3A_180, %add3A_323 : vector<16xi32>
        %gather3A_325 = tpu.vector_load_idx %arg8[%add3A_324] : memref<65792xf32, #tpu.memory_space<vmem>>[vector<16xi32>], vector<16xf32>,
        %get3A_326 = arith.constant 80 : index
        %get3A_327 = tpu.vector_load %arg10[%get3A_326] {strides = array<i32>} : memref<256xf32, #tpu.memory_space<vmem>>, vector<16xf32>,
        %get3A_328 = arith.constant 80 : index
        %get3A_329 = tpu.vector_load %arg11[%get3A_328] {strides = array<i32>} : memref<256xf32, #tpu.memory_space<vmem>>, vector<16xf32>,
        %mul3A_330 = arith.mulf %get3A_329, %gather3A_325 : vector<16xf32>
        %mul3A_331 = arith.constant 2.000000e+00 : f32
        %mul3A_332 = vector.broadcast %mul3A_331 : f32 to vector<16xf32>
        %mul3A_333 = arith.mulf %mul3A_332, %mul3A_330 : vector<16xf32>
        %sub3A_334 = arith.subf %get3A_327, %mul3A_333 : vector<16xf32>
        %bitcast3A_335 = vector.bitcast %sub3A_334 : vector<16xf32> to vector<16xi32>
        %shift_right_arithmetic3A_336 = arith.constant 31 : i32
        %shift_right_arithmetic3A_337 = vector.broadcast %shift_right_arithmetic3A_336 : i32 to vector<16xi32>
        %shift_right_arithmetic3A_338 = arith.shrsi %bitcast3A_335, %shift_right_arithmetic3A_337 : vector<16xi32>
        %and3A_339 = arith.constant 2147483647 : i32
        %and3A_340 = vector.broadcast %and3A_339 : i32 to vector<16xi32>
        %and3A_341 = arith.andi %shift_right_arithmetic3A_338, %and3A_340 : vector<16xi32>
        %xor3A_342 = arith.xori %bitcast3A_335, %and3A_341 : vector<16xi32>
        %and3A_343 = arith.constant -256 : i32
        %and3A_344 = vector.broadcast %and3A_343 : i32 to vector<16xi32>
        %and3A_345 = arith.andi %xor3A_342, %and3A_344 : vector<16xi32>
        %add3A_346 = arith.constant 80 : i32
        %add3A_347 = vector.broadcast %add3A_346 : i32 to vector<16xi32>
        %add3A_348 = arith.addi %iota3A, %add3A_347 : vector<16xi32>
        %or3A_349 = arith.ori %and3A_345, %add3A_348 : vector<16xi32>
        %add3A_350 = arith.constant 24672 : i32
        %add3A_351 = arith.addi %add3A_350, %and3A_169 : i32
        %add3A_352 = vector.broadcast %add3A_351 : i32 to vector<16xi32>
        %add3A_353 = arith.addi %mul3A_180, %add3A_352 : vector<16xi32>
        %gather3A_354 = tpu.vector_load_idx %arg8[%add3A_353] : memref<65792xf32, #tpu.memory_space<vmem>>[vector<16xi32>], vector<16xf32>,
        %get3A_355 = arith.constant 96 : index
        %get3A_356 = tpu.vector_load %arg10[%get3A_355] {strides = array<i32>} : memref<256xf32, #tpu.memory_space<vmem>>, vector<16xf32>,
        %get3A_357 = arith.constant 96 : index
        %get3A_358 = tpu.vector_load %arg11[%get3A_357] {strides = array<i32>} : memref<256xf32, #tpu.memory_space<vmem>>, vector<16xf32>,
        %mul3A_359 = arith.mulf %get3A_358, %gather3A_354 : vector<16xf32>
        %mul3A_360 = arith.constant 2.000000e+00 : f32
        %mul3A_361 = vector.broadcast %mul3A_360 : f32 to vector<16xf32>
        %mul3A_362 = arith.mulf %mul3A_361, %mul3A_359 : vector<16xf32>
        %sub3A_363 = arith.subf %get3A_356, %mul3A_362 : vector<16xf32>
        %bitcast3A_364 = vector.bitcast %sub3A_363 : vector<16xf32> to vector<16xi32>
        %shift_right_arithmetic3A_365 = arith.constant 31 : i32
        %shift_right_arithmetic3A_366 = vector.broadcast %shift_right_arithmetic3A_365 : i32 to vector<16xi32>
        %shift_right_arithmetic3A_367 = arith.shrsi %bitcast3A_364, %shift_right_arithmetic3A_366 : vector<16xi32>
        %and3A_368 = arith.constant 2147483647 : i32
        %and3A_369 = vector.broadcast %and3A_368 : i32 to vector<16xi32>
        %and3A_370 = arith.andi %shift_right_arithmetic3A_367, %and3A_369 : vector<16xi32>
        %xor3A_371 = arith.xori %bitcast3A_364, %and3A_370 : vector<16xi32>
        %and3A_372 = arith.constant -256 : i32
        %and3A_373 = vector.broadcast %and3A_372 : i32 to vector<16xi32>
        %and3A_374 = arith.andi %xor3A_371, %and3A_373 : vector<16xi32>
        %add3A_375 = arith.constant 96 : i32
        %add3A_376 = vector.broadcast %add3A_375 : i32 to vector<16xi32>
        %add3A_377 = arith.addi %iota3A, %add3A_376 : vector<16xi32>
        %or3A_378 = arith.ori %and3A_374, %add3A_377 : vector<16xi32>
        %add3A_379 = arith.constant 28784 : i32
        %add3A_380 = arith.addi %add3A_379, %and3A_169 : i32
        %add3A_381 = vector.broadcast %add3A_380 : i32 to vector<16xi32>
        %add3A_382 = arith.addi %mul3A_180, %add3A_381 : vector<16xi32>
        %gather3A_383 = tpu.vector_load_idx %arg8[%add3A_382] : memref<65792xf32, #tpu.memory_space<vmem>>[vector<16xi32>], vector<16xf32>,
        %get3A_384 = arith.constant 112 : index
        %get3A_385 = tpu.vector_load %arg10[%get3A_384] {strides = array<i32>} : memref<256xf32, #tpu.memory_space<vmem>>, vector<16xf32>,
        %get3A_386 = arith.constant 112 : index
        %get3A_387 = tpu.vector_load %arg11[%get3A_386] {strides = array<i32>} : memref<256xf32, #tpu.memory_space<vmem>>, vector<16xf32>,
        %mul3A_388 = arith.mulf %get3A_387, %gather3A_383 : vector<16xf32>
        %mul3A_389 = arith.constant 2.000000e+00 : f32
        %mul3A_390 = vector.broadcast %mul3A_389 : f32 to vector<16xf32>
        %mul3A_391 = arith.mulf %mul3A_390, %mul3A_388 : vector<16xf32>
        %sub3A_392 = arith.subf %get3A_385, %mul3A_391 : vector<16xf32>
        %bitcast3A_393 = vector.bitcast %sub3A_392 : vector<16xf32> to vector<16xi32>
        %shift_right_arithmetic3A_394 = arith.constant 31 : i32
        %shift_right_arithmetic3A_395 = vector.broadcast %shift_right_arithmetic3A_394 : i32 to vector<16xi32>
        %shift_right_arithmetic3A_396 = arith.shrsi %bitcast3A_393, %shift_right_arithmetic3A_395 : vector<16xi32>
        %and3A_397 = arith.constant 2147483647 : i32
        %and3A_398 = vector.broadcast %and3A_397 : i32 to vector<16xi32>
        %and3A_399 = arith.andi %shift_right_arithmetic3A_396, %and3A_398 : vector<16xi32>
        %xor3A_400 = arith.xori %bitcast3A_393, %and3A_399 : vector<16xi32>
        %and3A_401 = arith.constant -256 : i32
        %and3A_402 = vector.broadcast %and3A_401 : i32 to vector<16xi32>
        %and3A_403 = arith.andi %xor3A_400, %and3A_402 : vector<16xi32>
        %add3A_404 = arith.constant 112 : i32
        %add3A_405 = vector.broadcast %add3A_404 : i32 to vector<16xi32>
        %add3A_406 = arith.addi %iota3A, %add3A_405 : vector<16xi32>
        %or3A_407 = arith.ori %and3A_403, %add3A_406 : vector<16xi32>
        %add3A_408 = arith.constant 32896 : i32
        %add3A_409 = arith.addi %add3A_408, %and3A_169 : i32
        %add3A_410 = vector.broadcast %add3A_409 : i32 to vector<16xi32>
        %add3A_411 = arith.addi %mul3A_180, %add3A_410 : vector<16xi32>
        %gather3A_412 = tpu.vector_load_idx %arg8[%add3A_411] : memref<65792xf32, #tpu.memory_space<vmem>>[vector<16xi32>], vector<16xf32>,
        %get3A_413 = arith.constant 128 : index
        %get3A_414 = tpu.vector_load %arg10[%get3A_413] {strides = array<i32>} : memref<256xf32, #tpu.memory_space<vmem>>, vector<16xf32>,
        %get3A_415 = arith.constant 128 : index
        %get3A_416 = tpu.vector_load %arg11[%get3A_415] {strides = array<i32>} : memref<256xf32, #tpu.memory_space<vmem>>, vector<16xf32>,
        %mul3A_417 = arith.mulf %get3A_416, %gather3A_412 : vector<16xf32>
        %mul3A_418 = arith.constant 2.000000e+00 : f32
        %mul3A_419 = vector.broadcast %mul3A_418 : f32 to vector<16xf32>
        %mul3A_420 = arith.mulf %mul3A_419, %mul3A_417 : vector<16xf32>
        %sub3A_421 = arith.subf %get3A_414, %mul3A_420 : vector<16xf32>
        %bitcast3A_422 = vector.bitcast %sub3A_421 : vector<16xf32> to vector<16xi32>
        %shift_right_arithmetic3A_423 = arith.constant 31 : i32
        %shift_right_arithmetic3A_424 = vector.broadcast %shift_right_arithmetic3A_423 : i32 to vector<16xi32>
        %shift_right_arithmetic3A_425 = arith.shrsi %bitcast3A_422, %shift_right_arithmetic3A_424 : vector<16xi32>
        %and3A_426 = arith.constant 2147483647 : i32
        %and3A_427 = vector.broadcast %and3A_426 : i32 to vector<16xi32>
        %and3A_428 = arith.andi %shift_right_arithmetic3A_425, %and3A_427 : vector<16xi32>
        %xor3A_429 = arith.xori %bitcast3A_422, %and3A_428 : vector<16xi32>
        %and3A_430 = arith.constant -256 : i32
        %and3A_431 = vector.broadcast %and3A_430 : i32 to vector<16xi32>
        %and3A_432 = arith.andi %xor3A_429, %and3A_431 : vector<16xi32>
        %add3A_433 = arith.constant 128 : i32
        %add3A_434 = vector.broadcast %add3A_433 : i32 to vector<16xi32>
        %add3A_435 = arith.addi %iota3A, %add3A_434 : vector<16xi32>
        %or3A_436 = arith.ori %and3A_432, %add3A_435 : vector<16xi32>
        %add3A_437 = arith.constant 37008 : i32
        %add3A_438 = arith.addi %add3A_437, %and3A_169 : i32
        %add3A_439 = vector.broadcast %add3A_438 : i32 to vector<16xi32>
        %add3A_440 = arith.addi %mul3A_180, %add3A_439 : vector<16xi32>
        %gather3A_441 = tpu.vector_load_idx %arg8[%add3A_440] : memref<65792xf32, #tpu.memory_space<vmem>>[vector<16xi32>], vector<16xf32>,
        %get3A_442 = arith.constant 144 : index
        %get3A_443 = tpu.vector_load %arg10[%get3A_442] {strides = array<i32>} : memref<256xf32, #tpu.memory_space<vmem>>, vector<16xf32>,
        %get3A_444 = arith.constant 144 : index
        %get3A_445 = tpu.vector_load %arg11[%get3A_444] {strides = array<i32>} : memref<256xf32, #tpu.memory_space<vmem>>, vector<16xf32>,
        %mul3A_446 = arith.mulf %get3A_445, %gather3A_441 : vector<16xf32>
        %mul3A_447 = arith.constant 2.000000e+00 : f32
        %mul3A_448 = vector.broadcast %mul3A_447 : f32 to vector<16xf32>
        %mul3A_449 = arith.mulf %mul3A_448, %mul3A_446 : vector<16xf32>
        %sub3A_450 = arith.subf %get3A_443, %mul3A_449 : vector<16xf32>
        %bitcast3A_451 = vector.bitcast %sub3A_450 : vector<16xf32> to vector<16xi32>
        %shift_right_arithmetic3A_452 = arith.constant 31 : i32
        %shift_right_arithmetic3A_453 = vector.broadcast %shift_right_arithmetic3A_452 : i32 to vector<16xi32>
        %shift_right_arithmetic3A_454 = arith.shrsi %bitcast3A_451, %shift_right_arithmetic3A_453 : vector<16xi32>
        %and3A_455 = arith.constant 2147483647 : i32
        %and3A_456 = vector.broadcast %and3A_455 : i32 to vector<16xi32>
        %and3A_457 = arith.andi %shift_right_arithmetic3A_454, %and3A_456 : vector<16xi32>
        %xor3A_458 = arith.xori %bitcast3A_451, %and3A_457 : vector<16xi32>
        %and3A_459 = arith.constant -256 : i32
        %and3A_460 = vector.broadcast %and3A_459 : i32 to vector<16xi32>
        %and3A_461 = arith.andi %xor3A_458, %and3A_460 : vector<16xi32>
        %add3A_462 = arith.constant 144 : i32
        %add3A_463 = vector.broadcast %add3A_462 : i32 to vector<16xi32>
        %add3A_464 = arith.addi %iota3A, %add3A_463 : vector<16xi32>
        %or3A_465 = arith.ori %and3A_461, %add3A_464 : vector<16xi32>
        %add3A_466 = arith.constant 41120 : i32
        %add3A_467 = arith.addi %add3A_466, %and3A_169 : i32
        %add3A_468 = vector.broadcast %add3A_467 : i32 to vector<16xi32>
        %add3A_469 = arith.addi %mul3A_180, %add3A_468 : vector<16xi32>
        %gather3A_470 = tpu.vector_load_idx %arg8[%add3A_469] : memref<65792xf32, #tpu.memory_space<vmem>>[vector<16xi32>], vector<16xf32>,
        %get3A_471 = arith.constant 160 : index
        %get3A_472 = tpu.vector_load %arg10[%get3A_471] {strides = array<i32>} : memref<256xf32, #tpu.memory_space<vmem>>, vector<16xf32>,
        %get3A_473 = arith.constant 160 : index
        %get3A_474 = tpu.vector_load %arg11[%get3A_473] {strides = array<i32>} : memref<256xf32, #tpu.memory_space<vmem>>, vector<16xf32>,
        %mul3A_475 = arith.mulf %get3A_474, %gather3A_470 : vector<16xf32>
        %mul3A_476 = arith.constant 2.000000e+00 : f32
        %mul3A_477 = vector.broadcast %mul3A_476 : f32 to vector<16xf32>
        %mul3A_478 = arith.mulf %mul3A_477, %mul3A_475 : vector<16xf32>
        %sub3A_479 = arith.subf %get3A_472, %mul3A_478 : vector<16xf32>
        %bitcast3A_480 = vector.bitcast %sub3A_479 : vector<16xf32> to vector<16xi32>
        %shift_right_arithmetic3A_481 = arith.constant 31 : i32
        %shift_right_arithmetic3A_482 = vector.broadcast %shift_right_arithmetic3A_481 : i32 to vector<16xi32>
        %shift_right_arithmetic3A_483 = arith.shrsi %bitcast3A_480, %shift_right_arithmetic3A_482 : vector<16xi32>
        %and3A_484 = arith.constant 2147483647 : i32
        %and3A_485 = vector.broadcast %and3A_484 : i32 to vector<16xi32>
        %and3A_486 = arith.andi %shift_right_arithmetic3A_483, %and3A_485 : vector<16xi32>
        %xor3A_487 = arith.xori %bitcast3A_480, %and3A_486 : vector<16xi32>
        %and3A_488 = arith.constant -256 : i32
        %and3A_489 = vector.broadcast %and3A_488 : i32 to vector<16xi32>
        %and3A_490 = arith.andi %xor3A_487, %and3A_489 : vector<16xi32>
        %add3A_491 = arith.constant 160 : i32
        %add3A_492 = vector.broadcast %add3A_491 : i32 to vector<16xi32>
        %add3A_493 = arith.addi %iota3A, %add3A_492 : vector<16xi32>
        %or3A_494 = arith.ori %and3A_490, %add3A_493 : vector<16xi32>
        %add3A_495 = arith.constant 45232 : i32
        %add3A_496 = arith.addi %add3A_495, %and3A_169 : i32
        %add3A_497 = vector.broadcast %add3A_496 : i32 to vector<16xi32>
        %add3A_498 = arith.addi %mul3A_180, %add3A_497 : vector<16xi32>
        %gather3A_499 = tpu.vector_load_idx %arg8[%add3A_498] : memref<65792xf32, #tpu.memory_space<vmem>>[vector<16xi32>], vector<16xf32>,
        %get3A_500 = arith.constant 176 : index
        %get3A_501 = tpu.vector_load %arg10[%get3A_500] {strides = array<i32>} : memref<256xf32, #tpu.memory_space<vmem>>, vector<16xf32>,
        %get3A_502 = arith.constant 176 : index
        %get3A_503 = tpu.vector_load %arg11[%get3A_502] {strides = array<i32>} : memref<256xf32, #tpu.memory_space<vmem>>, vector<16xf32>,
        %mul3A_504 = arith.mulf %get3A_503, %gather3A_499 : vector<16xf32>
        %mul3A_505 = arith.constant 2.000000e+00 : f32
        %mul3A_506 = vector.broadcast %mul3A_505 : f32 to vector<16xf32>
        %mul3A_507 = arith.mulf %mul3A_506, %mul3A_504 : vector<16xf32>
        %sub3A_508 = arith.subf %get3A_501, %mul3A_507 : vector<16xf32>
        %bitcast3A_509 = vector.bitcast %sub3A_508 : vector<16xf32> to vector<16xi32>
        %shift_right_arithmetic3A_510 = arith.constant 31 : i32
        %shift_right_arithmetic3A_511 = vector.broadcast %shift_right_arithmetic3A_510 : i32 to vector<16xi32>
        %shift_right_arithmetic3A_512 = arith.shrsi %bitcast3A_509, %shift_right_arithmetic3A_511 : vector<16xi32>
        %and3A_513 = arith.constant 2147483647 : i32
        %and3A_514 = vector.broadcast %and3A_513 : i32 to vector<16xi32>
        %and3A_515 = arith.andi %shift_right_arithmetic3A_512, %and3A_514 : vector<16xi32>
        %xor3A_516 = arith.xori %bitcast3A_509, %and3A_515 : vector<16xi32>
        %and3A_517 = arith.constant -256 : i32
        %and3A_518 = vector.broadcast %and3A_517 : i32 to vector<16xi32>
        %and3A_519 = arith.andi %xor3A_516, %and3A_518 : vector<16xi32>
        %add3A_520 = arith.constant 176 : i32
        %add3A_521 = vector.broadcast %add3A_520 : i32 to vector<16xi32>
        %add3A_522 = arith.addi %iota3A, %add3A_521 : vector<16xi32>
        %or3A_523 = arith.ori %and3A_519, %add3A_522 : vector<16xi32>
        %add3A_524 = arith.constant 49344 : i32
        %add3A_525 = arith.addi %add3A_524, %and3A_169 : i32
        %add3A_526 = vector.broadcast %add3A_525 : i32 to vector<16xi32>
        %add3A_527 = arith.addi %mul3A_180, %add3A_526 : vector<16xi32>
        %gather3A_528 = tpu.vector_load_idx %arg8[%add3A_527] : memref<65792xf32, #tpu.memory_space<vmem>>[vector<16xi32>], vector<16xf32>,
        %get3A_529 = arith.constant 192 : index
        %get3A_530 = tpu.vector_load %arg10[%get3A_529] {strides = array<i32>} : memref<256xf32, #tpu.memory_space<vmem>>, vector<16xf32>,
        %get3A_531 = arith.constant 192 : index
        %get3A_532 = tpu.vector_load %arg11[%get3A_531] {strides = array<i32>} : memref<256xf32, #tpu.memory_space<vmem>>, vector<16xf32>,
        %mul3A_533 = arith.mulf %get3A_532, %gather3A_528 : vector<16xf32>
        %mul3A_534 = arith.constant 2.000000e+00 : f32
        %mul3A_535 = vector.broadcast %mul3A_534 : f32 to vector<16xf32>
        %mul3A_536 = arith.mulf %mul3A_535, %mul3A_533 : vector<16xf32>
        %sub3A_537 = arith.subf %get3A_530, %mul3A_536 : vector<16xf32>
        %bitcast3A_538 = vector.bitcast %sub3A_537 : vector<16xf32> to vector<16xi32>
        %shift_right_arithmetic3A_539 = arith.constant 31 : i32
        %shift_right_arithmetic3A_540 = vector.broadcast %shift_right_arithmetic3A_539 : i32 to vector<16xi32>
        %shift_right_arithmetic3A_541 = arith.shrsi %bitcast3A_538, %shift_right_arithmetic3A_540 : vector<16xi32>
        %and3A_542 = arith.constant 2147483647 : i32
        %and3A_543 = vector.broadcast %and3A_542 : i32 to vector<16xi32>
        %and3A_544 = arith.andi %shift_right_arithmetic3A_541, %and3A_543 : vector<16xi32>
        %xor3A_545 = arith.xori %bitcast3A_538, %and3A_544 : vector<16xi32>
        %and3A_546 = arith.constant -256 : i32
        %and3A_547 = vector.broadcast %and3A_546 : i32 to vector<16xi32>
        %and3A_548 = arith.andi %xor3A_545, %and3A_547 : vector<16xi32>
        %add3A_549 = arith.constant 192 : i32
        %add3A_550 = vector.broadcast %add3A_549 : i32 to vector<16xi32>
        %add3A_551 = arith.addi %iota3A, %add3A_550 : vector<16xi32>
        %or3A_552 = arith.ori %and3A_548, %add3A_551 : vector<16xi32>
        %add3A_553 = arith.constant 53456 : i32
        %add3A_554 = arith.addi %add3A_553, %and3A_169 : i32
        %add3A_555 = vector.broadcast %add3A_554 : i32 to vector<16xi32>
        %add3A_556 = arith.addi %mul3A_180, %add3A_555 : vector<16xi32>
        %gather3A_557 = tpu.vector_load_idx %arg8[%add3A_556] : memref<65792xf32, #tpu.memory_space<vmem>>[vector<16xi32>], vector<16xf32>,
        %get3A_558 = arith.constant 208 : index
        %get3A_559 = tpu.vector_load %arg10[%get3A_558] {strides = array<i32>} : memref<256xf32, #tpu.memory_space<vmem>>, vector<16xf32>,
        %get3A_560 = arith.constant 208 : index
        %get3A_561 = tpu.vector_load %arg11[%get3A_560] {strides = array<i32>} : memref<256xf32, #tpu.memory_space<vmem>>, vector<16xf32>,
        %mul3A_562 = arith.mulf %get3A_561, %gather3A_557 : vector<16xf32>
        %mul3A_563 = arith.constant 2.000000e+00 : f32
        %mul3A_564 = vector.broadcast %mul3A_563 : f32 to vector<16xf32>
        %mul3A_565 = arith.mulf %mul3A_564, %mul3A_562 : vector<16xf32>
        %sub3A_566 = arith.subf %get3A_559, %mul3A_565 : vector<16xf32>
        %bitcast3A_567 = vector.bitcast %sub3A_566 : vector<16xf32> to vector<16xi32>
        %shift_right_arithmetic3A_568 = arith.constant 31 : i32
        %shift_right_arithmetic3A_569 = vector.broadcast %shift_right_arithmetic3A_568 : i32 to vector<16xi32>
        %shift_right_arithmetic3A_570 = arith.shrsi %bitcast3A_567, %shift_right_arithmetic3A_569 : vector<16xi32>
        %and3A_571 = arith.constant 2147483647 : i32
        %and3A_572 = vector.broadcast %and3A_571 : i32 to vector<16xi32>
        %and3A_573 = arith.andi %shift_right_arithmetic3A_570, %and3A_572 : vector<16xi32>
        %xor3A_574 = arith.xori %bitcast3A_567, %and3A_573 : vector<16xi32>
        %and3A_575 = arith.constant -256 : i32
        %and3A_576 = vector.broadcast %and3A_575 : i32 to vector<16xi32>
        %and3A_577 = arith.andi %xor3A_574, %and3A_576 : vector<16xi32>
        %add3A_578 = arith.constant 208 : i32
        %add3A_579 = vector.broadcast %add3A_578 : i32 to vector<16xi32>
        %add3A_580 = arith.addi %iota3A, %add3A_579 : vector<16xi32>
        %or3A_581 = arith.ori %and3A_577, %add3A_580 : vector<16xi32>
        %add3A_582 = arith.constant 57568 : i32
        %add3A_583 = arith.addi %add3A_582, %and3A_169 : i32
        %add3A_584 = vector.broadcast %add3A_583 : i32 to vector<16xi32>
        %add3A_585 = arith.addi %mul3A_180, %add3A_584 : vector<16xi32>
        %gather3A_586 = tpu.vector_load_idx %arg8[%add3A_585] : memref<65792xf32, #tpu.memory_space<vmem>>[vector<16xi32>], vector<16xf32>,
        %get3A_587 = arith.constant 224 : index
        %get3A_588 = tpu.vector_load %arg10[%get3A_587] {strides = array<i32>} : memref<256xf32, #tpu.memory_space<vmem>>, vector<16xf32>,
        %get3A_589 = arith.constant 224 : index
        %get3A_590 = tpu.vector_load %arg11[%get3A_589] {strides = array<i32>} : memref<256xf32, #tpu.memory_space<vmem>>, vector<16xf32>,
        %mul3A_591 = arith.mulf %get3A_590, %gather3A_586 : vector<16xf32>
        %mul3A_592 = arith.constant 2.000000e+00 : f32
        %mul3A_593 = vector.broadcast %mul3A_592 : f32 to vector<16xf32>
        %mul3A_594 = arith.mulf %mul3A_593, %mul3A_591 : vector<16xf32>
        %sub3A_595 = arith.subf %get3A_588, %mul3A_594 : vector<16xf32>
        %bitcast3A_596 = vector.bitcast %sub3A_595 : vector<16xf32> to vector<16xi32>
        %shift_right_arithmetic3A_597 = arith.constant 31 : i32
        %shift_right_arithmetic3A_598 = vector.broadcast %shift_right_arithmetic3A_597 : i32 to vector<16xi32>
        %shift_right_arithmetic3A_599 = arith.shrsi %bitcast3A_596, %shift_right_arithmetic3A_598 : vector<16xi32>
        %and3A_600 = arith.constant 2147483647 : i32
        %and3A_601 = vector.broadcast %and3A_600 : i32 to vector<16xi32>
        %and3A_602 = arith.andi %shift_right_arithmetic3A_599, %and3A_601 : vector<16xi32>
        %xor3A_603 = arith.xori %bitcast3A_596, %and3A_602 : vector<16xi32>
        %and3A_604 = arith.constant -256 : i32
        %and3A_605 = vector.broadcast %and3A_604 : i32 to vector<16xi32>
        %and3A_606 = arith.andi %xor3A_603, %and3A_605 : vector<16xi32>
        %add3A_607 = arith.constant 224 : i32
        %add3A_608 = vector.broadcast %add3A_607 : i32 to vector<16xi32>
        %add3A_609 = arith.addi %iota3A, %add3A_608 : vector<16xi32>
        %or3A_610 = arith.ori %and3A_606, %add3A_609 : vector<16xi32>
        %add3A_611 = arith.constant 61680 : i32
        %add3A_612 = arith.addi %add3A_611, %and3A_169 : i32
        %add3A_613 = vector.broadcast %add3A_612 : i32 to vector<16xi32>
        %add3A_614 = arith.addi %mul3A_180, %add3A_613 : vector<16xi32>
        %gather3A_615 = tpu.vector_load_idx %arg8[%add3A_614] : memref<65792xf32, #tpu.memory_space<vmem>>[vector<16xi32>], vector<16xf32>,
        %get3A_616 = arith.constant 240 : index
        %get3A_617 = tpu.vector_load %arg10[%get3A_616] {strides = array<i32>} : memref<256xf32, #tpu.memory_space<vmem>>, vector<16xf32>,
        %get3A_618 = arith.constant 240 : index
        %get3A_619 = tpu.vector_load %arg11[%get3A_618] {strides = array<i32>} : memref<256xf32, #tpu.memory_space<vmem>>, vector<16xf32>,
        %mul3A_620 = arith.mulf %get3A_619, %gather3A_615 : vector<16xf32>
        %mul3A_621 = arith.constant 2.000000e+00 : f32
        %mul3A_622 = vector.broadcast %mul3A_621 : f32 to vector<16xf32>
        %mul3A_623 = arith.mulf %mul3A_622, %mul3A_620 : vector<16xf32>
        %sub3A_624 = arith.subf %get3A_617, %mul3A_623 : vector<16xf32>
        %bitcast3A_625 = vector.bitcast %sub3A_624 : vector<16xf32> to vector<16xi32>
        %shift_right_arithmetic3A_626 = arith.constant 31 : i32
        %shift_right_arithmetic3A_627 = vector.broadcast %shift_right_arithmetic3A_626 : i32 to vector<16xi32>
        %shift_right_arithmetic3A_628 = arith.shrsi %bitcast3A_625, %shift_right_arithmetic3A_627 : vector<16xi32>
        %and3A_629 = arith.constant 2147483647 : i32
        %and3A_630 = vector.broadcast %and3A_629 : i32 to vector<16xi32>
        %and3A_631 = arith.andi %shift_right_arithmetic3A_628, %and3A_630 : vector<16xi32>
        %xor3A_632 = arith.xori %bitcast3A_625, %and3A_631 : vector<16xi32>
        %and3A_633 = arith.constant -256 : i32
        %and3A_634 = vector.broadcast %and3A_633 : i32 to vector<16xi32>
        %and3A_635 = arith.andi %xor3A_632, %and3A_634 : vector<16xi32>
        %add3A_636 = arith.constant 240 : i32
        %add3A_637 = vector.broadcast %add3A_636 : i32 to vector<16xi32>
        %add3A_638 = arith.addi %iota3A, %add3A_637 : vector<16xi32>
        %or3A_639 = arith.ori %and3A_635, %add3A_638 : vector<16xi32>
        %min3A = arith.minsi %or3A, %or3A_233 : vector<16xi32>
        %min3A_640 = arith.minsi %or3A_262, %or3A_291 : vector<16xi32>
        %min3A_641 = arith.minsi %or3A_320, %or3A_349 : vector<16xi32>
        %min3A_642 = arith.minsi %or3A_378, %or3A_407 : vector<16xi32>
        %min3A_643 = arith.minsi %or3A_436, %or3A_465 : vector<16xi32>
        %min3A_644 = arith.minsi %or3A_494, %or3A_523 : vector<16xi32>
        %min3A_645 = arith.minsi %or3A_552, %or3A_581 : vector<16xi32>
        %min3A_646 = arith.minsi %or3A_610, %or3A_639 : vector<16xi32>
        %min3A_647 = arith.minsi %min3A, %min3A_640 : vector<16xi32>
        %min3A_648 = arith.minsi %min3A_641, %min3A_642 : vector<16xi32>
        %min3A_649 = arith.minsi %min3A_643, %min3A_644 : vector<16xi32>
        %min3A_650 = arith.minsi %min3A_645, %min3A_646 : vector<16xi32>
        %min3A_651 = arith.minsi %min3A_647, %min3A_648 : vector<16xi32>
        %min3A_652 = arith.minsi %min3A_649, %min3A_650 : vector<16xi32>
        %min3A_653 = arith.minsi %min3A_651, %min3A_652 : vector<16xi32>
        %reduce_min3A = arith.constant true
        %reduce_min3A_654 = vector.broadcast %reduce_min3A : i1 to vector<16xi1>
        %reduce_min3A_655 = arith.constant -2147483648 : i32
        %reduce_min3A_656 = vector.broadcast %reduce_min3A_655 : i32 to vector<16xi32>
        %reduce_min3A_657 = arith.xori %min3A_653, %reduce_min3A_656 : vector<16xi32>
        %reduce_min3A_658 = tpu.scan <min>, %reduce_min3A_657 masked %reduce_min3A_654 : vector<16xi32>, vector<16xi1> -> vector<16xi32>
        %reduce_min3A_659 = arith.xori %reduce_min3A_658, %reduce_min3A_656 : vector<16xi32>
        %reduce_min3A_660 = vector.extract %reduce_min3A_659[15] : i32 from vector<16xi32>
        %and3A_661 = arith.constant 255 : i32
        %and3A_662 = arith.andi %reduce_min3A_660, %and3A_661 : i32
        %eq3A = vector.broadcast %reduce_min3A_660 : i32 to vector<16xi32>
        %eq3A_663 = arith.cmpi eq, %or3A, %eq3A : vector<16xi32>
        %jit3A = arith.constant 2147483647 : i32
        %broadcast_in_dim3A_664 = vector.broadcast %jit3A : i32 to vector<16xi32>
        %select_n3A = arith.select %eq3A_663, %broadcast_in_dim3A_664, %or3A : vector<16xi1>, vector<16xi32>
        %eq3A_665 = vector.broadcast %reduce_min3A_660 : i32 to vector<16xi32>
        %eq3A_666 = arith.cmpi eq, %or3A_233, %eq3A_665 : vector<16xi32>
        %jit3A_667 = arith.constant 2147483647 : i32
        %broadcast_in_dim3A_668 = vector.broadcast %jit3A_667 : i32 to vector<16xi32>
        %select_n3A_669 = arith.select %eq3A_666, %broadcast_in_dim3A_668, %or3A_233 : vector<16xi1>, vector<16xi32>
        %eq3A_670 = vector.broadcast %reduce_min3A_660 : i32 to vector<16xi32>
        %eq3A_671 = arith.cmpi eq, %or3A_262, %eq3A_670 : vector<16xi32>
        %jit3A_672 = arith.constant 2147483647 : i32
        %broadcast_in_dim3A_673 = vector.broadcast %jit3A_672 : i32 to vector<16xi32>
        %select_n3A_674 = arith.select %eq3A_671, %broadcast_in_dim3A_673, %or3A_262 : vector<16xi1>, vector<16xi32>
        %eq3A_675 = vector.broadcast %reduce_min3A_660 : i32 to vector<16xi32>
        %eq3A_676 = arith.cmpi eq, %or3A_291, %eq3A_675 : vector<16xi32>
        %jit3A_677 = arith.constant 2147483647 : i32
        %broadcast_in_dim3A_678 = vector.broadcast %jit3A_677 : i32 to vector<16xi32>
        %select_n3A_679 = arith.select %eq3A_676, %broadcast_in_dim3A_678, %or3A_291 : vector<16xi1>, vector<16xi32>
        %eq3A_680 = vector.broadcast %reduce_min3A_660 : i32 to vector<16xi32>
        %eq3A_681 = arith.cmpi eq, %or3A_320, %eq3A_680 : vector<16xi32>
        %jit3A_682 = arith.constant 2147483647 : i32
        %broadcast_in_dim3A_683 = vector.broadcast %jit3A_682 : i32 to vector<16xi32>
        %select_n3A_684 = arith.select %eq3A_681, %broadcast_in_dim3A_683, %or3A_320 : vector<16xi1>, vector<16xi32>
        %eq3A_685 = vector.broadcast %reduce_min3A_660 : i32 to vector<16xi32>
        %eq3A_686 = arith.cmpi eq, %or3A_349, %eq3A_685 : vector<16xi32>
        %jit3A_687 = arith.constant 2147483647 : i32
        %broadcast_in_dim3A_688 = vector.broadcast %jit3A_687 : i32 to vector<16xi32>
        %select_n3A_689 = arith.select %eq3A_686, %broadcast_in_dim3A_688, %or3A_349 : vector<16xi1>, vector<16xi32>
        %eq3A_690 = vector.broadcast %reduce_min3A_660 : i32 to vector<16xi32>
        %eq3A_691 = arith.cmpi eq, %or3A_378, %eq3A_690 : vector<16xi32>
        %jit3A_692 = arith.constant 2147483647 : i32
        %broadcast_in_dim3A_693 = vector.broadcast %jit3A_692 : i32 to vector<16xi32>
        %select_n3A_694 = arith.select %eq3A_691, %broadcast_in_dim3A_693, %or3A_378 : vector<16xi1>, vector<16xi32>
        %eq3A_695 = vector.broadcast %reduce_min3A_660 : i32 to vector<16xi32>
        %eq3A_696 = arith.cmpi eq, %or3A_407, %eq3A_695 : vector<16xi32>
        %jit3A_697 = arith.constant 2147483647 : i32
        %broadcast_in_dim3A_698 = vector.broadcast %jit3A_697 : i32 to vector<16xi32>
        %select_n3A_699 = arith.select %eq3A_696, %broadcast_in_dim3A_698, %or3A_407 : vector<16xi1>, vector<16xi32>
        %eq3A_700 = vector.broadcast %reduce_min3A_660 : i32 to vector<16xi32>
        %eq3A_701 = arith.cmpi eq, %or3A_436, %eq3A_700 : vector<16xi32>
        %jit3A_702 = arith.constant 2147483647 : i32
        %broadcast_in_dim3A_703 = vector.broadcast %jit3A_702 : i32 to vector<16xi32>
        %select_n3A_704 = arith.select %eq3A_701, %broadcast_in_dim3A_703, %or3A_436 : vector<16xi1>, vector<16xi32>
        %eq3A_705 = vector.broadcast %reduce_min3A_660 : i32 to vector<16xi32>
        %eq3A_706 = arith.cmpi eq, %or3A_465, %eq3A_705 : vector<16xi32>
        %jit3A_707 = arith.constant 2147483647 : i32
        %broadcast_in_dim3A_708 = vector.broadcast %jit3A_707 : i32 to vector<16xi32>
        %select_n3A_709 = arith.select %eq3A_706, %broadcast_in_dim3A_708, %or3A_465 : vector<16xi1>, vector<16xi32>
        %eq3A_710 = vector.broadcast %reduce_min3A_660 : i32 to vector<16xi32>
        %eq3A_711 = arith.cmpi eq, %or3A_494, %eq3A_710 : vector<16xi32>
        %jit3A_712 = arith.constant 2147483647 : i32
        %broadcast_in_dim3A_713 = vector.broadcast %jit3A_712 : i32 to vector<16xi32>
        %select_n3A_714 = arith.select %eq3A_711, %broadcast_in_dim3A_713, %or3A_494 : vector<16xi1>, vector<16xi32>
        %eq3A_715 = vector.broadcast %reduce_min3A_660 : i32 to vector<16xi32>
        %eq3A_716 = arith.cmpi eq, %or3A_523, %eq3A_715 : vector<16xi32>
        %jit3A_717 = arith.constant 2147483647 : i32
        %broadcast_in_dim3A_718 = vector.broadcast %jit3A_717 : i32 to vector<16xi32>
        %select_n3A_719 = arith.select %eq3A_716, %broadcast_in_dim3A_718, %or3A_523 : vector<16xi1>, vector<16xi32>
        %eq3A_720 = vector.broadcast %reduce_min3A_660 : i32 to vector<16xi32>
        %eq3A_721 = arith.cmpi eq, %or3A_552, %eq3A_720 : vector<16xi32>
        %jit3A_722 = arith.constant 2147483647 : i32
        %broadcast_in_dim3A_723 = vector.broadcast %jit3A_722 : i32 to vector<16xi32>
        %select_n3A_724 = arith.select %eq3A_721, %broadcast_in_dim3A_723, %or3A_552 : vector<16xi1>, vector<16xi32>
        %eq3A_725 = vector.broadcast %reduce_min3A_660 : i32 to vector<16xi32>
        %eq3A_726 = arith.cmpi eq, %or3A_581, %eq3A_725 : vector<16xi32>
        %jit3A_727 = arith.constant 2147483647 : i32
        %broadcast_in_dim3A_728 = vector.broadcast %jit3A_727 : i32 to vector<16xi32>
        %select_n3A_729 = arith.select %eq3A_726, %broadcast_in_dim3A_728, %or3A_581 : vector<16xi1>, vector<16xi32>
        %eq3A_730 = vector.broadcast %reduce_min3A_660 : i32 to vector<16xi32>
        %eq3A_731 = arith.cmpi eq, %or3A_610, %eq3A_730 : vector<16xi32>
        %jit3A_732 = arith.constant 2147483647 : i32
        %broadcast_in_dim3A_733 = vector.broadcast %jit3A_732 : i32 to vector<16xi32>
        %select_n3A_734 = arith.select %eq3A_731, %broadcast_in_dim3A_733, %or3A_610 : vector<16xi1>, vector<16xi32>
        %eq3A_735 = vector.broadcast %reduce_min3A_660 : i32 to vector<16xi32>
        %eq3A_736 = arith.cmpi eq, %or3A_639, %eq3A_735 : vector<16xi32>
        %jit3A_737 = arith.constant 2147483647 : i32
        %broadcast_in_dim3A_738 = vector.broadcast %jit3A_737 : i32 to vector<16xi32>
        %select_n3A_739 = arith.select %eq3A_736, %broadcast_in_dim3A_738, %or3A_639 : vector<16xi1>, vector<16xi32>
        %min3A_740 = arith.minsi %select_n3A, %select_n3A_669 : vector<16xi32>
        %min3A_741 = arith.minsi %select_n3A_674, %select_n3A_679 : vector<16xi32>
        %min3A_742 = arith.minsi %select_n3A_684, %select_n3A_689 : vector<16xi32>
        %min3A_743 = arith.minsi %select_n3A_694, %select_n3A_699 : vector<16xi32>
        %min3A_744 = arith.minsi %select_n3A_704, %select_n3A_709 : vector<16xi32>
        %min3A_745 = arith.minsi %select_n3A_714, %select_n3A_719 : vector<16xi32>
        %min3A_746 = arith.minsi %select_n3A_724, %select_n3A_729 : vector<16xi32>
        %min3A_747 = arith.minsi %select_n3A_734, %select_n3A_739 : vector<16xi32>
        %min3A_748 = arith.minsi %min3A_740, %min3A_741 : vector<16xi32>
        %min3A_749 = arith.minsi %min3A_742, %min3A_743 : vector<16xi32>
        %min3A_750 = arith.minsi %min3A_744, %min3A_745 : vector<16xi32>
        %min3A_751 = arith.minsi %min3A_746, %min3A_747 : vector<16xi32>
        %min3A_752 = arith.minsi %min3A_748, %min3A_749 : vector<16xi32>
        %min3A_753 = arith.minsi %min3A_750, %min3A_751 : vector<16xi32>
        %min3A_754 = arith.minsi %min3A_752, %min3A_753 : vector<16xi32>
        %reduce_min3A_755 = arith.constant true
        %reduce_min3A_756 = vector.broadcast %reduce_min3A_755 : i1 to vector<16xi1>
        %reduce_min3A_757 = arith.constant -2147483648 : i32
        %reduce_min3A_758 = vector.broadcast %reduce_min3A_757 : i32 to vector<16xi32>
        %reduce_min3A_759 = arith.xori %min3A_754, %reduce_min3A_758 : vector<16xi32>
        %reduce_min3A_760 = tpu.scan <min>, %reduce_min3A_759 masked %reduce_min3A_756 : vector<16xi32>, vector<16xi1> -> vector<16xi32>
        %reduce_min3A_761 = arith.xori %reduce_min3A_760, %reduce_min3A_758 : vector<16xi32>
        %reduce_min3A_762 = vector.extract %reduce_min3A_761[15] : i32 from vector<16xi32>
        %and3A_763 = arith.constant 255 : i32
        %and3A_764 = arith.andi %reduce_min3A_762, %and3A_763 : i32
        %mul3A_765 = arith.constant 256 : i32
        %mul3A_766 = arith.muli %and3A_171, %mul3A_765 : i32
        %dma_wait3A_767 = tpu.memref_slice %arg12[%mul3A_766] : memref<512xf32, #tpu.memory_space<vmem>> -> memref<256xf32, #tpu.memory_space<vmem>>
        %dma_wait3A_768 = arith.constant 0 : i32
        %dma_wait3A_769 = tpu.memref_slice %arg15[%shift_right_arithmetic3A_3, %and3A_169, %dma_wait3A_768] : memref<2x256x256xf32, #tpu.memory_space<vmem_shared>> -> memref<1x1x256xf32, #tpu.memory_space<vmem_shared>>
        %dma_wait3A_770 = tpu.memref_squeeze %dma_wait3A_769 : memref<1x1x256xf32, #tpu.memory_space<vmem_shared>> -> memref<256xf32, #tpu.memory_space<vmem_shared>>
        %dma_wait3A_771 = tpu.memref_slice %arg12[%mul3A_766] : memref<512xf32, #tpu.memory_space<vmem>> -> memref<256xf32, #tpu.memory_space<vmem>>
        %dma_wait3A_772 = arith.constant 0 : i32
        %dma_wait3A_773 = tpu.memref_slice %arg15[%shift_right_arithmetic3A_3, %and3A_169, %dma_wait3A_772] : memref<2x256x256xf32, #tpu.memory_space<vmem_shared>> -> memref<1x1x256xf32, #tpu.memory_space<vmem_shared>>
        %dma_wait3A_774 = tpu.memref_squeeze %dma_wait3A_773 : memref<1x1x256xf32, #tpu.memory_space<vmem_shared>> -> memref<256xf32, #tpu.memory_space<vmem_shared>>
        tpu.wait_dma2 semaphore(%arg17 : memref<!tpu.dma_semaphore, #tpu.memory_space<semaphore_mem>>) src(%dma_wait3A_774 : memref<256xf32, #tpu.memory_space<vmem_shared>>) dst(%dma_wait3A_771 : memref<256xf32, #tpu.memory_space<vmem>>)
        %mul3A_775 = arith.constant 128 : i32
        %mul3A_776 = arith.muli %and3A_171, %mul3A_775 : i32
        %dma_wait3A_777 = tpu.memref_slice %arg13[%mul3A_776] : memref<256xf32, #tpu.memory_space<vmem>> -> memref<128xf32, #tpu.memory_space<vmem>>
        %dma_wait3A_778 = arith.constant 0 : i32
        %dma_wait3A_779 = tpu.memref_slice %arg16[%shift_right_arithmetic3A_3, %and3A_169, %dma_wait3A_778] : memref<2x256x128xf32, #tpu.memory_space<vmem_shared>> -> memref<1x1x128xf32, #tpu.memory_space<vmem_shared>>
        %dma_wait3A_780 = tpu.memref_squeeze %dma_wait3A_779 : memref<1x1x128xf32, #tpu.memory_space<vmem_shared>> -> memref<128xf32, #tpu.memory_space<vmem_shared>>
        %dma_wait3A_781 = tpu.memref_slice %arg13[%mul3A_776] : memref<256xf32, #tpu.memory_space<vmem>> -> memref<128xf32, #tpu.memory_space<vmem>>
        %dma_wait3A_782 = arith.constant 0 : i32
        %dma_wait3A_783 = tpu.memref_slice %arg16[%shift_right_arithmetic3A_3, %and3A_169, %dma_wait3A_782] : memref<2x256x128xf32, #tpu.memory_space<vmem_shared>> -> memref<1x1x128xf32, #tpu.memory_space<vmem_shared>>
        %dma_wait3A_784 = tpu.memref_squeeze %dma_wait3A_783 : memref<1x1x128xf32, #tpu.memory_space<vmem_shared>> -> memref<128xf32, #tpu.memory_space<vmem_shared>>
        tpu.wait_dma2 semaphore(%arg18 : memref<!tpu.dma_semaphore, #tpu.memory_space<semaphore_mem>>) src(%dma_wait3A_784 : memref<128xf32, #tpu.memory_space<vmem_shared>>) dst(%dma_wait3A_781 : memref<128xf32, #tpu.memory_space<vmem>>)
        %mul3A_785 = arith.constant 256 : i32
        %mul3A_786 = arith.muli %sub3A_172, %mul3A_785 : i32
        %dma_start3A_787 = tpu.memref_slice %arg12[%mul3A_786] : memref<512xf32, #tpu.memory_space<vmem>> -> memref<256xf32, #tpu.memory_space<vmem>>
        %dma_start3A_788 = arith.constant 0 : i32
        %dma_start3A_789 = tpu.memref_slice %arg15[%shift_right_arithmetic3A_3, %and3A_176, %dma_start3A_788] : memref<2x256x256xf32, #tpu.memory_space<vmem_shared>> -> memref<1x1x256xf32, #tpu.memory_space<vmem_shared>>
        %dma_start3A_790 = tpu.memref_squeeze %dma_start3A_789 : memref<1x1x256xf32, #tpu.memory_space<vmem_shared>> -> memref<256xf32, #tpu.memory_space<vmem_shared>>
        %dma_start3A_791 = tpu.memref_slice %arg12[%mul3A_786] : memref<512xf32, #tpu.memory_space<vmem>> -> memref<256xf32, #tpu.memory_space<vmem>>
        %dma_start3A_792 = arith.constant 0 : i32
        %dma_start3A_793 = tpu.memref_slice %arg15[%shift_right_arithmetic3A_3, %and3A_176, %dma_start3A_792] : memref<2x256x256xf32, #tpu.memory_space<vmem_shared>> -> memref<1x1x256xf32, #tpu.memory_space<vmem_shared>>
        %dma_start3A_794 = tpu.memref_squeeze %dma_start3A_793 : memref<1x1x256xf32, #tpu.memory_space<vmem_shared>> -> memref<256xf32, #tpu.memory_space<vmem_shared>>
        tpu.enqueue_dma source(%dma_start3A_794 : memref<256xf32, #tpu.memory_space<vmem_shared>>) target(%dma_start3A_791 : memref<256xf32, #tpu.memory_space<vmem>>) target_semaphore(%arg17 : memref<!tpu.dma_semaphore, #tpu.memory_space<semaphore_mem>>)
        %mul3A_795 = arith.constant 128 : i32
        %mul3A_796 = arith.muli %sub3A_172, %mul3A_795 : i32
        %dma_start3A_797 = tpu.memref_slice %arg13[%mul3A_796] : memref<256xf32, #tpu.memory_space<vmem>> -> memref<128xf32, #tpu.memory_space<vmem>>
        %dma_start3A_798 = arith.constant 0 : i32
        %dma_start3A_799 = tpu.memref_slice %arg16[%shift_right_arithmetic3A_3, %and3A_176, %dma_start3A_798] : memref<2x256x128xf32, #tpu.memory_space<vmem_shared>> -> memref<1x1x128xf32, #tpu.memory_space<vmem_shared>>
        %dma_start3A_800 = tpu.memref_squeeze %dma_start3A_799 : memref<1x1x128xf32, #tpu.memory_space<vmem_shared>> -> memref<128xf32, #tpu.memory_space<vmem_shared>>
        %dma_start3A_801 = tpu.memref_slice %arg13[%mul3A_796] : memref<256xf32, #tpu.memory_space<vmem>> -> memref<128xf32, #tpu.memory_space<vmem>>
        %dma_start3A_802 = arith.constant 0 : i32
        %dma_start3A_803 = tpu.memref_slice %arg16[%shift_right_arithmetic3A_3, %and3A_176, %dma_start3A_802] : memref<2x256x128xf32, #tpu.memory_space<vmem_shared>> -> memref<1x1x128xf32, #tpu.memory_space<vmem_shared>>
        %dma_start3A_804 = tpu.memref_squeeze %dma_start3A_803 : memref<1x1x128xf32, #tpu.memory_space<vmem_shared>> -> memref<128xf32, #tpu.memory_space<vmem_shared>>
        tpu.enqueue_dma source(%dma_start3A_804 : memref<128xf32, #tpu.memory_space<vmem_shared>>) target(%dma_start3A_801 : memref<128xf32, #tpu.memory_space<vmem>>) target_semaphore(%arg18 : memref<!tpu.dma_semaphore, #tpu.memory_space<semaphore_mem>>)
        %mul3A_805 = arith.constant 128 : i32
        %mul3A_806 = arith.muli %and3A_171, %mul3A_805 : i32
        %add3A_807 = arith.constant 0 : i32
        %add3A_808 = arith.addi %mul3A_806, %add3A_807 : i32
        %get3A_809 = arith.index_cast %add3A_808 : i32 to index
        %get3A_810 = tpu.vector_load %arg13[%get3A_809] {strides = array<i32>} : memref<256xf32, #tpu.memory_space<vmem>>, vector<16xf32>,
        %mul3A_811 = arith.constant 128 : i32
        %mul3A_812 = arith.muli %and3A_171, %mul3A_811 : i32
        %add3A_813 = arith.constant 16 : i32
        %add3A_814 = arith.addi %mul3A_812, %add3A_813 : i32
        %get3A_815 = arith.index_cast %add3A_814 : i32 to index
        %get3A_816 = tpu.vector_load %arg13[%get3A_815] {strides = array<i32>} : memref<256xf32, #tpu.memory_space<vmem>>, vector<16xf32>,
        %mul3A_817 = arith.constant 128 : i32
        %mul3A_818 = arith.muli %and3A_171, %mul3A_817 : i32
        %add3A_819 = arith.constant 32 : i32
        %add3A_820 = arith.addi %mul3A_818, %add3A_819 : i32
        %get3A_821 = arith.index_cast %add3A_820 : i32 to index
        %get3A_822 = tpu.vector_load %arg13[%get3A_821] {strides = array<i32>} : memref<256xf32, #tpu.memory_space<vmem>>, vector<16xf32>,
        %mul3A_823 = arith.constant 128 : i32
        %mul3A_824 = arith.muli %and3A_171, %mul3A_823 : i32
        %add3A_825 = arith.constant 48 : i32
        %add3A_826 = arith.addi %mul3A_824, %add3A_825 : i32
        %get3A_827 = arith.index_cast %add3A_826 : i32 to index
        %get3A_828 = tpu.vector_load %arg13[%get3A_827] {strides = array<i32>} : memref<256xf32, #tpu.memory_space<vmem>>, vector<16xf32>,
        %mul3A_829 = arith.constant 128 : i32
        %mul3A_830 = arith.muli %and3A_171, %mul3A_829 : i32
        %add3A_831 = arith.constant 64 : i32
        %add3A_832 = arith.addi %mul3A_830, %add3A_831 : i32
        %get3A_833 = arith.index_cast %add3A_832 : i32 to index
        %get3A_834 = tpu.vector_load %arg13[%get3A_833] {strides = array<i32>} : memref<256xf32, #tpu.memory_space<vmem>>, vector<16xf32>,
        %mul3A_835 = arith.constant 128 : i32
        %mul3A_836 = arith.muli %and3A_171, %mul3A_835 : i32
        %add3A_837 = arith.constant 80 : i32
        %add3A_838 = arith.addi %mul3A_836, %add3A_837 : i32
        %get3A_839 = arith.index_cast %add3A_838 : i32 to index
        %get3A_840 = tpu.vector_load %arg13[%get3A_839] {strides = array<i32>} : memref<256xf32, #tpu.memory_space<vmem>>, vector<16xf32>,
        %mul3A_841 = arith.constant 128 : i32
        %mul3A_842 = arith.muli %and3A_171, %mul3A_841 : i32
        %add3A_843 = arith.constant 96 : i32
        %add3A_844 = arith.addi %mul3A_842, %add3A_843 : i32
        %get3A_845 = arith.index_cast %add3A_844 : i32 to index
        %get3A_846 = tpu.vector_load %arg13[%get3A_845] {strides = array<i32>} : memref<256xf32, #tpu.memory_space<vmem>>, vector<16xf32>,
        %mul3A_847 = arith.constant 128 : i32
        %mul3A_848 = arith.muli %and3A_171, %mul3A_847 : i32
        %add3A_849 = arith.constant 112 : i32
        %add3A_850 = arith.addi %mul3A_848, %add3A_849 : i32
        %get3A_851 = arith.index_cast %add3A_850 : i32 to index
        %get3A_852 = tpu.vector_load %arg13[%get3A_851] {strides = array<i32>} : memref<256xf32, #tpu.memory_space<vmem>>, vector<16xf32>,
        %mul3A_853 = arith.constant 128 : i32
        %mul3A_854 = arith.muli %and3A_662, %mul3A_853 : i32
        %mul3A_855 = arith.constant 128 : i32
        %mul3A_856 = arith.muli %and3A_764, %mul3A_855 : i32
        %add3A_857 = arith.constant 0 : i32
        %add3A_858 = arith.addi %mul3A_854, %add3A_857 : i32
        %get3A_859 = arith.index_cast %add3A_858 : i32 to index
        %get3A_860 = tpu.vector_load %arg9[%get3A_859] {strides = array<i32>} : memref<32768xf32, #tpu.memory_space<vmem>>, vector<16xf32>,
        %sub3A_861 = arith.subf %get3A_860, %get3A_810 : vector<16xf32>
        %add3A_862 = arith.constant 0 : i32
        %add3A_863 = arith.addi %mul3A_856, %add3A_862 : i32
        %get3A_864 = arith.index_cast %add3A_863 : i32 to index
        %get3A_865 = tpu.vector_load %arg9[%get3A_864] {strides = array<i32>} : memref<32768xf32, #tpu.memory_space<vmem>>, vector<16xf32>,
        %sub3A_866 = arith.subf %get3A_865, %get3A_810 : vector<16xf32>
        %mul3A_867 = arith.mulf %sub3A_861, %sub3A_861 : vector<16xf32>
        %mul3A_868 = arith.mulf %sub3A_866, %sub3A_866 : vector<16xf32>
        %add3A_869 = arith.constant 16 : i32
        %add3A_870 = arith.addi %mul3A_854, %add3A_869 : i32
        %get3A_871 = arith.index_cast %add3A_870 : i32 to index
        %get3A_872 = tpu.vector_load %arg9[%get3A_871] {strides = array<i32>} : memref<32768xf32, #tpu.memory_space<vmem>>, vector<16xf32>,
        %sub3A_873 = arith.subf %get3A_872, %get3A_816 : vector<16xf32>
        %add3A_874 = arith.constant 16 : i32
        %add3A_875 = arith.addi %mul3A_856, %add3A_874 : i32
        %get3A_876 = arith.index_cast %add3A_875 : i32 to index
        %get3A_877 = tpu.vector_load %arg9[%get3A_876] {strides = array<i32>} : memref<32768xf32, #tpu.memory_space<vmem>>, vector<16xf32>,
        %sub3A_878 = arith.subf %get3A_877, %get3A_816 : vector<16xf32>
        %mul3A_879 = arith.mulf %sub3A_873, %sub3A_873 : vector<16xf32>
        %mul3A_880 = arith.mulf %sub3A_878, %sub3A_878 : vector<16xf32>
        %add3A_881 = arith.addf %mul3A_867, %mul3A_879 : vector<16xf32>
        %add3A_882 = arith.addf %mul3A_868, %mul3A_880 : vector<16xf32>
        %add3A_883 = arith.constant 32 : i32
        %add3A_884 = arith.addi %mul3A_854, %add3A_883 : i32
        %get3A_885 = arith.index_cast %add3A_884 : i32 to index
        %get3A_886 = tpu.vector_load %arg9[%get3A_885] {strides = array<i32>} : memref<32768xf32, #tpu.memory_space<vmem>>, vector<16xf32>,
        %sub3A_887 = arith.subf %get3A_886, %get3A_822 : vector<16xf32>
        %add3A_888 = arith.constant 32 : i32
        %add3A_889 = arith.addi %mul3A_856, %add3A_888 : i32
        %get3A_890 = arith.index_cast %add3A_889 : i32 to index
        %get3A_891 = tpu.vector_load %arg9[%get3A_890] {strides = array<i32>} : memref<32768xf32, #tpu.memory_space<vmem>>, vector<16xf32>,
        %sub3A_892 = arith.subf %get3A_891, %get3A_822 : vector<16xf32>
        %mul3A_893 = arith.mulf %sub3A_887, %sub3A_887 : vector<16xf32>
        %mul3A_894 = arith.mulf %sub3A_892, %sub3A_892 : vector<16xf32>
        %add3A_895 = arith.addf %add3A_881, %mul3A_893 : vector<16xf32>
        %add3A_896 = arith.addf %add3A_882, %mul3A_894 : vector<16xf32>
        %add3A_897 = arith.constant 48 : i32
        %add3A_898 = arith.addi %mul3A_854, %add3A_897 : i32
        %get3A_899 = arith.index_cast %add3A_898 : i32 to index
        %get3A_900 = tpu.vector_load %arg9[%get3A_899] {strides = array<i32>} : memref<32768xf32, #tpu.memory_space<vmem>>, vector<16xf32>,
        %sub3A_901 = arith.subf %get3A_900, %get3A_828 : vector<16xf32>
        %add3A_902 = arith.constant 48 : i32
        %add3A_903 = arith.addi %mul3A_856, %add3A_902 : i32
        %get3A_904 = arith.index_cast %add3A_903 : i32 to index
        %get3A_905 = tpu.vector_load %arg9[%get3A_904] {strides = array<i32>} : memref<32768xf32, #tpu.memory_space<vmem>>, vector<16xf32>,
        %sub3A_906 = arith.subf %get3A_905, %get3A_828 : vector<16xf32>
        %mul3A_907 = arith.mulf %sub3A_901, %sub3A_901 : vector<16xf32>
        %mul3A_908 = arith.mulf %sub3A_906, %sub3A_906 : vector<16xf32>
        %add3A_909 = arith.addf %add3A_895, %mul3A_907 : vector<16xf32>
        %add3A_910 = arith.addf %add3A_896, %mul3A_908 : vector<16xf32>
        %add3A_911 = arith.constant 64 : i32
        %add3A_912 = arith.addi %mul3A_854, %add3A_911 : i32
        %get3A_913 = arith.index_cast %add3A_912 : i32 to index
        %get3A_914 = tpu.vector_load %arg9[%get3A_913] {strides = array<i32>} : memref<32768xf32, #tpu.memory_space<vmem>>, vector<16xf32>,
        %sub3A_915 = arith.subf %get3A_914, %get3A_834 : vector<16xf32>
        %add3A_916 = arith.constant 64 : i32
        %add3A_917 = arith.addi %mul3A_856, %add3A_916 : i32
        %get3A_918 = arith.index_cast %add3A_917 : i32 to index
        %get3A_919 = tpu.vector_load %arg9[%get3A_918] {strides = array<i32>} : memref<32768xf32, #tpu.memory_space<vmem>>, vector<16xf32>,
        %sub3A_920 = arith.subf %get3A_919, %get3A_834 : vector<16xf32>
        %mul3A_921 = arith.mulf %sub3A_915, %sub3A_915 : vector<16xf32>
        %mul3A_922 = arith.mulf %sub3A_920, %sub3A_920 : vector<16xf32>
        %add3A_923 = arith.addf %add3A_909, %mul3A_921 : vector<16xf32>
        %add3A_924 = arith.addf %add3A_910, %mul3A_922 : vector<16xf32>
        %add3A_925 = arith.constant 80 : i32
        %add3A_926 = arith.addi %mul3A_854, %add3A_925 : i32
        %get3A_927 = arith.index_cast %add3A_926 : i32 to index
        %get3A_928 = tpu.vector_load %arg9[%get3A_927] {strides = array<i32>} : memref<32768xf32, #tpu.memory_space<vmem>>, vector<16xf32>,
        %sub3A_929 = arith.subf %get3A_928, %get3A_840 : vector<16xf32>
        %add3A_930 = arith.constant 80 : i32
        %add3A_931 = arith.addi %mul3A_856, %add3A_930 : i32
        %get3A_932 = arith.index_cast %add3A_931 : i32 to index
        %get3A_933 = tpu.vector_load %arg9[%get3A_932] {strides = array<i32>} : memref<32768xf32, #tpu.memory_space<vmem>>, vector<16xf32>,
        %sub3A_934 = arith.subf %get3A_933, %get3A_840 : vector<16xf32>
        %mul3A_935 = arith.mulf %sub3A_929, %sub3A_929 : vector<16xf32>
        %mul3A_936 = arith.mulf %sub3A_934, %sub3A_934 : vector<16xf32>
        %add3A_937 = arith.addf %add3A_923, %mul3A_935 : vector<16xf32>
        %add3A_938 = arith.addf %add3A_924, %mul3A_936 : vector<16xf32>
        %add3A_939 = arith.constant 96 : i32
        %add3A_940 = arith.addi %mul3A_854, %add3A_939 : i32
        %get3A_941 = arith.index_cast %add3A_940 : i32 to index
        %get3A_942 = tpu.vector_load %arg9[%get3A_941] {strides = array<i32>} : memref<32768xf32, #tpu.memory_space<vmem>>, vector<16xf32>,
        %sub3A_943 = arith.subf %get3A_942, %get3A_846 : vector<16xf32>
        %add3A_944 = arith.constant 96 : i32
        %add3A_945 = arith.addi %mul3A_856, %add3A_944 : i32
        %get3A_946 = arith.index_cast %add3A_945 : i32 to index
        %get3A_947 = tpu.vector_load %arg9[%get3A_946] {strides = array<i32>} : memref<32768xf32, #tpu.memory_space<vmem>>, vector<16xf32>,
        %sub3A_948 = arith.subf %get3A_947, %get3A_846 : vector<16xf32>
        %mul3A_949 = arith.mulf %sub3A_943, %sub3A_943 : vector<16xf32>
        %mul3A_950 = arith.mulf %sub3A_948, %sub3A_948 : vector<16xf32>
        %add3A_951 = arith.addf %add3A_937, %mul3A_949 : vector<16xf32>
        %add3A_952 = arith.addf %add3A_938, %mul3A_950 : vector<16xf32>
        %add3A_953 = arith.constant 112 : i32
        %add3A_954 = arith.addi %mul3A_854, %add3A_953 : i32
        %get3A_955 = arith.index_cast %add3A_954 : i32 to index
        %get3A_956 = tpu.vector_load %arg9[%get3A_955] {strides = array<i32>} : memref<32768xf32, #tpu.memory_space<vmem>>, vector<16xf32>,
        %sub3A_957 = arith.subf %get3A_956, %get3A_852 : vector<16xf32>
        %add3A_958 = arith.constant 112 : i32
        %add3A_959 = arith.addi %mul3A_856, %add3A_958 : i32
        %get3A_960 = arith.index_cast %add3A_959 : i32 to index
        %get3A_961 = tpu.vector_load %arg9[%get3A_960] {strides = array<i32>} : memref<32768xf32, #tpu.memory_space<vmem>>, vector<16xf32>,
        %sub3A_962 = arith.subf %get3A_961, %get3A_852 : vector<16xf32>
        %mul3A_963 = arith.mulf %sub3A_957, %sub3A_957 : vector<16xf32>
        %mul3A_964 = arith.mulf %sub3A_962, %sub3A_962 : vector<16xf32>
        %add3A_965 = arith.addf %add3A_951, %mul3A_963 : vector<16xf32>
        %add3A_966 = arith.addf %add3A_952, %mul3A_964 : vector<16xf32>
        %reduce_sum3A = arith.constant true
        %reduce_sum3A_967 = vector.broadcast %reduce_sum3A : i1 to vector<16xi1>
        %reduce_sum3A_968 = tpu.scan <sum>, %add3A_965 masked %reduce_sum3A_967 : vector<16xf32>, vector<16xi1> -> vector<16xf32>
        %reduce_sum3A_969 = vector.extract %reduce_sum3A_968[15] : f32 from vector<16xf32>
        %reduce_sum3A_970 = arith.constant true
        %reduce_sum3A_971 = vector.broadcast %reduce_sum3A_970 : i1 to vector<16xi1>
        %reduce_sum3A_972 = tpu.scan <sum>, %add3A_966 masked %reduce_sum3A_971 : vector<16xf32>, vector<16xi1> -> vector<16xf32>
        %reduce_sum3A_973 = vector.extract %reduce_sum3A_972[15] : f32 from vector<16xf32>
        %lt3A_974 = arith.cmpf olt, %reduce_sum3A_973, %reduce_sum3A_969 : f32
        %eq3A_975 = arith.cmpf oeq, %reduce_sum3A_973, %reduce_sum3A_969 : f32
        %lt3A_976 = arith.cmpi slt, %and3A_764, %and3A_662 : i32
        %and3A_977 = arith.andi %eq3A_975, %lt3A_976 : i1
        %or3A_978 = arith.ori %lt3A_974, %and3A_977 : i1
        %select_n3A_979 = arith.select %or3A_978, %and3A_764, %and3A_662 : i32
        %shift_right_arithmetic3A_980 = arith.constant 4 : i32
        %shift_right_arithmetic3A_981 = arith.shrsi %select_n3A_979, %shift_right_arithmetic3A_980 : i32
        %and3A_982 = arith.constant 15 : i32
        %and3A_983 = arith.andi %select_n3A_979, %and3A_982 : i32
        %eq3A_984 = arith.constant 1 : i32
        %eq3A_985 = vector.broadcast %eq3A_984 : i32 to vector<16xi32>
        %eq3A_986 = arith.cmpi eq, %iota3A, %eq3A_985 : vector<16xi32>
        %jit3A_987 = arith.constant 1 : i32
        %jit3A_988 = arith.constant 0 : i32
        %broadcast_in_dim3A_989 = vector.broadcast %jit3A_987 : i32 to vector<16xi32>
        %broadcast_in_dim3A_990 = vector.broadcast %jit3A_988 : i32 to vector<16xi32>
        %select_n3A_991 = arith.select %eq3A_986, %broadcast_in_dim3A_989, %broadcast_in_dim3A_990 : vector<16xi1>, vector<16xi32>
        %eq3A_992 = arith.constant 3 : i32
        %eq3A_993 = vector.broadcast %eq3A_992 : i32 to vector<16xi32>
        %eq3A_994 = arith.cmpi eq, %iota3A, %eq3A_993 : vector<16xi32>
        %jit3A_995 = arith.constant 1 : i32
        %jit3A_996 = arith.constant 0 : i32
        %broadcast_in_dim3A_997 = vector.broadcast %jit3A_995 : i32 to vector<16xi32>
        %broadcast_in_dim3A_998 = vector.broadcast %jit3A_996 : i32 to vector<16xi32>
        %select_n3A_999 = arith.select %eq3A_994, %broadcast_in_dim3A_997, %broadcast_in_dim3A_998 : vector<16xi1>, vector<16xi32>
        %sub3A_1000 = arith.subi %select_n3A_991, %select_n3A_999 : vector<16xi32>
        %add3A_1001 = vector.broadcast %shift_right_arithmetic3A_981 : i32 to vector<16xi32>
        %add3A_1002 = arith.addi %add3A_1001, %sub3A_1000 : vector<16xi32>
        %eq3A_1003 = arith.constant 0 : i32
        %eq3A_1004 = vector.broadcast %eq3A_1003 : i32 to vector<16xi32>
        %eq3A_1005 = arith.cmpi eq, %iota3A, %eq3A_1004 : vector<16xi32>
        %jit3A_1006 = arith.constant 1 : i32
        %jit3A_1007 = arith.constant 0 : i32
        %broadcast_in_dim3A_1008 = vector.broadcast %jit3A_1006 : i32 to vector<16xi32>
        %broadcast_in_dim3A_1009 = vector.broadcast %jit3A_1007 : i32 to vector<16xi32>
        %select_n3A_1010 = arith.select %eq3A_1005, %broadcast_in_dim3A_1008, %broadcast_in_dim3A_1009 : vector<16xi1>, vector<16xi32>
        %eq3A_1011 = arith.constant 2 : i32
        %eq3A_1012 = vector.broadcast %eq3A_1011 : i32 to vector<16xi32>
        %eq3A_1013 = arith.cmpi eq, %iota3A, %eq3A_1012 : vector<16xi32>
        %jit3A_1014 = arith.constant 1 : i32
        %jit3A_1015 = arith.constant 0 : i32
        %broadcast_in_dim3A_1016 = vector.broadcast %jit3A_1014 : i32 to vector<16xi32>
        %broadcast_in_dim3A_1017 = vector.broadcast %jit3A_1015 : i32 to vector<16xi32>
        %select_n3A_1018 = arith.select %eq3A_1013, %broadcast_in_dim3A_1016, %broadcast_in_dim3A_1017 : vector<16xi1>, vector<16xi32>
        %sub3A_1019 = arith.subi %select_n3A_1010, %select_n3A_1018 : vector<16xi32>
        %add3A_1020 = vector.broadcast %and3A_983 : i32 to vector<16xi32>
        %add3A_1021 = arith.addi %add3A_1020, %sub3A_1019 : vector<16xi32>
        %ge3A = arith.constant 0 : i32
        %ge3A_1022 = vector.broadcast %ge3A : i32 to vector<16xi32>
        %ge3A_1023 = arith.cmpi sge, %add3A_1002, %ge3A_1022 : vector<16xi32>
        %and3A_1024 = arith.andi %lt3A_70, %ge3A_1023 : vector<16xi1>
        %lt3A_1025 = arith.constant 16 : i32
        %lt3A_1026 = vector.broadcast %lt3A_1025 : i32 to vector<16xi32>
        %lt3A_1027 = arith.cmpi slt, %add3A_1002, %lt3A_1026 : vector<16xi32>
        %and3A_1028 = arith.andi %and3A_1024, %lt3A_1027 : vector<16xi1>
        %ge3A_1029 = arith.constant 0 : i32
        %ge3A_1030 = vector.broadcast %ge3A_1029 : i32 to vector<16xi32>
        %ge3A_1031 = arith.cmpi sge, %add3A_1021, %ge3A_1030 : vector<16xi32>
        %and3A_1032 = arith.andi %and3A_1028, %ge3A_1031 : vector<16xi1>
        %lt3A_1033 = arith.constant 16 : i32
        %lt3A_1034 = vector.broadcast %lt3A_1033 : i32 to vector<16xi32>
        %lt3A_1035 = arith.cmpi slt, %add3A_1021, %lt3A_1034 : vector<16xi32>
        %and3A_1036 = arith.andi %and3A_1032, %lt3A_1035 : vector<16xi1>
        %jit3A_1037 = arith.constant 0 : i32
        %jit3A_1038 = arith.constant 15 : i32
        %max3A = vector.broadcast %jit3A_1037 : i32 to vector<16xi32>
        %max3A_1039 = arith.maxsi %max3A, %add3A_1002 : vector<16xi32>
        %min3A_1040 = vector.broadcast %jit3A_1038 : i32 to vector<16xi32>
        %min3A_1041 = arith.minsi %min3A_1040, %max3A_1039 : vector<16xi32>
        %mul3A_1042 = arith.constant 16 : i32
        %mul3A_1043 = vector.broadcast %mul3A_1042 : i32 to vector<16xi32>
        %mul3A_1044 = arith.muli %min3A_1041, %mul3A_1043 : vector<16xi32>
        %jit3A_1045 = arith.constant 0 : i32
        %jit3A_1046 = arith.constant 15 : i32
        %max3A_1047 = vector.broadcast %jit3A_1045 : i32 to vector<16xi32>
        %max3A_1048 = arith.maxsi %max3A_1047, %add3A_1021 : vector<16xi32>
        %min3A_1049 = vector.broadcast %jit3A_1046 : i32 to vector<16xi32>
        %min3A_1050 = arith.minsi %min3A_1049, %max3A_1048 : vector<16xi32>
        %add3A_1051 = arith.addi %mul3A_1044, %min3A_1050 : vector<16xi32>
        %jit3A_1052 = arith.constant 0.00999999977 : f32
        %jit3A_1053 = arith.constant 0.000000e+00 : f32
        %broadcast_in_dim3A_1054 = vector.broadcast %jit3A_1052 : f32 to vector<16xf32>
        %broadcast_in_dim3A_1055 = vector.broadcast %jit3A_1053 : f32 to vector<16xf32>
        %select_n3A_1056 = arith.select %and3A_1036, %broadcast_in_dim3A_1054, %broadcast_in_dim3A_1055 : vector<16xi1>, vector<16xf32>
        %gather3A_1057 = tpu.vector_load_idx %arg11[%add3A_1051] : memref<256xf32, #tpu.memory_space<vmem>>[vector<16xi32>], vector<16xf32>,
        %mul3A_1058 = arith.constant 257 : i32
        %mul3A_1059 = vector.broadcast %mul3A_1058 : i32 to vector<16xi32>
        %mul3A_1060 = arith.muli %add3A_1051, %mul3A_1059 : vector<16xi32>
        %add3A_1061 = vector.broadcast %and3A_169 : i32 to vector<16xi32>
        %add3A_1062 = arith.addi %mul3A_1060, %add3A_1061 : vector<16xi32>
        %gather3A_1063 = tpu.vector_load_idx %arg8[%add3A_1062] : memref<65792xf32, #tpu.memory_space<vmem>>[vector<16xi32>], vector<16xf32>,
        %mul3A_1064 = arith.mulf %gather3A_1057, %gather3A_1063 : vector<16xf32>
        %mul3A_1065 = arith.constant 256 : i32
        %mul3A_1066 = arith.muli %and3A_171, %mul3A_1065 : i32
        %add3A_1067 = arith.addi %mul3A_1066, %and3A_169 : i32
        %broadcast_in_dim3A_1068 = vector.broadcast %add3A_1067 : i32 to vector<16xi32>
        %gather3A_1069 = tpu.vector_load_idx %arg12[%broadcast_in_dim3A_1068] : memref<512xf32, #tpu.memory_space<vmem>>[vector<16xi32>], vector<16xf32>,
        %gather3A_1070 = tpu.vector_load_idx %arg10[%add3A_1051] : memref<256xf32, #tpu.memory_space<vmem>>[vector<16xi32>], vector<16xf32>,
        %sub3A_1071 = arith.constant 1.000000e+00 : f32
        %sub3A_1072 = vector.broadcast %sub3A_1071 : f32 to vector<16xf32>
        %sub3A_1073 = arith.subf %sub3A_1072, %select_n3A_1056 : vector<16xf32>
        %mul3A_1074 = arith.mulf %sub3A_1073, %sub3A_1073 : vector<16xf32>
        %mul3A_1075 = arith.mulf %mul3A_1074, %gather3A_1070 : vector<16xf32>
        %mul3A_1076 = arith.constant 2.000000e+00 : f32
        %mul3A_1077 = vector.broadcast %mul3A_1076 : f32 to vector<16xf32>
        %mul3A_1078 = arith.mulf %mul3A_1077, %select_n3A_1056 : vector<16xf32>
        %mul3A_1079 = arith.mulf %mul3A_1078, %sub3A_1073 : vector<16xf32>
        %mul3A_1080 = arith.mulf %mul3A_1079, %mul3A_1064 : vector<16xf32>
        %add3A_1081 = arith.addf %mul3A_1075, %mul3A_1080 : vector<16xf32>
        %mul3A_1082 = arith.mulf %select_n3A_1056, %select_n3A_1056 : vector<16xf32>
        %mul3A_1083 = arith.mulf %mul3A_1082, %gather3A_1069 : vector<16xf32>
        %add3A_1084 = arith.addf %add3A_1081, %mul3A_1083 : vector<16xf32>
        tpu.vector_store_idx %arg10[%add3A_1051], %add3A_1084 masked %and3A_1036 : memref<256xf32, #tpu.memory_space<vmem>>[vector<16xi32>], vector<16xf32>, vector<16xi1>
        %mul3A_1085 = arith.mulf %sub3A_1073, %gather3A_1057 : vector<16xf32>
        tpu.vector_store_idx %arg11[%add3A_1051], %mul3A_1085 masked %and3A_1036 : memref<256xf32, #tpu.memory_space<vmem>>[vector<16xi32>], vector<16xf32>, vector<16xi1>
        %div3A = arith.divf %select_n3A_1056, %mul3A_1085 : vector<16xf32>
        %add3A_1086 = arith.constant 0 : i32
        %add3A_1087 = arith.addi %shift_right_arithmetic3A_981, %add3A_1086 : i32
        %add3A_1088 = arith.constant 1 : i32
        %add3A_1089 = arith.addi %and3A_983, %add3A_1088 : i32
        %ge3A_1090 = arith.constant 0 : i32
        %ge3A_1091 = arith.cmpi sge, %add3A_1087, %ge3A_1090 : i32
        %lt3A_1092 = arith.constant 16 : i32
        %lt3A_1093 = arith.cmpi slt, %add3A_1087, %lt3A_1092 : i32
        %and3A_1094 = arith.andi %ge3A_1091, %lt3A_1093 : i1
        %ge3A_1095 = arith.constant 0 : i32
        %ge3A_1096 = arith.cmpi sge, %add3A_1089, %ge3A_1095 : i32
        %and3A_1097 = arith.andi %and3A_1094, %ge3A_1096 : i1
        %lt3A_1098 = arith.constant 16 : i32
        %lt3A_1099 = arith.cmpi slt, %add3A_1089, %lt3A_1098 : i32
        %and3A_1100 = arith.andi %and3A_1097, %lt3A_1099 : i1
        %jit3A_1101 = arith.constant 0 : i32
        %jit3A_1102 = arith.constant 15 : i32
        %max3A_1103 = arith.maxsi %jit3A_1101, %add3A_1087 : i32
        %min3A_1104 = arith.minsi %jit3A_1102, %max3A_1103 : i32
        %mul3A_1105 = arith.constant 16 : i32
        %mul3A_1106 = arith.muli %min3A_1104, %mul3A_1105 : i32
        %jit3A_1107 = arith.constant 0 : i32
        %jit3A_1108 = arith.constant 15 : i32
        %max3A_1109 = arith.maxsi %jit3A_1107, %add3A_1089 : i32
        %min3A_1110 = arith.minsi %jit3A_1108, %max3A_1109 : i32
        %add3A_1111 = arith.addi %mul3A_1106, %min3A_1110 : i32
        %jit3A_1112 = arith.constant 0.00999999977 : f32
        %jit3A_1113 = arith.constant 0.000000e+00 : f32
        %select_n3A_1114 = arith.select %and3A_1100, %jit3A_1112, %jit3A_1113 : f32
        %slice3A = vector.extract_strided_slice %div3A {offsets = [0], sizes = [1], strides = [1]} : vector<16xf32> to vector<1xf32>
        %squeeze3A = vector.extract %slice3A[0] : f32 from vector<1xf32>
        %add3A_1115 = arith.constant 1 : i32
        %add3A_1116 = arith.addi %shift_right_arithmetic3A_981, %add3A_1115 : i32
        %add3A_1117 = arith.constant 0 : i32
        %add3A_1118 = arith.addi %and3A_983, %add3A_1117 : i32
        %ge3A_1119 = arith.constant 0 : i32
        %ge3A_1120 = arith.cmpi sge, %add3A_1116, %ge3A_1119 : i32
        %lt3A_1121 = arith.constant 16 : i32
        %lt3A_1122 = arith.cmpi slt, %add3A_1116, %lt3A_1121 : i32
        %and3A_1123 = arith.andi %ge3A_1120, %lt3A_1122 : i1
        %ge3A_1124 = arith.constant 0 : i32
        %ge3A_1125 = arith.cmpi sge, %add3A_1118, %ge3A_1124 : i32
        %and3A_1126 = arith.andi %and3A_1123, %ge3A_1125 : i1
        %lt3A_1127 = arith.constant 16 : i32
        %lt3A_1128 = arith.cmpi slt, %add3A_1118, %lt3A_1127 : i32
        %and3A_1129 = arith.andi %and3A_1126, %lt3A_1128 : i1
        %jit3A_1130 = arith.constant 0 : i32
        %jit3A_1131 = arith.constant 15 : i32
        %max3A_1132 = arith.maxsi %jit3A_1130, %add3A_1116 : i32
        %min3A_1133 = arith.minsi %jit3A_1131, %max3A_1132 : i32
        %mul3A_1134 = arith.constant 16 : i32
        %mul3A_1135 = arith.muli %min3A_1133, %mul3A_1134 : i32
        %jit3A_1136 = arith.constant 0 : i32
        %jit3A_1137 = arith.constant 15 : i32
        %max3A_1138 = arith.maxsi %jit3A_1136, %add3A_1118 : i32
        %min3A_1139 = arith.minsi %jit3A_1137, %max3A_1138 : i32
        %add3A_1140 = arith.addi %mul3A_1135, %min3A_1139 : i32
        %jit3A_1141 = arith.constant 0.00999999977 : f32
        %jit3A_1142 = arith.constant 0.000000e+00 : f32
        %select_n3A_1143 = arith.select %and3A_1129, %jit3A_1141, %jit3A_1142 : f32
        %slice3A_1144 = vector.extract_strided_slice %div3A {offsets = [1], sizes = [1], strides = [1]} : vector<16xf32> to vector<1xf32>
        %squeeze3A_1145 = vector.extract %slice3A_1144[0] : f32 from vector<1xf32>
        %add3A_1146 = arith.constant 0 : i32
        %add3A_1147 = arith.addi %shift_right_arithmetic3A_981, %add3A_1146 : i32
        %add3A_1148 = arith.constant -1 : i32
        %add3A_1149 = arith.addi %and3A_983, %add3A_1148 : i32
        %ge3A_1150 = arith.constant 0 : i32
        %ge3A_1151 = arith.cmpi sge, %add3A_1147, %ge3A_1150 : i32
        %lt3A_1152 = arith.constant 16 : i32
        %lt3A_1153 = arith.cmpi slt, %add3A_1147, %lt3A_1152 : i32
        %and3A_1154 = arith.andi %ge3A_1151, %lt3A_1153 : i1
        %ge3A_1155 = arith.constant 0 : i32
        %ge3A_1156 = arith.cmpi sge, %add3A_1149, %ge3A_1155 : i32
        %and3A_1157 = arith.andi %and3A_1154, %ge3A_1156 : i1
        %lt3A_1158 = arith.constant 16 : i32
        %lt3A_1159 = arith.cmpi slt, %add3A_1149, %lt3A_1158 : i32
        %and3A_1160 = arith.andi %and3A_1157, %lt3A_1159 : i1
        %jit3A_1161 = arith.constant 0 : i32
        %jit3A_1162 = arith.constant 15 : i32
        %max3A_1163 = arith.maxsi %jit3A_1161, %add3A_1147 : i32
        %min3A_1164 = arith.minsi %jit3A_1162, %max3A_1163 : i32
        %mul3A_1165 = arith.constant 16 : i32
        %mul3A_1166 = arith.muli %min3A_1164, %mul3A_1165 : i32
        %jit3A_1167 = arith.constant 0 : i32
        %jit3A_1168 = arith.constant 15 : i32
        %max3A_1169 = arith.maxsi %jit3A_1167, %add3A_1149 : i32
        %min3A_1170 = arith.minsi %jit3A_1168, %max3A_1169 : i32
        %add3A_1171 = arith.addi %mul3A_1166, %min3A_1170 : i32
        %jit3A_1172 = arith.constant 0.00999999977 : f32
        %jit3A_1173 = arith.constant 0.000000e+00 : f32
        %select_n3A_1174 = arith.select %and3A_1160, %jit3A_1172, %jit3A_1173 : f32
        %slice3A_1175 = vector.extract_strided_slice %div3A {offsets = [2], sizes = [1], strides = [1]} : vector<16xf32> to vector<1xf32>
        %squeeze3A_1176 = vector.extract %slice3A_1175[0] : f32 from vector<1xf32>
        %add3A_1177 = arith.constant -1 : i32
        %add3A_1178 = arith.addi %shift_right_arithmetic3A_981, %add3A_1177 : i32
        %add3A_1179 = arith.constant 0 : i32
        %add3A_1180 = arith.addi %and3A_983, %add3A_1179 : i32
        %ge3A_1181 = arith.constant 0 : i32
        %ge3A_1182 = arith.cmpi sge, %add3A_1178, %ge3A_1181 : i32
        %lt3A_1183 = arith.constant 16 : i32
        %lt3A_1184 = arith.cmpi slt, %add3A_1178, %lt3A_1183 : i32
        %and3A_1185 = arith.andi %ge3A_1182, %lt3A_1184 : i1
        %ge3A_1186 = arith.constant 0 : i32
        %ge3A_1187 = arith.cmpi sge, %add3A_1180, %ge3A_1186 : i32
        %and3A_1188 = arith.andi %and3A_1185, %ge3A_1187 : i1
        %lt3A_1189 = arith.constant 16 : i32
        %lt3A_1190 = arith.cmpi slt, %add3A_1180, %lt3A_1189 : i32
        %and3A_1191 = arith.andi %and3A_1188, %lt3A_1190 : i1
        %jit3A_1192 = arith.constant 0 : i32
        %jit3A_1193 = arith.constant 15 : i32
        %max3A_1194 = arith.maxsi %jit3A_1192, %add3A_1178 : i32
        %min3A_1195 = arith.minsi %jit3A_1193, %max3A_1194 : i32
        %mul3A_1196 = arith.constant 16 : i32
        %mul3A_1197 = arith.muli %min3A_1195, %mul3A_1196 : i32
        %jit3A_1198 = arith.constant 0 : i32
        %jit3A_1199 = arith.constant 15 : i32
        %max3A_1200 = arith.maxsi %jit3A_1198, %add3A_1180 : i32
        %min3A_1201 = arith.minsi %jit3A_1199, %max3A_1200 : i32
        %add3A_1202 = arith.addi %mul3A_1197, %min3A_1201 : i32
        %jit3A_1203 = arith.constant 0.00999999977 : f32
        %jit3A_1204 = arith.constant 0.000000e+00 : f32
        %select_n3A_1205 = arith.select %and3A_1191, %jit3A_1203, %jit3A_1204 : f32
        %slice3A_1206 = vector.extract_strided_slice %div3A {offsets = [3], sizes = [1], strides = [1]} : vector<16xf32> to vector<1xf32>
        %squeeze3A_1207 = vector.extract %slice3A_1206[0] : f32 from vector<1xf32>
        %mul3A_1208 = arith.constant 256 : i32
        %mul3A_1209 = arith.muli %and3A_171, %mul3A_1208 : i32
        %add3A_1210 = arith.constant 0 : i32
        %add3A_1211 = arith.addi %mul3A_1209, %add3A_1210 : i32
        %get3A_1212 = arith.index_cast %add3A_1211 : i32 to index
        %get3A_1213 = tpu.vector_load %arg12[%get3A_1212] {strides = array<i32>} : memref<512xf32, #tpu.memory_space<vmem>>, vector<16xf32>,
        %mul3A_1214 = arith.constant 256 : i32
        %mul3A_1215 = arith.muli %and3A_171, %mul3A_1214 : i32
        %add3A_1216 = arith.constant 16 : i32
        %add3A_1217 = arith.addi %mul3A_1215, %add3A_1216 : i32
        %get3A_1218 = arith.index_cast %add3A_1217 : i32 to index
        %get3A_1219 = tpu.vector_load %arg12[%get3A_1218] {strides = array<i32>} : memref<512xf32, #tpu.memory_space<vmem>>, vector<16xf32>,
        %mul3A_1220 = arith.constant 256 : i32
        %mul3A_1221 = arith.muli %and3A_171, %mul3A_1220 : i32
        %add3A_1222 = arith.constant 32 : i32
        %add3A_1223 = arith.addi %mul3A_1221, %add3A_1222 : i32
        %get3A_1224 = arith.index_cast %add3A_1223 : i32 to index
        %get3A_1225 = tpu.vector_load %arg12[%get3A_1224] {strides = array<i32>} : memref<512xf32, #tpu.memory_space<vmem>>, vector<16xf32>,
        %mul3A_1226 = arith.constant 256 : i32
        %mul3A_1227 = arith.muli %and3A_171, %mul3A_1226 : i32
        %add3A_1228 = arith.constant 48 : i32
        %add3A_1229 = arith.addi %mul3A_1227, %add3A_1228 : i32
        %get3A_1230 = arith.index_cast %add3A_1229 : i32 to index
        %get3A_1231 = tpu.vector_load %arg12[%get3A_1230] {strides = array<i32>} : memref<512xf32, #tpu.memory_space<vmem>>, vector<16xf32>,
        %mul3A_1232 = arith.constant 256 : i32
        %mul3A_1233 = arith.muli %and3A_171, %mul3A_1232 : i32
        %add3A_1234 = arith.constant 64 : i32
        %add3A_1235 = arith.addi %mul3A_1233, %add3A_1234 : i32
        %get3A_1236 = arith.index_cast %add3A_1235 : i32 to index
        %get3A_1237 = tpu.vector_load %arg12[%get3A_1236] {strides = array<i32>} : memref<512xf32, #tpu.memory_space<vmem>>, vector<16xf32>,
        %mul3A_1238 = arith.constant 256 : i32
        %mul3A_1239 = arith.muli %and3A_171, %mul3A_1238 : i32
        %add3A_1240 = arith.constant 80 : i32
        %add3A_1241 = arith.addi %mul3A_1239, %add3A_1240 : i32
        %get3A_1242 = arith.index_cast %add3A_1241 : i32 to index
        %get3A_1243 = tpu.vector_load %arg12[%get3A_1242] {strides = array<i32>} : memref<512xf32, #tpu.memory_space<vmem>>, vector<16xf32>,
        %mul3A_1244 = arith.constant 256 : i32
        %mul3A_1245 = arith.muli %and3A_171, %mul3A_1244 : i32
        %add3A_1246 = arith.constant 96 : i32
        %add3A_1247 = arith.addi %mul3A_1245, %add3A_1246 : i32
        %get3A_1248 = arith.index_cast %add3A_1247 : i32 to index
        %get3A_1249 = tpu.vector_load %arg12[%get3A_1248] {strides = array<i32>} : memref<512xf32, #tpu.memory_space<vmem>>, vector<16xf32>,
        %mul3A_1250 = arith.constant 256 : i32
        %mul3A_1251 = arith.muli %and3A_171, %mul3A_1250 : i32
        %add3A_1252 = arith.constant 112 : i32
        %add3A_1253 = arith.addi %mul3A_1251, %add3A_1252 : i32
        %get3A_1254 = arith.index_cast %add3A_1253 : i32 to index
        %get3A_1255 = tpu.vector_load %arg12[%get3A_1254] {strides = array<i32>} : memref<512xf32, #tpu.memory_space<vmem>>, vector<16xf32>,
        %mul3A_1256 = arith.constant 256 : i32
        %mul3A_1257 = arith.muli %and3A_171, %mul3A_1256 : i32
        %add3A_1258 = arith.constant 128 : i32
        %add3A_1259 = arith.addi %mul3A_1257, %add3A_1258 : i32
        %get3A_1260 = arith.index_cast %add3A_1259 : i32 to index
        %get3A_1261 = tpu.vector_load %arg12[%get3A_1260] {strides = array<i32>} : memref<512xf32, #tpu.memory_space<vmem>>, vector<16xf32>,
        %mul3A_1262 = arith.constant 256 : i32
        %mul3A_1263 = arith.muli %and3A_171, %mul3A_1262 : i32
        %add3A_1264 = arith.constant 144 : i32
        %add3A_1265 = arith.addi %mul3A_1263, %add3A_1264 : i32
        %get3A_1266 = arith.index_cast %add3A_1265 : i32 to index
        %get3A_1267 = tpu.vector_load %arg12[%get3A_1266] {strides = array<i32>} : memref<512xf32, #tpu.memory_space<vmem>>, vector<16xf32>,
        %mul3A_1268 = arith.constant 256 : i32
        %mul3A_1269 = arith.muli %and3A_171, %mul3A_1268 : i32
        %add3A_1270 = arith.constant 160 : i32
        %add3A_1271 = arith.addi %mul3A_1269, %add3A_1270 : i32
        %get3A_1272 = arith.index_cast %add3A_1271 : i32 to index
        %get3A_1273 = tpu.vector_load %arg12[%get3A_1272] {strides = array<i32>} : memref<512xf32, #tpu.memory_space<vmem>>, vector<16xf32>,
        %mul3A_1274 = arith.constant 256 : i32
        %mul3A_1275 = arith.muli %and3A_171, %mul3A_1274 : i32
        %add3A_1276 = arith.constant 176 : i32
        %add3A_1277 = arith.addi %mul3A_1275, %add3A_1276 : i32
        %get3A_1278 = arith.index_cast %add3A_1277 : i32 to index
        %get3A_1279 = tpu.vector_load %arg12[%get3A_1278] {strides = array<i32>} : memref<512xf32, #tpu.memory_space<vmem>>, vector<16xf32>,
        %mul3A_1280 = arith.constant 256 : i32
        %mul3A_1281 = arith.muli %and3A_171, %mul3A_1280 : i32
        %add3A_1282 = arith.constant 192 : i32
        %add3A_1283 = arith.addi %mul3A_1281, %add3A_1282 : i32
        %get3A_1284 = arith.index_cast %add3A_1283 : i32 to index
        %get3A_1285 = tpu.vector_load %arg12[%get3A_1284] {strides = array<i32>} : memref<512xf32, #tpu.memory_space<vmem>>, vector<16xf32>,
        %mul3A_1286 = arith.constant 256 : i32
        %mul3A_1287 = arith.muli %and3A_171, %mul3A_1286 : i32
        %add3A_1288 = arith.constant 208 : i32
        %add3A_1289 = arith.addi %mul3A_1287, %add3A_1288 : i32
        %get3A_1290 = arith.index_cast %add3A_1289 : i32 to index
        %get3A_1291 = tpu.vector_load %arg12[%get3A_1290] {strides = array<i32>} : memref<512xf32, #tpu.memory_space<vmem>>, vector<16xf32>,
        %mul3A_1292 = arith.constant 256 : i32
        %mul3A_1293 = arith.muli %and3A_171, %mul3A_1292 : i32
        %add3A_1294 = arith.constant 224 : i32
        %add3A_1295 = arith.addi %mul3A_1293, %add3A_1294 : i32
        %get3A_1296 = arith.index_cast %add3A_1295 : i32 to index
        %get3A_1297 = tpu.vector_load %arg12[%get3A_1296] {strides = array<i32>} : memref<512xf32, #tpu.memory_space<vmem>>, vector<16xf32>,
        %mul3A_1298 = arith.constant 256 : i32
        %mul3A_1299 = arith.muli %and3A_171, %mul3A_1298 : i32
        %add3A_1300 = arith.constant 240 : i32
        %add3A_1301 = arith.addi %mul3A_1299, %add3A_1300 : i32
        %get3A_1302 = arith.index_cast %add3A_1301 : i32 to index
        %get3A_1303 = tpu.vector_load %arg12[%get3A_1302] {strides = array<i32>} : memref<512xf32, #tpu.memory_space<vmem>>, vector<16xf32>,
        %mul3A_1304 = arith.constant 257 : i32
        %mul3A_1305 = arith.muli %add3A_1111, %mul3A_1304 : i32
        %add3A_1306 = arith.constant 0 : i32
        %add3A_1307 = arith.addi %mul3A_1305, %add3A_1306 : i32
        %mul3A_1308 = vector.broadcast %squeeze3A : f32 to vector<16xf32>
        %mul3A_1309 = arith.mulf %mul3A_1308, %get3A_1213 : vector<16xf32>
        %swap3A_1310 = arith.index_cast %add3A_1307 : i32 to index
        %swap3A_1311 = tpu.vector_load %arg8[%swap3A_1310] {strides = array<i32>} : memref<65792xf32, #tpu.memory_space<vmem>>, vector<16xf32>,
        tpu.vector_store %arg8[%swap3A_1310], %mul3A_1309 {add = true, strides = array<i32>} : memref<65792xf32, #tpu.memory_space<vmem>>, vector<16xf32>,
        %mul3A_1312 = arith.constant 257 : i32
        %mul3A_1313 = arith.muli %add3A_1140, %mul3A_1312 : i32
        %add3A_1314 = arith.constant 0 : i32
        %add3A_1315 = arith.addi %mul3A_1313, %add3A_1314 : i32
        %mul3A_1316 = vector.broadcast %squeeze3A_1145 : f32 to vector<16xf32>
        %mul3A_1317 = arith.mulf %mul3A_1316, %get3A_1213 : vector<16xf32>
        %swap3A_1318 = arith.index_cast %add3A_1315 : i32 to index
        %swap3A_1319 = tpu.vector_load %arg8[%swap3A_1318] {strides = array<i32>} : memref<65792xf32, #tpu.memory_space<vmem>>, vector<16xf32>,
        tpu.vector_store %arg8[%swap3A_1318], %mul3A_1317 {add = true, strides = array<i32>} : memref<65792xf32, #tpu.memory_space<vmem>>, vector<16xf32>,
        %mul3A_1320 = arith.constant 257 : i32
        %mul3A_1321 = arith.muli %add3A_1171, %mul3A_1320 : i32
        %add3A_1322 = arith.constant 0 : i32
        %add3A_1323 = arith.addi %mul3A_1321, %add3A_1322 : i32
        %mul3A_1324 = vector.broadcast %squeeze3A_1176 : f32 to vector<16xf32>
        %mul3A_1325 = arith.mulf %mul3A_1324, %get3A_1213 : vector<16xf32>
        %swap3A_1326 = arith.index_cast %add3A_1323 : i32 to index
        %swap3A_1327 = tpu.vector_load %arg8[%swap3A_1326] {strides = array<i32>} : memref<65792xf32, #tpu.memory_space<vmem>>, vector<16xf32>,
        tpu.vector_store %arg8[%swap3A_1326], %mul3A_1325 {add = true, strides = array<i32>} : memref<65792xf32, #tpu.memory_space<vmem>>, vector<16xf32>,
        %mul3A_1328 = arith.constant 257 : i32
        %mul3A_1329 = arith.muli %add3A_1202, %mul3A_1328 : i32
        %add3A_1330 = arith.constant 0 : i32
        %add3A_1331 = arith.addi %mul3A_1329, %add3A_1330 : i32
        %mul3A_1332 = vector.broadcast %squeeze3A_1207 : f32 to vector<16xf32>
        %mul3A_1333 = arith.mulf %mul3A_1332, %get3A_1213 : vector<16xf32>
        %swap3A_1334 = arith.index_cast %add3A_1331 : i32 to index
        %swap3A_1335 = tpu.vector_load %arg8[%swap3A_1334] {strides = array<i32>} : memref<65792xf32, #tpu.memory_space<vmem>>, vector<16xf32>,
        tpu.vector_store %arg8[%swap3A_1334], %mul3A_1333 {add = true, strides = array<i32>} : memref<65792xf32, #tpu.memory_space<vmem>>, vector<16xf32>,
        %mul3A_1336 = arith.constant 257 : i32
        %mul3A_1337 = arith.muli %add3A_1111, %mul3A_1336 : i32
        %add3A_1338 = arith.constant 16 : i32
        %add3A_1339 = arith.addi %mul3A_1337, %add3A_1338 : i32
        %mul3A_1340 = vector.broadcast %squeeze3A : f32 to vector<16xf32>
        %mul3A_1341 = arith.mulf %mul3A_1340, %get3A_1219 : vector<16xf32>
        %swap3A_1342 = arith.index_cast %add3A_1339 : i32 to index
        %swap3A_1343 = tpu.vector_load %arg8[%swap3A_1342] {strides = array<i32>} : memref<65792xf32, #tpu.memory_space<vmem>>, vector<16xf32>,
        tpu.vector_store %arg8[%swap3A_1342], %mul3A_1341 {add = true, strides = array<i32>} : memref<65792xf32, #tpu.memory_space<vmem>>, vector<16xf32>,
        %mul3A_1344 = arith.constant 257 : i32
        %mul3A_1345 = arith.muli %add3A_1140, %mul3A_1344 : i32
        %add3A_1346 = arith.constant 16 : i32
        %add3A_1347 = arith.addi %mul3A_1345, %add3A_1346 : i32
        %mul3A_1348 = vector.broadcast %squeeze3A_1145 : f32 to vector<16xf32>
        %mul3A_1349 = arith.mulf %mul3A_1348, %get3A_1219 : vector<16xf32>
        %swap3A_1350 = arith.index_cast %add3A_1347 : i32 to index
        %swap3A_1351 = tpu.vector_load %arg8[%swap3A_1350] {strides = array<i32>} : memref<65792xf32, #tpu.memory_space<vmem>>, vector<16xf32>,
        tpu.vector_store %arg8[%swap3A_1350], %mul3A_1349 {add = true, strides = array<i32>} : memref<65792xf32, #tpu.memory_space<vmem>>, vector<16xf32>,
        %mul3A_1352 = arith.constant 257 : i32
        %mul3A_1353 = arith.muli %add3A_1171, %mul3A_1352 : i32
        %add3A_1354 = arith.constant 16 : i32
        %add3A_1355 = arith.addi %mul3A_1353, %add3A_1354 : i32
        %mul3A_1356 = vector.broadcast %squeeze3A_1176 : f32 to vector<16xf32>
        %mul3A_1357 = arith.mulf %mul3A_1356, %get3A_1219 : vector<16xf32>
        %swap3A_1358 = arith.index_cast %add3A_1355 : i32 to index
        %swap3A_1359 = tpu.vector_load %arg8[%swap3A_1358] {strides = array<i32>} : memref<65792xf32, #tpu.memory_space<vmem>>, vector<16xf32>,
        tpu.vector_store %arg8[%swap3A_1358], %mul3A_1357 {add = true, strides = array<i32>} : memref<65792xf32, #tpu.memory_space<vmem>>, vector<16xf32>,
        %mul3A_1360 = arith.constant 257 : i32
        %mul3A_1361 = arith.muli %add3A_1202, %mul3A_1360 : i32
        %add3A_1362 = arith.constant 16 : i32
        %add3A_1363 = arith.addi %mul3A_1361, %add3A_1362 : i32
        %mul3A_1364 = vector.broadcast %squeeze3A_1207 : f32 to vector<16xf32>
        %mul3A_1365 = arith.mulf %mul3A_1364, %get3A_1219 : vector<16xf32>
        %swap3A_1366 = arith.index_cast %add3A_1363 : i32 to index
        %swap3A_1367 = tpu.vector_load %arg8[%swap3A_1366] {strides = array<i32>} : memref<65792xf32, #tpu.memory_space<vmem>>, vector<16xf32>,
        tpu.vector_store %arg8[%swap3A_1366], %mul3A_1365 {add = true, strides = array<i32>} : memref<65792xf32, #tpu.memory_space<vmem>>, vector<16xf32>,
        %mul3A_1368 = arith.constant 257 : i32
        %mul3A_1369 = arith.muli %add3A_1111, %mul3A_1368 : i32
        %add3A_1370 = arith.constant 32 : i32
        %add3A_1371 = arith.addi %mul3A_1369, %add3A_1370 : i32
        %mul3A_1372 = vector.broadcast %squeeze3A : f32 to vector<16xf32>
        %mul3A_1373 = arith.mulf %mul3A_1372, %get3A_1225 : vector<16xf32>
        %swap3A_1374 = arith.index_cast %add3A_1371 : i32 to index
        %swap3A_1375 = tpu.vector_load %arg8[%swap3A_1374] {strides = array<i32>} : memref<65792xf32, #tpu.memory_space<vmem>>, vector<16xf32>,
        tpu.vector_store %arg8[%swap3A_1374], %mul3A_1373 {add = true, strides = array<i32>} : memref<65792xf32, #tpu.memory_space<vmem>>, vector<16xf32>,
        %mul3A_1376 = arith.constant 257 : i32
        %mul3A_1377 = arith.muli %add3A_1140, %mul3A_1376 : i32
        %add3A_1378 = arith.constant 32 : i32
        %add3A_1379 = arith.addi %mul3A_1377, %add3A_1378 : i32
        %mul3A_1380 = vector.broadcast %squeeze3A_1145 : f32 to vector<16xf32>
        %mul3A_1381 = arith.mulf %mul3A_1380, %get3A_1225 : vector<16xf32>
        %swap3A_1382 = arith.index_cast %add3A_1379 : i32 to index
        %swap3A_1383 = tpu.vector_load %arg8[%swap3A_1382] {strides = array<i32>} : memref<65792xf32, #tpu.memory_space<vmem>>, vector<16xf32>,
        tpu.vector_store %arg8[%swap3A_1382], %mul3A_1381 {add = true, strides = array<i32>} : memref<65792xf32, #tpu.memory_space<vmem>>, vector<16xf32>,
        %mul3A_1384 = arith.constant 257 : i32
        %mul3A_1385 = arith.muli %add3A_1171, %mul3A_1384 : i32
        %add3A_1386 = arith.constant 32 : i32
        %add3A_1387 = arith.addi %mul3A_1385, %add3A_1386 : i32
        %mul3A_1388 = vector.broadcast %squeeze3A_1176 : f32 to vector<16xf32>
        %mul3A_1389 = arith.mulf %mul3A_1388, %get3A_1225 : vector<16xf32>
        %swap3A_1390 = arith.index_cast %add3A_1387 : i32 to index
        %swap3A_1391 = tpu.vector_load %arg8[%swap3A_1390] {strides = array<i32>} : memref<65792xf32, #tpu.memory_space<vmem>>, vector<16xf32>,
        tpu.vector_store %arg8[%swap3A_1390], %mul3A_1389 {add = true, strides = array<i32>} : memref<65792xf32, #tpu.memory_space<vmem>>, vector<16xf32>,
        %mul3A_1392 = arith.constant 257 : i32
        %mul3A_1393 = arith.muli %add3A_1202, %mul3A_1392 : i32
        %add3A_1394 = arith.constant 32 : i32
        %add3A_1395 = arith.addi %mul3A_1393, %add3A_1394 : i32
        %mul3A_1396 = vector.broadcast %squeeze3A_1207 : f32 to vector<16xf32>
        %mul3A_1397 = arith.mulf %mul3A_1396, %get3A_1225 : vector<16xf32>
        %swap3A_1398 = arith.index_cast %add3A_1395 : i32 to index
        %swap3A_1399 = tpu.vector_load %arg8[%swap3A_1398] {strides = array<i32>} : memref<65792xf32, #tpu.memory_space<vmem>>, vector<16xf32>,
        tpu.vector_store %arg8[%swap3A_1398], %mul3A_1397 {add = true, strides = array<i32>} : memref<65792xf32, #tpu.memory_space<vmem>>, vector<16xf32>,
        %mul3A_1400 = arith.constant 257 : i32
        %mul3A_1401 = arith.muli %add3A_1111, %mul3A_1400 : i32
        %add3A_1402 = arith.constant 48 : i32
        %add3A_1403 = arith.addi %mul3A_1401, %add3A_1402 : i32
        %mul3A_1404 = vector.broadcast %squeeze3A : f32 to vector<16xf32>
        %mul3A_1405 = arith.mulf %mul3A_1404, %get3A_1231 : vector<16xf32>
        %swap3A_1406 = arith.index_cast %add3A_1403 : i32 to index
        %swap3A_1407 = tpu.vector_load %arg8[%swap3A_1406] {strides = array<i32>} : memref<65792xf32, #tpu.memory_space<vmem>>, vector<16xf32>,
        tpu.vector_store %arg8[%swap3A_1406], %mul3A_1405 {add = true, strides = array<i32>} : memref<65792xf32, #tpu.memory_space<vmem>>, vector<16xf32>,
        %mul3A_1408 = arith.constant 257 : i32
        %mul3A_1409 = arith.muli %add3A_1140, %mul3A_1408 : i32
        %add3A_1410 = arith.constant 48 : i32
        %add3A_1411 = arith.addi %mul3A_1409, %add3A_1410 : i32
        %mul3A_1412 = vector.broadcast %squeeze3A_1145 : f32 to vector<16xf32>
        %mul3A_1413 = arith.mulf %mul3A_1412, %get3A_1231 : vector<16xf32>
        %swap3A_1414 = arith.index_cast %add3A_1411 : i32 to index
        %swap3A_1415 = tpu.vector_load %arg8[%swap3A_1414] {strides = array<i32>} : memref<65792xf32, #tpu.memory_space<vmem>>, vector<16xf32>,
        tpu.vector_store %arg8[%swap3A_1414], %mul3A_1413 {add = true, strides = array<i32>} : memref<65792xf32, #tpu.memory_space<vmem>>, vector<16xf32>,
        %mul3A_1416 = arith.constant 257 : i32
        %mul3A_1417 = arith.muli %add3A_1171, %mul3A_1416 : i32
        %add3A_1418 = arith.constant 48 : i32
        %add3A_1419 = arith.addi %mul3A_1417, %add3A_1418 : i32
        %mul3A_1420 = vector.broadcast %squeeze3A_1176 : f32 to vector<16xf32>
        %mul3A_1421 = arith.mulf %mul3A_1420, %get3A_1231 : vector<16xf32>
        %swap3A_1422 = arith.index_cast %add3A_1419 : i32 to index
        %swap3A_1423 = tpu.vector_load %arg8[%swap3A_1422] {strides = array<i32>} : memref<65792xf32, #tpu.memory_space<vmem>>, vector<16xf32>,
        tpu.vector_store %arg8[%swap3A_1422], %mul3A_1421 {add = true, strides = array<i32>} : memref<65792xf32, #tpu.memory_space<vmem>>, vector<16xf32>,
        %mul3A_1424 = arith.constant 257 : i32
        %mul3A_1425 = arith.muli %add3A_1202, %mul3A_1424 : i32
        %add3A_1426 = arith.constant 48 : i32
        %add3A_1427 = arith.addi %mul3A_1425, %add3A_1426 : i32
        %mul3A_1428 = vector.broadcast %squeeze3A_1207 : f32 to vector<16xf32>
        %mul3A_1429 = arith.mulf %mul3A_1428, %get3A_1231 : vector<16xf32>
        %swap3A_1430 = arith.index_cast %add3A_1427 : i32 to index
        %swap3A_1431 = tpu.vector_load %arg8[%swap3A_1430] {strides = array<i32>} : memref<65792xf32, #tpu.memory_space<vmem>>, vector<16xf32>,
        tpu.vector_store %arg8[%swap3A_1430], %mul3A_1429 {add = true, strides = array<i32>} : memref<65792xf32, #tpu.memory_space<vmem>>, vector<16xf32>,
        %mul3A_1432 = arith.constant 257 : i32
        %mul3A_1433 = arith.muli %add3A_1111, %mul3A_1432 : i32
        %add3A_1434 = arith.constant 64 : i32
        %add3A_1435 = arith.addi %mul3A_1433, %add3A_1434 : i32
        %mul3A_1436 = vector.broadcast %squeeze3A : f32 to vector<16xf32>
        %mul3A_1437 = arith.mulf %mul3A_1436, %get3A_1237 : vector<16xf32>
        %swap3A_1438 = arith.index_cast %add3A_1435 : i32 to index
        %swap3A_1439 = tpu.vector_load %arg8[%swap3A_1438] {strides = array<i32>} : memref<65792xf32, #tpu.memory_space<vmem>>, vector<16xf32>,
        tpu.vector_store %arg8[%swap3A_1438], %mul3A_1437 {add = true, strides = array<i32>} : memref<65792xf32, #tpu.memory_space<vmem>>, vector<16xf32>,
        %mul3A_1440 = arith.constant 257 : i32
        %mul3A_1441 = arith.muli %add3A_1140, %mul3A_1440 : i32
        %add3A_1442 = arith.constant 64 : i32
        %add3A_1443 = arith.addi %mul3A_1441, %add3A_1442 : i32
        %mul3A_1444 = vector.broadcast %squeeze3A_1145 : f32 to vector<16xf32>
        %mul3A_1445 = arith.mulf %mul3A_1444, %get3A_1237 : vector<16xf32>
        %swap3A_1446 = arith.index_cast %add3A_1443 : i32 to index
        %swap3A_1447 = tpu.vector_load %arg8[%swap3A_1446] {strides = array<i32>} : memref<65792xf32, #tpu.memory_space<vmem>>, vector<16xf32>,
        tpu.vector_store %arg8[%swap3A_1446], %mul3A_1445 {add = true, strides = array<i32>} : memref<65792xf32, #tpu.memory_space<vmem>>, vector<16xf32>,
        %mul3A_1448 = arith.constant 257 : i32
        %mul3A_1449 = arith.muli %add3A_1171, %mul3A_1448 : i32
        %add3A_1450 = arith.constant 64 : i32
        %add3A_1451 = arith.addi %mul3A_1449, %add3A_1450 : i32
        %mul3A_1452 = vector.broadcast %squeeze3A_1176 : f32 to vector<16xf32>
        %mul3A_1453 = arith.mulf %mul3A_1452, %get3A_1237 : vector<16xf32>
        %swap3A_1454 = arith.index_cast %add3A_1451 : i32 to index
        %swap3A_1455 = tpu.vector_load %arg8[%swap3A_1454] {strides = array<i32>} : memref<65792xf32, #tpu.memory_space<vmem>>, vector<16xf32>,
        tpu.vector_store %arg8[%swap3A_1454], %mul3A_1453 {add = true, strides = array<i32>} : memref<65792xf32, #tpu.memory_space<vmem>>, vector<16xf32>,
        %mul3A_1456 = arith.constant 257 : i32
        %mul3A_1457 = arith.muli %add3A_1202, %mul3A_1456 : i32
        %add3A_1458 = arith.constant 64 : i32
        %add3A_1459 = arith.addi %mul3A_1457, %add3A_1458 : i32
        %mul3A_1460 = vector.broadcast %squeeze3A_1207 : f32 to vector<16xf32>
        %mul3A_1461 = arith.mulf %mul3A_1460, %get3A_1237 : vector<16xf32>
        %swap3A_1462 = arith.index_cast %add3A_1459 : i32 to index
        %swap3A_1463 = tpu.vector_load %arg8[%swap3A_1462] {strides = array<i32>} : memref<65792xf32, #tpu.memory_space<vmem>>, vector<16xf32>,
        tpu.vector_store %arg8[%swap3A_1462], %mul3A_1461 {add = true, strides = array<i32>} : memref<65792xf32, #tpu.memory_space<vmem>>, vector<16xf32>,
        %mul3A_1464 = arith.constant 257 : i32
        %mul3A_1465 = arith.muli %add3A_1111, %mul3A_1464 : i32
        %add3A_1466 = arith.constant 80 : i32
        %add3A_1467 = arith.addi %mul3A_1465, %add3A_1466 : i32
        %mul3A_1468 = vector.broadcast %squeeze3A : f32 to vector<16xf32>
        %mul3A_1469 = arith.mulf %mul3A_1468, %get3A_1243 : vector<16xf32>
        %swap3A_1470 = arith.index_cast %add3A_1467 : i32 to index
        %swap3A_1471 = tpu.vector_load %arg8[%swap3A_1470] {strides = array<i32>} : memref<65792xf32, #tpu.memory_space<vmem>>, vector<16xf32>,
        tpu.vector_store %arg8[%swap3A_1470], %mul3A_1469 {add = true, strides = array<i32>} : memref<65792xf32, #tpu.memory_space<vmem>>, vector<16xf32>,
        %mul3A_1472 = arith.constant 257 : i32
        %mul3A_1473 = arith.muli %add3A_1140, %mul3A_1472 : i32
        %add3A_1474 = arith.constant 80 : i32
        %add3A_1475 = arith.addi %mul3A_1473, %add3A_1474 : i32
        %mul3A_1476 = vector.broadcast %squeeze3A_1145 : f32 to vector<16xf32>
        %mul3A_1477 = arith.mulf %mul3A_1476, %get3A_1243 : vector<16xf32>
        %swap3A_1478 = arith.index_cast %add3A_1475 : i32 to index
        %swap3A_1479 = tpu.vector_load %arg8[%swap3A_1478] {strides = array<i32>} : memref<65792xf32, #tpu.memory_space<vmem>>, vector<16xf32>,
        tpu.vector_store %arg8[%swap3A_1478], %mul3A_1477 {add = true, strides = array<i32>} : memref<65792xf32, #tpu.memory_space<vmem>>, vector<16xf32>,
        %mul3A_1480 = arith.constant 257 : i32
        %mul3A_1481 = arith.muli %add3A_1171, %mul3A_1480 : i32
        %add3A_1482 = arith.constant 80 : i32
        %add3A_1483 = arith.addi %mul3A_1481, %add3A_1482 : i32
        %mul3A_1484 = vector.broadcast %squeeze3A_1176 : f32 to vector<16xf32>
        %mul3A_1485 = arith.mulf %mul3A_1484, %get3A_1243 : vector<16xf32>
        %swap3A_1486 = arith.index_cast %add3A_1483 : i32 to index
        %swap3A_1487 = tpu.vector_load %arg8[%swap3A_1486] {strides = array<i32>} : memref<65792xf32, #tpu.memory_space<vmem>>, vector<16xf32>,
        tpu.vector_store %arg8[%swap3A_1486], %mul3A_1485 {add = true, strides = array<i32>} : memref<65792xf32, #tpu.memory_space<vmem>>, vector<16xf32>,
        %mul3A_1488 = arith.constant 257 : i32
        %mul3A_1489 = arith.muli %add3A_1202, %mul3A_1488 : i32
        %add3A_1490 = arith.constant 80 : i32
        %add3A_1491 = arith.addi %mul3A_1489, %add3A_1490 : i32
        %mul3A_1492 = vector.broadcast %squeeze3A_1207 : f32 to vector<16xf32>
        %mul3A_1493 = arith.mulf %mul3A_1492, %get3A_1243 : vector<16xf32>
        %swap3A_1494 = arith.index_cast %add3A_1491 : i32 to index
        %swap3A_1495 = tpu.vector_load %arg8[%swap3A_1494] {strides = array<i32>} : memref<65792xf32, #tpu.memory_space<vmem>>, vector<16xf32>,
        tpu.vector_store %arg8[%swap3A_1494], %mul3A_1493 {add = true, strides = array<i32>} : memref<65792xf32, #tpu.memory_space<vmem>>, vector<16xf32>,
        %mul3A_1496 = arith.constant 257 : i32
        %mul3A_1497 = arith.muli %add3A_1111, %mul3A_1496 : i32
        %add3A_1498 = arith.constant 96 : i32
        %add3A_1499 = arith.addi %mul3A_1497, %add3A_1498 : i32
        %mul3A_1500 = vector.broadcast %squeeze3A : f32 to vector<16xf32>
        %mul3A_1501 = arith.mulf %mul3A_1500, %get3A_1249 : vector<16xf32>
        %swap3A_1502 = arith.index_cast %add3A_1499 : i32 to index
        %swap3A_1503 = tpu.vector_load %arg8[%swap3A_1502] {strides = array<i32>} : memref<65792xf32, #tpu.memory_space<vmem>>, vector<16xf32>,
        tpu.vector_store %arg8[%swap3A_1502], %mul3A_1501 {add = true, strides = array<i32>} : memref<65792xf32, #tpu.memory_space<vmem>>, vector<16xf32>,
        %mul3A_1504 = arith.constant 257 : i32
        %mul3A_1505 = arith.muli %add3A_1140, %mul3A_1504 : i32
        %add3A_1506 = arith.constant 96 : i32
        %add3A_1507 = arith.addi %mul3A_1505, %add3A_1506 : i32
        %mul3A_1508 = vector.broadcast %squeeze3A_1145 : f32 to vector<16xf32>
        %mul3A_1509 = arith.mulf %mul3A_1508, %get3A_1249 : vector<16xf32>
        %swap3A_1510 = arith.index_cast %add3A_1507 : i32 to index
        %swap3A_1511 = tpu.vector_load %arg8[%swap3A_1510] {strides = array<i32>} : memref<65792xf32, #tpu.memory_space<vmem>>, vector<16xf32>,
        tpu.vector_store %arg8[%swap3A_1510], %mul3A_1509 {add = true, strides = array<i32>} : memref<65792xf32, #tpu.memory_space<vmem>>, vector<16xf32>,
        %mul3A_1512 = arith.constant 257 : i32
        %mul3A_1513 = arith.muli %add3A_1171, %mul3A_1512 : i32
        %add3A_1514 = arith.constant 96 : i32
        %add3A_1515 = arith.addi %mul3A_1513, %add3A_1514 : i32
        %mul3A_1516 = vector.broadcast %squeeze3A_1176 : f32 to vector<16xf32>
        %mul3A_1517 = arith.mulf %mul3A_1516, %get3A_1249 : vector<16xf32>
        %swap3A_1518 = arith.index_cast %add3A_1515 : i32 to index
        %swap3A_1519 = tpu.vector_load %arg8[%swap3A_1518] {strides = array<i32>} : memref<65792xf32, #tpu.memory_space<vmem>>, vector<16xf32>,
        tpu.vector_store %arg8[%swap3A_1518], %mul3A_1517 {add = true, strides = array<i32>} : memref<65792xf32, #tpu.memory_space<vmem>>, vector<16xf32>,
        %mul3A_1520 = arith.constant 257 : i32
        %mul3A_1521 = arith.muli %add3A_1202, %mul3A_1520 : i32
        %add3A_1522 = arith.constant 96 : i32
        %add3A_1523 = arith.addi %mul3A_1521, %add3A_1522 : i32
        %mul3A_1524 = vector.broadcast %squeeze3A_1207 : f32 to vector<16xf32>
        %mul3A_1525 = arith.mulf %mul3A_1524, %get3A_1249 : vector<16xf32>
        %swap3A_1526 = arith.index_cast %add3A_1523 : i32 to index
        %swap3A_1527 = tpu.vector_load %arg8[%swap3A_1526] {strides = array<i32>} : memref<65792xf32, #tpu.memory_space<vmem>>, vector<16xf32>,
        tpu.vector_store %arg8[%swap3A_1526], %mul3A_1525 {add = true, strides = array<i32>} : memref<65792xf32, #tpu.memory_space<vmem>>, vector<16xf32>,
        %mul3A_1528 = arith.constant 257 : i32
        %mul3A_1529 = arith.muli %add3A_1111, %mul3A_1528 : i32
        %add3A_1530 = arith.constant 112 : i32
        %add3A_1531 = arith.addi %mul3A_1529, %add3A_1530 : i32
        %mul3A_1532 = vector.broadcast %squeeze3A : f32 to vector<16xf32>
        %mul3A_1533 = arith.mulf %mul3A_1532, %get3A_1255 : vector<16xf32>
        %swap3A_1534 = arith.index_cast %add3A_1531 : i32 to index
        %swap3A_1535 = tpu.vector_load %arg8[%swap3A_1534] {strides = array<i32>} : memref<65792xf32, #tpu.memory_space<vmem>>, vector<16xf32>,
        tpu.vector_store %arg8[%swap3A_1534], %mul3A_1533 {add = true, strides = array<i32>} : memref<65792xf32, #tpu.memory_space<vmem>>, vector<16xf32>,
        %mul3A_1536 = arith.constant 257 : i32
        %mul3A_1537 = arith.muli %add3A_1140, %mul3A_1536 : i32
        %add3A_1538 = arith.constant 112 : i32
        %add3A_1539 = arith.addi %mul3A_1537, %add3A_1538 : i32
        %mul3A_1540 = vector.broadcast %squeeze3A_1145 : f32 to vector<16xf32>
        %mul3A_1541 = arith.mulf %mul3A_1540, %get3A_1255 : vector<16xf32>
        %swap3A_1542 = arith.index_cast %add3A_1539 : i32 to index
        %swap3A_1543 = tpu.vector_load %arg8[%swap3A_1542] {strides = array<i32>} : memref<65792xf32, #tpu.memory_space<vmem>>, vector<16xf32>,
        tpu.vector_store %arg8[%swap3A_1542], %mul3A_1541 {add = true, strides = array<i32>} : memref<65792xf32, #tpu.memory_space<vmem>>, vector<16xf32>,
        %mul3A_1544 = arith.constant 257 : i32
        %mul3A_1545 = arith.muli %add3A_1171, %mul3A_1544 : i32
        %add3A_1546 = arith.constant 112 : i32
        %add3A_1547 = arith.addi %mul3A_1545, %add3A_1546 : i32
        %mul3A_1548 = vector.broadcast %squeeze3A_1176 : f32 to vector<16xf32>
        %mul3A_1549 = arith.mulf %mul3A_1548, %get3A_1255 : vector<16xf32>
        %swap3A_1550 = arith.index_cast %add3A_1547 : i32 to index
        %swap3A_1551 = tpu.vector_load %arg8[%swap3A_1550] {strides = array<i32>} : memref<65792xf32, #tpu.memory_space<vmem>>, vector<16xf32>,
        tpu.vector_store %arg8[%swap3A_1550], %mul3A_1549 {add = true, strides = array<i32>} : memref<65792xf32, #tpu.memory_space<vmem>>, vector<16xf32>,
        %mul3A_1552 = arith.constant 257 : i32
        %mul3A_1553 = arith.muli %add3A_1202, %mul3A_1552 : i32
        %add3A_1554 = arith.constant 112 : i32
        %add3A_1555 = arith.addi %mul3A_1553, %add3A_1554 : i32
        %mul3A_1556 = vector.broadcast %squeeze3A_1207 : f32 to vector<16xf32>
        %mul3A_1557 = arith.mulf %mul3A_1556, %get3A_1255 : vector<16xf32>
        %swap3A_1558 = arith.index_cast %add3A_1555 : i32 to index
        %swap3A_1559 = tpu.vector_load %arg8[%swap3A_1558] {strides = array<i32>} : memref<65792xf32, #tpu.memory_space<vmem>>, vector<16xf32>,
        tpu.vector_store %arg8[%swap3A_1558], %mul3A_1557 {add = true, strides = array<i32>} : memref<65792xf32, #tpu.memory_space<vmem>>, vector<16xf32>,
        %mul3A_1560 = arith.constant 257 : i32
        %mul3A_1561 = arith.muli %add3A_1111, %mul3A_1560 : i32
        %add3A_1562 = arith.constant 128 : i32
        %add3A_1563 = arith.addi %mul3A_1561, %add3A_1562 : i32
        %mul3A_1564 = vector.broadcast %squeeze3A : f32 to vector<16xf32>
        %mul3A_1565 = arith.mulf %mul3A_1564, %get3A_1261 : vector<16xf32>
        %swap3A_1566 = arith.index_cast %add3A_1563 : i32 to index
        %swap3A_1567 = tpu.vector_load %arg8[%swap3A_1566] {strides = array<i32>} : memref<65792xf32, #tpu.memory_space<vmem>>, vector<16xf32>,
        tpu.vector_store %arg8[%swap3A_1566], %mul3A_1565 {add = true, strides = array<i32>} : memref<65792xf32, #tpu.memory_space<vmem>>, vector<16xf32>,
        %mul3A_1568 = arith.constant 257 : i32
        %mul3A_1569 = arith.muli %add3A_1140, %mul3A_1568 : i32
        %add3A_1570 = arith.constant 128 : i32
        %add3A_1571 = arith.addi %mul3A_1569, %add3A_1570 : i32
        %mul3A_1572 = vector.broadcast %squeeze3A_1145 : f32 to vector<16xf32>
        %mul3A_1573 = arith.mulf %mul3A_1572, %get3A_1261 : vector<16xf32>
        %swap3A_1574 = arith.index_cast %add3A_1571 : i32 to index
        %swap3A_1575 = tpu.vector_load %arg8[%swap3A_1574] {strides = array<i32>} : memref<65792xf32, #tpu.memory_space<vmem>>, vector<16xf32>,
        tpu.vector_store %arg8[%swap3A_1574], %mul3A_1573 {add = true, strides = array<i32>} : memref<65792xf32, #tpu.memory_space<vmem>>, vector<16xf32>,
        %mul3A_1576 = arith.constant 257 : i32
        %mul3A_1577 = arith.muli %add3A_1171, %mul3A_1576 : i32
        %add3A_1578 = arith.constant 128 : i32
        %add3A_1579 = arith.addi %mul3A_1577, %add3A_1578 : i32
        %mul3A_1580 = vector.broadcast %squeeze3A_1176 : f32 to vector<16xf32>
        %mul3A_1581 = arith.mulf %mul3A_1580, %get3A_1261 : vector<16xf32>
        %swap3A_1582 = arith.index_cast %add3A_1579 : i32 to index
        %swap3A_1583 = tpu.vector_load %arg8[%swap3A_1582] {strides = array<i32>} : memref<65792xf32, #tpu.memory_space<vmem>>, vector<16xf32>,
        tpu.vector_store %arg8[%swap3A_1582], %mul3A_1581 {add = true, strides = array<i32>} : memref<65792xf32, #tpu.memory_space<vmem>>, vector<16xf32>,
        %mul3A_1584 = arith.constant 257 : i32
        %mul3A_1585 = arith.muli %add3A_1202, %mul3A_1584 : i32
        %add3A_1586 = arith.constant 128 : i32
        %add3A_1587 = arith.addi %mul3A_1585, %add3A_1586 : i32
        %mul3A_1588 = vector.broadcast %squeeze3A_1207 : f32 to vector<16xf32>
        %mul3A_1589 = arith.mulf %mul3A_1588, %get3A_1261 : vector<16xf32>
        %swap3A_1590 = arith.index_cast %add3A_1587 : i32 to index
        %swap3A_1591 = tpu.vector_load %arg8[%swap3A_1590] {strides = array<i32>} : memref<65792xf32, #tpu.memory_space<vmem>>, vector<16xf32>,
        tpu.vector_store %arg8[%swap3A_1590], %mul3A_1589 {add = true, strides = array<i32>} : memref<65792xf32, #tpu.memory_space<vmem>>, vector<16xf32>,
        %mul3A_1592 = arith.constant 257 : i32
        %mul3A_1593 = arith.muli %add3A_1111, %mul3A_1592 : i32
        %add3A_1594 = arith.constant 144 : i32
        %add3A_1595 = arith.addi %mul3A_1593, %add3A_1594 : i32
        %mul3A_1596 = vector.broadcast %squeeze3A : f32 to vector<16xf32>
        %mul3A_1597 = arith.mulf %mul3A_1596, %get3A_1267 : vector<16xf32>
        %swap3A_1598 = arith.index_cast %add3A_1595 : i32 to index
        %swap3A_1599 = tpu.vector_load %arg8[%swap3A_1598] {strides = array<i32>} : memref<65792xf32, #tpu.memory_space<vmem>>, vector<16xf32>,
        tpu.vector_store %arg8[%swap3A_1598], %mul3A_1597 {add = true, strides = array<i32>} : memref<65792xf32, #tpu.memory_space<vmem>>, vector<16xf32>,
        %mul3A_1600 = arith.constant 257 : i32
        %mul3A_1601 = arith.muli %add3A_1140, %mul3A_1600 : i32
        %add3A_1602 = arith.constant 144 : i32
        %add3A_1603 = arith.addi %mul3A_1601, %add3A_1602 : i32
        %mul3A_1604 = vector.broadcast %squeeze3A_1145 : f32 to vector<16xf32>
        %mul3A_1605 = arith.mulf %mul3A_1604, %get3A_1267 : vector<16xf32>
        %swap3A_1606 = arith.index_cast %add3A_1603 : i32 to index
        %swap3A_1607 = tpu.vector_load %arg8[%swap3A_1606] {strides = array<i32>} : memref<65792xf32, #tpu.memory_space<vmem>>, vector<16xf32>,
        tpu.vector_store %arg8[%swap3A_1606], %mul3A_1605 {add = true, strides = array<i32>} : memref<65792xf32, #tpu.memory_space<vmem>>, vector<16xf32>,
        %mul3A_1608 = arith.constant 257 : i32
        %mul3A_1609 = arith.muli %add3A_1171, %mul3A_1608 : i32
        %add3A_1610 = arith.constant 144 : i32
        %add3A_1611 = arith.addi %mul3A_1609, %add3A_1610 : i32
        %mul3A_1612 = vector.broadcast %squeeze3A_1176 : f32 to vector<16xf32>
        %mul3A_1613 = arith.mulf %mul3A_1612, %get3A_1267 : vector<16xf32>
        %swap3A_1614 = arith.index_cast %add3A_1611 : i32 to index
        %swap3A_1615 = tpu.vector_load %arg8[%swap3A_1614] {strides = array<i32>} : memref<65792xf32, #tpu.memory_space<vmem>>, vector<16xf32>,
        tpu.vector_store %arg8[%swap3A_1614], %mul3A_1613 {add = true, strides = array<i32>} : memref<65792xf32, #tpu.memory_space<vmem>>, vector<16xf32>,
        %mul3A_1616 = arith.constant 257 : i32
        %mul3A_1617 = arith.muli %add3A_1202, %mul3A_1616 : i32
        %add3A_1618 = arith.constant 144 : i32
        %add3A_1619 = arith.addi %mul3A_1617, %add3A_1618 : i32
        %mul3A_1620 = vector.broadcast %squeeze3A_1207 : f32 to vector<16xf32>
        %mul3A_1621 = arith.mulf %mul3A_1620, %get3A_1267 : vector<16xf32>
        %swap3A_1622 = arith.index_cast %add3A_1619 : i32 to index
        %swap3A_1623 = tpu.vector_load %arg8[%swap3A_1622] {strides = array<i32>} : memref<65792xf32, #tpu.memory_space<vmem>>, vector<16xf32>,
        tpu.vector_store %arg8[%swap3A_1622], %mul3A_1621 {add = true, strides = array<i32>} : memref<65792xf32, #tpu.memory_space<vmem>>, vector<16xf32>,
        %mul3A_1624 = arith.constant 257 : i32
        %mul3A_1625 = arith.muli %add3A_1111, %mul3A_1624 : i32
        %add3A_1626 = arith.constant 160 : i32
        %add3A_1627 = arith.addi %mul3A_1625, %add3A_1626 : i32
        %mul3A_1628 = vector.broadcast %squeeze3A : f32 to vector<16xf32>
        %mul3A_1629 = arith.mulf %mul3A_1628, %get3A_1273 : vector<16xf32>
        %swap3A_1630 = arith.index_cast %add3A_1627 : i32 to index
        %swap3A_1631 = tpu.vector_load %arg8[%swap3A_1630] {strides = array<i32>} : memref<65792xf32, #tpu.memory_space<vmem>>, vector<16xf32>,
        tpu.vector_store %arg8[%swap3A_1630], %mul3A_1629 {add = true, strides = array<i32>} : memref<65792xf32, #tpu.memory_space<vmem>>, vector<16xf32>,
        %mul3A_1632 = arith.constant 257 : i32
        %mul3A_1633 = arith.muli %add3A_1140, %mul3A_1632 : i32
        %add3A_1634 = arith.constant 160 : i32
        %add3A_1635 = arith.addi %mul3A_1633, %add3A_1634 : i32
        %mul3A_1636 = vector.broadcast %squeeze3A_1145 : f32 to vector<16xf32>
        %mul3A_1637 = arith.mulf %mul3A_1636, %get3A_1273 : vector<16xf32>
        %swap3A_1638 = arith.index_cast %add3A_1635 : i32 to index
        %swap3A_1639 = tpu.vector_load %arg8[%swap3A_1638] {strides = array<i32>} : memref<65792xf32, #tpu.memory_space<vmem>>, vector<16xf32>,
        tpu.vector_store %arg8[%swap3A_1638], %mul3A_1637 {add = true, strides = array<i32>} : memref<65792xf32, #tpu.memory_space<vmem>>, vector<16xf32>,
        %mul3A_1640 = arith.constant 257 : i32
        %mul3A_1641 = arith.muli %add3A_1171, %mul3A_1640 : i32
        %add3A_1642 = arith.constant 160 : i32
        %add3A_1643 = arith.addi %mul3A_1641, %add3A_1642 : i32
        %mul3A_1644 = vector.broadcast %squeeze3A_1176 : f32 to vector<16xf32>
        %mul3A_1645 = arith.mulf %mul3A_1644, %get3A_1273 : vector<16xf32>
        %swap3A_1646 = arith.index_cast %add3A_1643 : i32 to index
        %swap3A_1647 = tpu.vector_load %arg8[%swap3A_1646] {strides = array<i32>} : memref<65792xf32, #tpu.memory_space<vmem>>, vector<16xf32>,
        tpu.vector_store %arg8[%swap3A_1646], %mul3A_1645 {add = true, strides = array<i32>} : memref<65792xf32, #tpu.memory_space<vmem>>, vector<16xf32>,
        %mul3A_1648 = arith.constant 257 : i32
        %mul3A_1649 = arith.muli %add3A_1202, %mul3A_1648 : i32
        %add3A_1650 = arith.constant 160 : i32
        %add3A_1651 = arith.addi %mul3A_1649, %add3A_1650 : i32
        %mul3A_1652 = vector.broadcast %squeeze3A_1207 : f32 to vector<16xf32>
        %mul3A_1653 = arith.mulf %mul3A_1652, %get3A_1273 : vector<16xf32>
        %swap3A_1654 = arith.index_cast %add3A_1651 : i32 to index
        %swap3A_1655 = tpu.vector_load %arg8[%swap3A_1654] {strides = array<i32>} : memref<65792xf32, #tpu.memory_space<vmem>>, vector<16xf32>,
        tpu.vector_store %arg8[%swap3A_1654], %mul3A_1653 {add = true, strides = array<i32>} : memref<65792xf32, #tpu.memory_space<vmem>>, vector<16xf32>,
        %mul3A_1656 = arith.constant 257 : i32
        %mul3A_1657 = arith.muli %add3A_1111, %mul3A_1656 : i32
        %add3A_1658 = arith.constant 176 : i32
        %add3A_1659 = arith.addi %mul3A_1657, %add3A_1658 : i32
        %mul3A_1660 = vector.broadcast %squeeze3A : f32 to vector<16xf32>
        %mul3A_1661 = arith.mulf %mul3A_1660, %get3A_1279 : vector<16xf32>
        %swap3A_1662 = arith.index_cast %add3A_1659 : i32 to index
        %swap3A_1663 = tpu.vector_load %arg8[%swap3A_1662] {strides = array<i32>} : memref<65792xf32, #tpu.memory_space<vmem>>, vector<16xf32>,
        tpu.vector_store %arg8[%swap3A_1662], %mul3A_1661 {add = true, strides = array<i32>} : memref<65792xf32, #tpu.memory_space<vmem>>, vector<16xf32>,
        %mul3A_1664 = arith.constant 257 : i32
        %mul3A_1665 = arith.muli %add3A_1140, %mul3A_1664 : i32
        %add3A_1666 = arith.constant 176 : i32
        %add3A_1667 = arith.addi %mul3A_1665, %add3A_1666 : i32
        %mul3A_1668 = vector.broadcast %squeeze3A_1145 : f32 to vector<16xf32>
        %mul3A_1669 = arith.mulf %mul3A_1668, %get3A_1279 : vector<16xf32>
        %swap3A_1670 = arith.index_cast %add3A_1667 : i32 to index
        %swap3A_1671 = tpu.vector_load %arg8[%swap3A_1670] {strides = array<i32>} : memref<65792xf32, #tpu.memory_space<vmem>>, vector<16xf32>,
        tpu.vector_store %arg8[%swap3A_1670], %mul3A_1669 {add = true, strides = array<i32>} : memref<65792xf32, #tpu.memory_space<vmem>>, vector<16xf32>,
        %mul3A_1672 = arith.constant 257 : i32
        %mul3A_1673 = arith.muli %add3A_1171, %mul3A_1672 : i32
        %add3A_1674 = arith.constant 176 : i32
        %add3A_1675 = arith.addi %mul3A_1673, %add3A_1674 : i32
        %mul3A_1676 = vector.broadcast %squeeze3A_1176 : f32 to vector<16xf32>
        %mul3A_1677 = arith.mulf %mul3A_1676, %get3A_1279 : vector<16xf32>
        %swap3A_1678 = arith.index_cast %add3A_1675 : i32 to index
        %swap3A_1679 = tpu.vector_load %arg8[%swap3A_1678] {strides = array<i32>} : memref<65792xf32, #tpu.memory_space<vmem>>, vector<16xf32>,
        tpu.vector_store %arg8[%swap3A_1678], %mul3A_1677 {add = true, strides = array<i32>} : memref<65792xf32, #tpu.memory_space<vmem>>, vector<16xf32>,
        %mul3A_1680 = arith.constant 257 : i32
        %mul3A_1681 = arith.muli %add3A_1202, %mul3A_1680 : i32
        %add3A_1682 = arith.constant 176 : i32
        %add3A_1683 = arith.addi %mul3A_1681, %add3A_1682 : i32
        %mul3A_1684 = vector.broadcast %squeeze3A_1207 : f32 to vector<16xf32>
        %mul3A_1685 = arith.mulf %mul3A_1684, %get3A_1279 : vector<16xf32>
        %swap3A_1686 = arith.index_cast %add3A_1683 : i32 to index
        %swap3A_1687 = tpu.vector_load %arg8[%swap3A_1686] {strides = array<i32>} : memref<65792xf32, #tpu.memory_space<vmem>>, vector<16xf32>,
        tpu.vector_store %arg8[%swap3A_1686], %mul3A_1685 {add = true, strides = array<i32>} : memref<65792xf32, #tpu.memory_space<vmem>>, vector<16xf32>,
        %mul3A_1688 = arith.constant 257 : i32
        %mul3A_1689 = arith.muli %add3A_1111, %mul3A_1688 : i32
        %add3A_1690 = arith.constant 192 : i32
        %add3A_1691 = arith.addi %mul3A_1689, %add3A_1690 : i32
        %mul3A_1692 = vector.broadcast %squeeze3A : f32 to vector<16xf32>
        %mul3A_1693 = arith.mulf %mul3A_1692, %get3A_1285 : vector<16xf32>
        %swap3A_1694 = arith.index_cast %add3A_1691 : i32 to index
        %swap3A_1695 = tpu.vector_load %arg8[%swap3A_1694] {strides = array<i32>} : memref<65792xf32, #tpu.memory_space<vmem>>, vector<16xf32>,
        tpu.vector_store %arg8[%swap3A_1694], %mul3A_1693 {add = true, strides = array<i32>} : memref<65792xf32, #tpu.memory_space<vmem>>, vector<16xf32>,
        %mul3A_1696 = arith.constant 257 : i32
        %mul3A_1697 = arith.muli %add3A_1140, %mul3A_1696 : i32
        %add3A_1698 = arith.constant 192 : i32
        %add3A_1699 = arith.addi %mul3A_1697, %add3A_1698 : i32
        %mul3A_1700 = vector.broadcast %squeeze3A_1145 : f32 to vector<16xf32>
        %mul3A_1701 = arith.mulf %mul3A_1700, %get3A_1285 : vector<16xf32>
        %swap3A_1702 = arith.index_cast %add3A_1699 : i32 to index
        %swap3A_1703 = tpu.vector_load %arg8[%swap3A_1702] {strides = array<i32>} : memref<65792xf32, #tpu.memory_space<vmem>>, vector<16xf32>,
        tpu.vector_store %arg8[%swap3A_1702], %mul3A_1701 {add = true, strides = array<i32>} : memref<65792xf32, #tpu.memory_space<vmem>>, vector<16xf32>,
        %mul3A_1704 = arith.constant 257 : i32
        %mul3A_1705 = arith.muli %add3A_1171, %mul3A_1704 : i32
        %add3A_1706 = arith.constant 192 : i32
        %add3A_1707 = arith.addi %mul3A_1705, %add3A_1706 : i32
        %mul3A_1708 = vector.broadcast %squeeze3A_1176 : f32 to vector<16xf32>
        %mul3A_1709 = arith.mulf %mul3A_1708, %get3A_1285 : vector<16xf32>
        %swap3A_1710 = arith.index_cast %add3A_1707 : i32 to index
        %swap3A_1711 = tpu.vector_load %arg8[%swap3A_1710] {strides = array<i32>} : memref<65792xf32, #tpu.memory_space<vmem>>, vector<16xf32>,
        tpu.vector_store %arg8[%swap3A_1710], %mul3A_1709 {add = true, strides = array<i32>} : memref<65792xf32, #tpu.memory_space<vmem>>, vector<16xf32>,
        %mul3A_1712 = arith.constant 257 : i32
        %mul3A_1713 = arith.muli %add3A_1202, %mul3A_1712 : i32
        %add3A_1714 = arith.constant 192 : i32
        %add3A_1715 = arith.addi %mul3A_1713, %add3A_1714 : i32
        %mul3A_1716 = vector.broadcast %squeeze3A_1207 : f32 to vector<16xf32>
        %mul3A_1717 = arith.mulf %mul3A_1716, %get3A_1285 : vector<16xf32>
        %swap3A_1718 = arith.index_cast %add3A_1715 : i32 to index
        %swap3A_1719 = tpu.vector_load %arg8[%swap3A_1718] {strides = array<i32>} : memref<65792xf32, #tpu.memory_space<vmem>>, vector<16xf32>,
        tpu.vector_store %arg8[%swap3A_1718], %mul3A_1717 {add = true, strides = array<i32>} : memref<65792xf32, #tpu.memory_space<vmem>>, vector<16xf32>,
        %mul3A_1720 = arith.constant 257 : i32
        %mul3A_1721 = arith.muli %add3A_1111, %mul3A_1720 : i32
        %add3A_1722 = arith.constant 208 : i32
        %add3A_1723 = arith.addi %mul3A_1721, %add3A_1722 : i32
        %mul3A_1724 = vector.broadcast %squeeze3A : f32 to vector<16xf32>
        %mul3A_1725 = arith.mulf %mul3A_1724, %get3A_1291 : vector<16xf32>
        %swap3A_1726 = arith.index_cast %add3A_1723 : i32 to index
        %swap3A_1727 = tpu.vector_load %arg8[%swap3A_1726] {strides = array<i32>} : memref<65792xf32, #tpu.memory_space<vmem>>, vector<16xf32>,
        tpu.vector_store %arg8[%swap3A_1726], %mul3A_1725 {add = true, strides = array<i32>} : memref<65792xf32, #tpu.memory_space<vmem>>, vector<16xf32>,
        %mul3A_1728 = arith.constant 257 : i32
        %mul3A_1729 = arith.muli %add3A_1140, %mul3A_1728 : i32
        %add3A_1730 = arith.constant 208 : i32
        %add3A_1731 = arith.addi %mul3A_1729, %add3A_1730 : i32
        %mul3A_1732 = vector.broadcast %squeeze3A_1145 : f32 to vector<16xf32>
        %mul3A_1733 = arith.mulf %mul3A_1732, %get3A_1291 : vector<16xf32>
        %swap3A_1734 = arith.index_cast %add3A_1731 : i32 to index
        %swap3A_1735 = tpu.vector_load %arg8[%swap3A_1734] {strides = array<i32>} : memref<65792xf32, #tpu.memory_space<vmem>>, vector<16xf32>,
        tpu.vector_store %arg8[%swap3A_1734], %mul3A_1733 {add = true, strides = array<i32>} : memref<65792xf32, #tpu.memory_space<vmem>>, vector<16xf32>,
        %mul3A_1736 = arith.constant 257 : i32
        %mul3A_1737 = arith.muli %add3A_1171, %mul3A_1736 : i32
        %add3A_1738 = arith.constant 208 : i32
        %add3A_1739 = arith.addi %mul3A_1737, %add3A_1738 : i32
        %mul3A_1740 = vector.broadcast %squeeze3A_1176 : f32 to vector<16xf32>
        %mul3A_1741 = arith.mulf %mul3A_1740, %get3A_1291 : vector<16xf32>
        %swap3A_1742 = arith.index_cast %add3A_1739 : i32 to index
        %swap3A_1743 = tpu.vector_load %arg8[%swap3A_1742] {strides = array<i32>} : memref<65792xf32, #tpu.memory_space<vmem>>, vector<16xf32>,
        tpu.vector_store %arg8[%swap3A_1742], %mul3A_1741 {add = true, strides = array<i32>} : memref<65792xf32, #tpu.memory_space<vmem>>, vector<16xf32>,
        %mul3A_1744 = arith.constant 257 : i32
        %mul3A_1745 = arith.muli %add3A_1202, %mul3A_1744 : i32
        %add3A_1746 = arith.constant 208 : i32
        %add3A_1747 = arith.addi %mul3A_1745, %add3A_1746 : i32
        %mul3A_1748 = vector.broadcast %squeeze3A_1207 : f32 to vector<16xf32>
        %mul3A_1749 = arith.mulf %mul3A_1748, %get3A_1291 : vector<16xf32>
        %swap3A_1750 = arith.index_cast %add3A_1747 : i32 to index
        %swap3A_1751 = tpu.vector_load %arg8[%swap3A_1750] {strides = array<i32>} : memref<65792xf32, #tpu.memory_space<vmem>>, vector<16xf32>,
        tpu.vector_store %arg8[%swap3A_1750], %mul3A_1749 {add = true, strides = array<i32>} : memref<65792xf32, #tpu.memory_space<vmem>>, vector<16xf32>,
        %mul3A_1752 = arith.constant 257 : i32
        %mul3A_1753 = arith.muli %add3A_1111, %mul3A_1752 : i32
        %add3A_1754 = arith.constant 224 : i32
        %add3A_1755 = arith.addi %mul3A_1753, %add3A_1754 : i32
        %mul3A_1756 = vector.broadcast %squeeze3A : f32 to vector<16xf32>
        %mul3A_1757 = arith.mulf %mul3A_1756, %get3A_1297 : vector<16xf32>
        %swap3A_1758 = arith.index_cast %add3A_1755 : i32 to index
        %swap3A_1759 = tpu.vector_load %arg8[%swap3A_1758] {strides = array<i32>} : memref<65792xf32, #tpu.memory_space<vmem>>, vector<16xf32>,
        tpu.vector_store %arg8[%swap3A_1758], %mul3A_1757 {add = true, strides = array<i32>} : memref<65792xf32, #tpu.memory_space<vmem>>, vector<16xf32>,
        %mul3A_1760 = arith.constant 257 : i32
        %mul3A_1761 = arith.muli %add3A_1140, %mul3A_1760 : i32
        %add3A_1762 = arith.constant 224 : i32
        %add3A_1763 = arith.addi %mul3A_1761, %add3A_1762 : i32
        %mul3A_1764 = vector.broadcast %squeeze3A_1145 : f32 to vector<16xf32>
        %mul3A_1765 = arith.mulf %mul3A_1764, %get3A_1297 : vector<16xf32>
        %swap3A_1766 = arith.index_cast %add3A_1763 : i32 to index
        %swap3A_1767 = tpu.vector_load %arg8[%swap3A_1766] {strides = array<i32>} : memref<65792xf32, #tpu.memory_space<vmem>>, vector<16xf32>,
        tpu.vector_store %arg8[%swap3A_1766], %mul3A_1765 {add = true, strides = array<i32>} : memref<65792xf32, #tpu.memory_space<vmem>>, vector<16xf32>,
        %mul3A_1768 = arith.constant 257 : i32
        %mul3A_1769 = arith.muli %add3A_1171, %mul3A_1768 : i32
        %add3A_1770 = arith.constant 224 : i32
        %add3A_1771 = arith.addi %mul3A_1769, %add3A_1770 : i32
        %mul3A_1772 = vector.broadcast %squeeze3A_1176 : f32 to vector<16xf32>
        %mul3A_1773 = arith.mulf %mul3A_1772, %get3A_1297 : vector<16xf32>
        %swap3A_1774 = arith.index_cast %add3A_1771 : i32 to index
        %swap3A_1775 = tpu.vector_load %arg8[%swap3A_1774] {strides = array<i32>} : memref<65792xf32, #tpu.memory_space<vmem>>, vector<16xf32>,
        tpu.vector_store %arg8[%swap3A_1774], %mul3A_1773 {add = true, strides = array<i32>} : memref<65792xf32, #tpu.memory_space<vmem>>, vector<16xf32>,
        %mul3A_1776 = arith.constant 257 : i32
        %mul3A_1777 = arith.muli %add3A_1202, %mul3A_1776 : i32
        %add3A_1778 = arith.constant 224 : i32
        %add3A_1779 = arith.addi %mul3A_1777, %add3A_1778 : i32
        %mul3A_1780 = vector.broadcast %squeeze3A_1207 : f32 to vector<16xf32>
        %mul3A_1781 = arith.mulf %mul3A_1780, %get3A_1297 : vector<16xf32>
        %swap3A_1782 = arith.index_cast %add3A_1779 : i32 to index
        %swap3A_1783 = tpu.vector_load %arg8[%swap3A_1782] {strides = array<i32>} : memref<65792xf32, #tpu.memory_space<vmem>>, vector<16xf32>,
        tpu.vector_store %arg8[%swap3A_1782], %mul3A_1781 {add = true, strides = array<i32>} : memref<65792xf32, #tpu.memory_space<vmem>>, vector<16xf32>,
        %mul3A_1784 = arith.constant 257 : i32
        %mul3A_1785 = arith.muli %add3A_1111, %mul3A_1784 : i32
        %add3A_1786 = arith.constant 240 : i32
        %add3A_1787 = arith.addi %mul3A_1785, %add3A_1786 : i32
        %mul3A_1788 = vector.broadcast %squeeze3A : f32 to vector<16xf32>
        %mul3A_1789 = arith.mulf %mul3A_1788, %get3A_1303 : vector<16xf32>
        %swap3A_1790 = arith.index_cast %add3A_1787 : i32 to index
        %swap3A_1791 = tpu.vector_load %arg8[%swap3A_1790] {strides = array<i32>} : memref<65792xf32, #tpu.memory_space<vmem>>, vector<16xf32>,
        tpu.vector_store %arg8[%swap3A_1790], %mul3A_1789 {add = true, strides = array<i32>} : memref<65792xf32, #tpu.memory_space<vmem>>, vector<16xf32>,
        %mul3A_1792 = arith.constant 257 : i32
        %mul3A_1793 = arith.muli %add3A_1140, %mul3A_1792 : i32
        %add3A_1794 = arith.constant 240 : i32
        %add3A_1795 = arith.addi %mul3A_1793, %add3A_1794 : i32
        %mul3A_1796 = vector.broadcast %squeeze3A_1145 : f32 to vector<16xf32>
        %mul3A_1797 = arith.mulf %mul3A_1796, %get3A_1303 : vector<16xf32>
        %swap3A_1798 = arith.index_cast %add3A_1795 : i32 to index
        %swap3A_1799 = tpu.vector_load %arg8[%swap3A_1798] {strides = array<i32>} : memref<65792xf32, #tpu.memory_space<vmem>>, vector<16xf32>,
        tpu.vector_store %arg8[%swap3A_1798], %mul3A_1797 {add = true, strides = array<i32>} : memref<65792xf32, #tpu.memory_space<vmem>>, vector<16xf32>,
        %mul3A_1800 = arith.constant 257 : i32
        %mul3A_1801 = arith.muli %add3A_1171, %mul3A_1800 : i32
        %add3A_1802 = arith.constant 240 : i32
        %add3A_1803 = arith.addi %mul3A_1801, %add3A_1802 : i32
        %mul3A_1804 = vector.broadcast %squeeze3A_1176 : f32 to vector<16xf32>
        %mul3A_1805 = arith.mulf %mul3A_1804, %get3A_1303 : vector<16xf32>
        %swap3A_1806 = arith.index_cast %add3A_1803 : i32 to index
        %swap3A_1807 = tpu.vector_load %arg8[%swap3A_1806] {strides = array<i32>} : memref<65792xf32, #tpu.memory_space<vmem>>, vector<16xf32>,
        tpu.vector_store %arg8[%swap3A_1806], %mul3A_1805 {add = true, strides = array<i32>} : memref<65792xf32, #tpu.memory_space<vmem>>, vector<16xf32>,
        %mul3A_1808 = arith.constant 257 : i32
        %mul3A_1809 = arith.muli %add3A_1202, %mul3A_1808 : i32
        %add3A_1810 = arith.constant 240 : i32
        %add3A_1811 = arith.addi %mul3A_1809, %add3A_1810 : i32
        %mul3A_1812 = vector.broadcast %squeeze3A_1207 : f32 to vector<16xf32>
        %mul3A_1813 = arith.mulf %mul3A_1812, %get3A_1303 : vector<16xf32>
        %swap3A_1814 = arith.index_cast %add3A_1811 : i32 to index
        %swap3A_1815 = tpu.vector_load %arg8[%swap3A_1814] {strides = array<i32>} : memref<65792xf32, #tpu.memory_space<vmem>>, vector<16xf32>,
        tpu.vector_store %arg8[%swap3A_1814], %mul3A_1813 {add = true, strides = array<i32>} : memref<65792xf32, #tpu.memory_space<vmem>>, vector<16xf32>,
        %mul3A_1816 = arith.constant 128 : i32
        %mul3A_1817 = arith.muli %add3A_1111, %mul3A_1816 : i32
        %add3A_1818 = arith.constant 0 : i32
        %add3A_1819 = arith.addi %mul3A_1817, %add3A_1818 : i32
        %get3A_1820 = arith.index_cast %add3A_1819 : i32 to index
        %get3A_1821 = tpu.vector_load %arg9[%get3A_1820] {strides = array<i32>} : memref<32768xf32, #tpu.memory_space<vmem>>, vector<16xf32>,
        %mul3A_1822 = arith.constant 128 : i32
        %mul3A_1823 = arith.muli %add3A_1140, %mul3A_1822 : i32
        %add3A_1824 = arith.constant 0 : i32
        %add3A_1825 = arith.addi %mul3A_1823, %add3A_1824 : i32
        %get3A_1826 = arith.index_cast %add3A_1825 : i32 to index
        %get3A_1827 = tpu.vector_load %arg9[%get3A_1826] {strides = array<i32>} : memref<32768xf32, #tpu.memory_space<vmem>>, vector<16xf32>,
        %mul3A_1828 = arith.constant 128 : i32
        %mul3A_1829 = arith.muli %add3A_1171, %mul3A_1828 : i32
        %add3A_1830 = arith.constant 0 : i32
        %add3A_1831 = arith.addi %mul3A_1829, %add3A_1830 : i32
        %get3A_1832 = arith.index_cast %add3A_1831 : i32 to index
        %get3A_1833 = tpu.vector_load %arg9[%get3A_1832] {strides = array<i32>} : memref<32768xf32, #tpu.memory_space<vmem>>, vector<16xf32>,
        %mul3A_1834 = arith.constant 128 : i32
        %mul3A_1835 = arith.muli %add3A_1202, %mul3A_1834 : i32
        %add3A_1836 = arith.constant 0 : i32
        %add3A_1837 = arith.addi %mul3A_1835, %add3A_1836 : i32
        %get3A_1838 = arith.index_cast %add3A_1837 : i32 to index
        %get3A_1839 = tpu.vector_load %arg9[%get3A_1838] {strides = array<i32>} : memref<32768xf32, #tpu.memory_space<vmem>>, vector<16xf32>,
        %sub3A_1840 = arith.subf %get3A_810, %get3A_1821 : vector<16xf32>
        %mul3A_1841 = vector.broadcast %select_n3A_1114 : f32 to vector<16xf32>
        %mul3A_1842 = arith.mulf %mul3A_1841, %sub3A_1840 : vector<16xf32>
        %add3A_1843 = arith.addf %get3A_1821, %mul3A_1842 : vector<16xf32>
        %sub3A_1844 = arith.subf %get3A_810, %get3A_1827 : vector<16xf32>
        %mul3A_1845 = vector.broadcast %select_n3A_1143 : f32 to vector<16xf32>
        %mul3A_1846 = arith.mulf %mul3A_1845, %sub3A_1844 : vector<16xf32>
        %add3A_1847 = arith.addf %get3A_1827, %mul3A_1846 : vector<16xf32>
        %sub3A_1848 = arith.subf %get3A_810, %get3A_1833 : vector<16xf32>
        %mul3A_1849 = vector.broadcast %select_n3A_1174 : f32 to vector<16xf32>
        %mul3A_1850 = arith.mulf %mul3A_1849, %sub3A_1848 : vector<16xf32>
        %add3A_1851 = arith.addf %get3A_1833, %mul3A_1850 : vector<16xf32>
        %sub3A_1852 = arith.subf %get3A_810, %get3A_1839 : vector<16xf32>
        %mul3A_1853 = vector.broadcast %select_n3A_1205 : f32 to vector<16xf32>
        %mul3A_1854 = arith.mulf %mul3A_1853, %sub3A_1852 : vector<16xf32>
        %add3A_1855 = arith.addf %get3A_1839, %mul3A_1854 : vector<16xf32>
        %mul3A_1856 = arith.constant 128 : i32
        %mul3A_1857 = arith.muli %add3A_1111, %mul3A_1856 : i32
        %add3A_1858 = arith.constant 0 : i32
        %add3A_1859 = arith.addi %mul3A_1857, %add3A_1858 : i32
        %swap3A_1860 = arith.index_cast %add3A_1859 : i32 to index
        %swap3A_1861 = tpu.vector_load %arg9[%swap3A_1860] {strides = array<i32>} : memref<32768xf32, #tpu.memory_space<vmem>>, vector<16xf32>,
        tpu.vector_store %arg9[%swap3A_1860], %add3A_1843 {strides = array<i32>} : memref<32768xf32, #tpu.memory_space<vmem>>, vector<16xf32>,
        %mul3A_1862 = arith.constant 128 : i32
        %mul3A_1863 = arith.muli %add3A_1140, %mul3A_1862 : i32
        %add3A_1864 = arith.constant 0 : i32
        %add3A_1865 = arith.addi %mul3A_1863, %add3A_1864 : i32
        %swap3A_1866 = arith.index_cast %add3A_1865 : i32 to index
        %swap3A_1867 = tpu.vector_load %arg9[%swap3A_1866] {strides = array<i32>} : memref<32768xf32, #tpu.memory_space<vmem>>, vector<16xf32>,
        tpu.vector_store %arg9[%swap3A_1866], %add3A_1847 {strides = array<i32>} : memref<32768xf32, #tpu.memory_space<vmem>>, vector<16xf32>,
        %mul3A_1868 = arith.constant 128 : i32
        %mul3A_1869 = arith.muli %add3A_1171, %mul3A_1868 : i32
        %add3A_1870 = arith.constant 0 : i32
        %add3A_1871 = arith.addi %mul3A_1869, %add3A_1870 : i32
        %swap3A_1872 = arith.index_cast %add3A_1871 : i32 to index
        %swap3A_1873 = tpu.vector_load %arg9[%swap3A_1872] {strides = array<i32>} : memref<32768xf32, #tpu.memory_space<vmem>>, vector<16xf32>,
        tpu.vector_store %arg9[%swap3A_1872], %add3A_1851 {strides = array<i32>} : memref<32768xf32, #tpu.memory_space<vmem>>, vector<16xf32>,
        %mul3A_1874 = arith.constant 128 : i32
        %mul3A_1875 = arith.muli %add3A_1202, %mul3A_1874 : i32
        %add3A_1876 = arith.constant 0 : i32
        %add3A_1877 = arith.addi %mul3A_1875, %add3A_1876 : i32
        %swap3A_1878 = arith.index_cast %add3A_1877 : i32 to index
        %swap3A_1879 = tpu.vector_load %arg9[%swap3A_1878] {strides = array<i32>} : memref<32768xf32, #tpu.memory_space<vmem>>, vector<16xf32>,
        tpu.vector_store %arg9[%swap3A_1878], %add3A_1855 {strides = array<i32>} : memref<32768xf32, #tpu.memory_space<vmem>>, vector<16xf32>,
        %mul3A_1880 = arith.constant 128 : i32
        %mul3A_1881 = arith.muli %add3A_1111, %mul3A_1880 : i32
        %add3A_1882 = arith.constant 16 : i32
        %add3A_1883 = arith.addi %mul3A_1881, %add3A_1882 : i32
        %get3A_1884 = arith.index_cast %add3A_1883 : i32 to index
        %get3A_1885 = tpu.vector_load %arg9[%get3A_1884] {strides = array<i32>} : memref<32768xf32, #tpu.memory_space<vmem>>, vector<16xf32>,
        %mul3A_1886 = arith.constant 128 : i32
        %mul3A_1887 = arith.muli %add3A_1140, %mul3A_1886 : i32
        %add3A_1888 = arith.constant 16 : i32
        %add3A_1889 = arith.addi %mul3A_1887, %add3A_1888 : i32
        %get3A_1890 = arith.index_cast %add3A_1889 : i32 to index
        %get3A_1891 = tpu.vector_load %arg9[%get3A_1890] {strides = array<i32>} : memref<32768xf32, #tpu.memory_space<vmem>>, vector<16xf32>,
        %mul3A_1892 = arith.constant 128 : i32
        %mul3A_1893 = arith.muli %add3A_1171, %mul3A_1892 : i32
        %add3A_1894 = arith.constant 16 : i32
        %add3A_1895 = arith.addi %mul3A_1893, %add3A_1894 : i32
        %get3A_1896 = arith.index_cast %add3A_1895 : i32 to index
        %get3A_1897 = tpu.vector_load %arg9[%get3A_1896] {strides = array<i32>} : memref<32768xf32, #tpu.memory_space<vmem>>, vector<16xf32>,
        %mul3A_1898 = arith.constant 128 : i32
        %mul3A_1899 = arith.muli %add3A_1202, %mul3A_1898 : i32
        %add3A_1900 = arith.constant 16 : i32
        %add3A_1901 = arith.addi %mul3A_1899, %add3A_1900 : i32
        %get3A_1902 = arith.index_cast %add3A_1901 : i32 to index
        %get3A_1903 = tpu.vector_load %arg9[%get3A_1902] {strides = array<i32>} : memref<32768xf32, #tpu.memory_space<vmem>>, vector<16xf32>,
        %sub3A_1904 = arith.subf %get3A_816, %get3A_1885 : vector<16xf32>
        %mul3A_1905 = vector.broadcast %select_n3A_1114 : f32 to vector<16xf32>
        %mul3A_1906 = arith.mulf %mul3A_1905, %sub3A_1904 : vector<16xf32>
        %add3A_1907 = arith.addf %get3A_1885, %mul3A_1906 : vector<16xf32>
        %sub3A_1908 = arith.subf %get3A_816, %get3A_1891 : vector<16xf32>
        %mul3A_1909 = vector.broadcast %select_n3A_1143 : f32 to vector<16xf32>
        %mul3A_1910 = arith.mulf %mul3A_1909, %sub3A_1908 : vector<16xf32>
        %add3A_1911 = arith.addf %get3A_1891, %mul3A_1910 : vector<16xf32>
        %sub3A_1912 = arith.subf %get3A_816, %get3A_1897 : vector<16xf32>
        %mul3A_1913 = vector.broadcast %select_n3A_1174 : f32 to vector<16xf32>
        %mul3A_1914 = arith.mulf %mul3A_1913, %sub3A_1912 : vector<16xf32>
        %add3A_1915 = arith.addf %get3A_1897, %mul3A_1914 : vector<16xf32>
        %sub3A_1916 = arith.subf %get3A_816, %get3A_1903 : vector<16xf32>
        %mul3A_1917 = vector.broadcast %select_n3A_1205 : f32 to vector<16xf32>
        %mul3A_1918 = arith.mulf %mul3A_1917, %sub3A_1916 : vector<16xf32>
        %add3A_1919 = arith.addf %get3A_1903, %mul3A_1918 : vector<16xf32>
        %mul3A_1920 = arith.constant 128 : i32
        %mul3A_1921 = arith.muli %add3A_1111, %mul3A_1920 : i32
        %add3A_1922 = arith.constant 16 : i32
        %add3A_1923 = arith.addi %mul3A_1921, %add3A_1922 : i32
        %swap3A_1924 = arith.index_cast %add3A_1923 : i32 to index
        %swap3A_1925 = tpu.vector_load %arg9[%swap3A_1924] {strides = array<i32>} : memref<32768xf32, #tpu.memory_space<vmem>>, vector<16xf32>,
        tpu.vector_store %arg9[%swap3A_1924], %add3A_1907 {strides = array<i32>} : memref<32768xf32, #tpu.memory_space<vmem>>, vector<16xf32>,
        %mul3A_1926 = arith.constant 128 : i32
        %mul3A_1927 = arith.muli %add3A_1140, %mul3A_1926 : i32
        %add3A_1928 = arith.constant 16 : i32
        %add3A_1929 = arith.addi %mul3A_1927, %add3A_1928 : i32
        %swap3A_1930 = arith.index_cast %add3A_1929 : i32 to index
        %swap3A_1931 = tpu.vector_load %arg9[%swap3A_1930] {strides = array<i32>} : memref<32768xf32, #tpu.memory_space<vmem>>, vector<16xf32>,
        tpu.vector_store %arg9[%swap3A_1930], %add3A_1911 {strides = array<i32>} : memref<32768xf32, #tpu.memory_space<vmem>>, vector<16xf32>,
        %mul3A_1932 = arith.constant 128 : i32
        %mul3A_1933 = arith.muli %add3A_1171, %mul3A_1932 : i32
        %add3A_1934 = arith.constant 16 : i32
        %add3A_1935 = arith.addi %mul3A_1933, %add3A_1934 : i32
        %swap3A_1936 = arith.index_cast %add3A_1935 : i32 to index
        %swap3A_1937 = tpu.vector_load %arg9[%swap3A_1936] {strides = array<i32>} : memref<32768xf32, #tpu.memory_space<vmem>>, vector<16xf32>,
        tpu.vector_store %arg9[%swap3A_1936], %add3A_1915 {strides = array<i32>} : memref<32768xf32, #tpu.memory_space<vmem>>, vector<16xf32>,
        %mul3A_1938 = arith.constant 128 : i32
        %mul3A_1939 = arith.muli %add3A_1202, %mul3A_1938 : i32
        %add3A_1940 = arith.constant 16 : i32
        %add3A_1941 = arith.addi %mul3A_1939, %add3A_1940 : i32
        %swap3A_1942 = arith.index_cast %add3A_1941 : i32 to index
        %swap3A_1943 = tpu.vector_load %arg9[%swap3A_1942] {strides = array<i32>} : memref<32768xf32, #tpu.memory_space<vmem>>, vector<16xf32>,
        tpu.vector_store %arg9[%swap3A_1942], %add3A_1919 {strides = array<i32>} : memref<32768xf32, #tpu.memory_space<vmem>>, vector<16xf32>,
        %mul3A_1944 = arith.constant 128 : i32
        %mul3A_1945 = arith.muli %add3A_1111, %mul3A_1944 : i32
        %add3A_1946 = arith.constant 32 : i32
        %add3A_1947 = arith.addi %mul3A_1945, %add3A_1946 : i32
        %get3A_1948 = arith.index_cast %add3A_1947 : i32 to index
        %get3A_1949 = tpu.vector_load %arg9[%get3A_1948] {strides = array<i32>} : memref<32768xf32, #tpu.memory_space<vmem>>, vector<16xf32>,
        %mul3A_1950 = arith.constant 128 : i32
        %mul3A_1951 = arith.muli %add3A_1140, %mul3A_1950 : i32
        %add3A_1952 = arith.constant 32 : i32
        %add3A_1953 = arith.addi %mul3A_1951, %add3A_1952 : i32
        %get3A_1954 = arith.index_cast %add3A_1953 : i32 to index
        %get3A_1955 = tpu.vector_load %arg9[%get3A_1954] {strides = array<i32>} : memref<32768xf32, #tpu.memory_space<vmem>>, vector<16xf32>,
        %mul3A_1956 = arith.constant 128 : i32
        %mul3A_1957 = arith.muli %add3A_1171, %mul3A_1956 : i32
        %add3A_1958 = arith.constant 32 : i32
        %add3A_1959 = arith.addi %mul3A_1957, %add3A_1958 : i32
        %get3A_1960 = arith.index_cast %add3A_1959 : i32 to index
        %get3A_1961 = tpu.vector_load %arg9[%get3A_1960] {strides = array<i32>} : memref<32768xf32, #tpu.memory_space<vmem>>, vector<16xf32>,
        %mul3A_1962 = arith.constant 128 : i32
        %mul3A_1963 = arith.muli %add3A_1202, %mul3A_1962 : i32
        %add3A_1964 = arith.constant 32 : i32
        %add3A_1965 = arith.addi %mul3A_1963, %add3A_1964 : i32
        %get3A_1966 = arith.index_cast %add3A_1965 : i32 to index
        %get3A_1967 = tpu.vector_load %arg9[%get3A_1966] {strides = array<i32>} : memref<32768xf32, #tpu.memory_space<vmem>>, vector<16xf32>,
        %sub3A_1968 = arith.subf %get3A_822, %get3A_1949 : vector<16xf32>
        %mul3A_1969 = vector.broadcast %select_n3A_1114 : f32 to vector<16xf32>
        %mul3A_1970 = arith.mulf %mul3A_1969, %sub3A_1968 : vector<16xf32>
        %add3A_1971 = arith.addf %get3A_1949, %mul3A_1970 : vector<16xf32>
        %sub3A_1972 = arith.subf %get3A_822, %get3A_1955 : vector<16xf32>
        %mul3A_1973 = vector.broadcast %select_n3A_1143 : f32 to vector<16xf32>
        %mul3A_1974 = arith.mulf %mul3A_1973, %sub3A_1972 : vector<16xf32>
        %add3A_1975 = arith.addf %get3A_1955, %mul3A_1974 : vector<16xf32>
        %sub3A_1976 = arith.subf %get3A_822, %get3A_1961 : vector<16xf32>
        %mul3A_1977 = vector.broadcast %select_n3A_1174 : f32 to vector<16xf32>
        %mul3A_1978 = arith.mulf %mul3A_1977, %sub3A_1976 : vector<16xf32>
        %add3A_1979 = arith.addf %get3A_1961, %mul3A_1978 : vector<16xf32>
        %sub3A_1980 = arith.subf %get3A_822, %get3A_1967 : vector<16xf32>
        %mul3A_1981 = vector.broadcast %select_n3A_1205 : f32 to vector<16xf32>
        %mul3A_1982 = arith.mulf %mul3A_1981, %sub3A_1980 : vector<16xf32>
        %add3A_1983 = arith.addf %get3A_1967, %mul3A_1982 : vector<16xf32>
        %mul3A_1984 = arith.constant 128 : i32
        %mul3A_1985 = arith.muli %add3A_1111, %mul3A_1984 : i32
        %add3A_1986 = arith.constant 32 : i32
        %add3A_1987 = arith.addi %mul3A_1985, %add3A_1986 : i32
        %swap3A_1988 = arith.index_cast %add3A_1987 : i32 to index
        %swap3A_1989 = tpu.vector_load %arg9[%swap3A_1988] {strides = array<i32>} : memref<32768xf32, #tpu.memory_space<vmem>>, vector<16xf32>,
        tpu.vector_store %arg9[%swap3A_1988], %add3A_1971 {strides = array<i32>} : memref<32768xf32, #tpu.memory_space<vmem>>, vector<16xf32>,
        %mul3A_1990 = arith.constant 128 : i32
        %mul3A_1991 = arith.muli %add3A_1140, %mul3A_1990 : i32
        %add3A_1992 = arith.constant 32 : i32
        %add3A_1993 = arith.addi %mul3A_1991, %add3A_1992 : i32
        %swap3A_1994 = arith.index_cast %add3A_1993 : i32 to index
        %swap3A_1995 = tpu.vector_load %arg9[%swap3A_1994] {strides = array<i32>} : memref<32768xf32, #tpu.memory_space<vmem>>, vector<16xf32>,
        tpu.vector_store %arg9[%swap3A_1994], %add3A_1975 {strides = array<i32>} : memref<32768xf32, #tpu.memory_space<vmem>>, vector<16xf32>,
        %mul3A_1996 = arith.constant 128 : i32
        %mul3A_1997 = arith.muli %add3A_1171, %mul3A_1996 : i32
        %add3A_1998 = arith.constant 32 : i32
        %add3A_1999 = arith.addi %mul3A_1997, %add3A_1998 : i32
        %swap3A_2000 = arith.index_cast %add3A_1999 : i32 to index
        %swap3A_2001 = tpu.vector_load %arg9[%swap3A_2000] {strides = array<i32>} : memref<32768xf32, #tpu.memory_space<vmem>>, vector<16xf32>,
        tpu.vector_store %arg9[%swap3A_2000], %add3A_1979 {strides = array<i32>} : memref<32768xf32, #tpu.memory_space<vmem>>, vector<16xf32>,
        %mul3A_2002 = arith.constant 128 : i32
        %mul3A_2003 = arith.muli %add3A_1202, %mul3A_2002 : i32
        %add3A_2004 = arith.constant 32 : i32
        %add3A_2005 = arith.addi %mul3A_2003, %add3A_2004 : i32
        %swap3A_2006 = arith.index_cast %add3A_2005 : i32 to index
        %swap3A_2007 = tpu.vector_load %arg9[%swap3A_2006] {strides = array<i32>} : memref<32768xf32, #tpu.memory_space<vmem>>, vector<16xf32>,
        tpu.vector_store %arg9[%swap3A_2006], %add3A_1983 {strides = array<i32>} : memref<32768xf32, #tpu.memory_space<vmem>>, vector<16xf32>,
        %mul3A_2008 = arith.constant 128 : i32
        %mul3A_2009 = arith.muli %add3A_1111, %mul3A_2008 : i32
        %add3A_2010 = arith.constant 48 : i32
        %add3A_2011 = arith.addi %mul3A_2009, %add3A_2010 : i32
        %get3A_2012 = arith.index_cast %add3A_2011 : i32 to index
        %get3A_2013 = tpu.vector_load %arg9[%get3A_2012] {strides = array<i32>} : memref<32768xf32, #tpu.memory_space<vmem>>, vector<16xf32>,
        %mul3A_2014 = arith.constant 128 : i32
        %mul3A_2015 = arith.muli %add3A_1140, %mul3A_2014 : i32
        %add3A_2016 = arith.constant 48 : i32
        %add3A_2017 = arith.addi %mul3A_2015, %add3A_2016 : i32
        %get3A_2018 = arith.index_cast %add3A_2017 : i32 to index
        %get3A_2019 = tpu.vector_load %arg9[%get3A_2018] {strides = array<i32>} : memref<32768xf32, #tpu.memory_space<vmem>>, vector<16xf32>,
        %mul3A_2020 = arith.constant 128 : i32
        %mul3A_2021 = arith.muli %add3A_1171, %mul3A_2020 : i32
        %add3A_2022 = arith.constant 48 : i32
        %add3A_2023 = arith.addi %mul3A_2021, %add3A_2022 : i32
        %get3A_2024 = arith.index_cast %add3A_2023 : i32 to index
        %get3A_2025 = tpu.vector_load %arg9[%get3A_2024] {strides = array<i32>} : memref<32768xf32, #tpu.memory_space<vmem>>, vector<16xf32>,
        %mul3A_2026 = arith.constant 128 : i32
        %mul3A_2027 = arith.muli %add3A_1202, %mul3A_2026 : i32
        %add3A_2028 = arith.constant 48 : i32
        %add3A_2029 = arith.addi %mul3A_2027, %add3A_2028 : i32
        %get3A_2030 = arith.index_cast %add3A_2029 : i32 to index
        %get3A_2031 = tpu.vector_load %arg9[%get3A_2030] {strides = array<i32>} : memref<32768xf32, #tpu.memory_space<vmem>>, vector<16xf32>,
        %sub3A_2032 = arith.subf %get3A_828, %get3A_2013 : vector<16xf32>
        %mul3A_2033 = vector.broadcast %select_n3A_1114 : f32 to vector<16xf32>
        %mul3A_2034 = arith.mulf %mul3A_2033, %sub3A_2032 : vector<16xf32>
        %add3A_2035 = arith.addf %get3A_2013, %mul3A_2034 : vector<16xf32>
        %sub3A_2036 = arith.subf %get3A_828, %get3A_2019 : vector<16xf32>
        %mul3A_2037 = vector.broadcast %select_n3A_1143 : f32 to vector<16xf32>
        %mul3A_2038 = arith.mulf %mul3A_2037, %sub3A_2036 : vector<16xf32>
        %add3A_2039 = arith.addf %get3A_2019, %mul3A_2038 : vector<16xf32>
        %sub3A_2040 = arith.subf %get3A_828, %get3A_2025 : vector<16xf32>
        %mul3A_2041 = vector.broadcast %select_n3A_1174 : f32 to vector<16xf32>
        %mul3A_2042 = arith.mulf %mul3A_2041, %sub3A_2040 : vector<16xf32>
        %add3A_2043 = arith.addf %get3A_2025, %mul3A_2042 : vector<16xf32>
        %sub3A_2044 = arith.subf %get3A_828, %get3A_2031 : vector<16xf32>
        %mul3A_2045 = vector.broadcast %select_n3A_1205 : f32 to vector<16xf32>
        %mul3A_2046 = arith.mulf %mul3A_2045, %sub3A_2044 : vector<16xf32>
        %add3A_2047 = arith.addf %get3A_2031, %mul3A_2046 : vector<16xf32>
        %mul3A_2048 = arith.constant 128 : i32
        %mul3A_2049 = arith.muli %add3A_1111, %mul3A_2048 : i32
        %add3A_2050 = arith.constant 48 : i32
        %add3A_2051 = arith.addi %mul3A_2049, %add3A_2050 : i32
        %swap3A_2052 = arith.index_cast %add3A_2051 : i32 to index
        %swap3A_2053 = tpu.vector_load %arg9[%swap3A_2052] {strides = array<i32>} : memref<32768xf32, #tpu.memory_space<vmem>>, vector<16xf32>,
        tpu.vector_store %arg9[%swap3A_2052], %add3A_2035 {strides = array<i32>} : memref<32768xf32, #tpu.memory_space<vmem>>, vector<16xf32>,
        %mul3A_2054 = arith.constant 128 : i32
        %mul3A_2055 = arith.muli %add3A_1140, %mul3A_2054 : i32
        %add3A_2056 = arith.constant 48 : i32
        %add3A_2057 = arith.addi %mul3A_2055, %add3A_2056 : i32
        %swap3A_2058 = arith.index_cast %add3A_2057 : i32 to index
        %swap3A_2059 = tpu.vector_load %arg9[%swap3A_2058] {strides = array<i32>} : memref<32768xf32, #tpu.memory_space<vmem>>, vector<16xf32>,
        tpu.vector_store %arg9[%swap3A_2058], %add3A_2039 {strides = array<i32>} : memref<32768xf32, #tpu.memory_space<vmem>>, vector<16xf32>,
        %mul3A_2060 = arith.constant 128 : i32
        %mul3A_2061 = arith.muli %add3A_1171, %mul3A_2060 : i32
        %add3A_2062 = arith.constant 48 : i32
        %add3A_2063 = arith.addi %mul3A_2061, %add3A_2062 : i32
        %swap3A_2064 = arith.index_cast %add3A_2063 : i32 to index
        %swap3A_2065 = tpu.vector_load %arg9[%swap3A_2064] {strides = array<i32>} : memref<32768xf32, #tpu.memory_space<vmem>>, vector<16xf32>,
        tpu.vector_store %arg9[%swap3A_2064], %add3A_2043 {strides = array<i32>} : memref<32768xf32, #tpu.memory_space<vmem>>, vector<16xf32>,
        %mul3A_2066 = arith.constant 128 : i32
        %mul3A_2067 = arith.muli %add3A_1202, %mul3A_2066 : i32
        %add3A_2068 = arith.constant 48 : i32
        %add3A_2069 = arith.addi %mul3A_2067, %add3A_2068 : i32
        %swap3A_2070 = arith.index_cast %add3A_2069 : i32 to index
        %swap3A_2071 = tpu.vector_load %arg9[%swap3A_2070] {strides = array<i32>} : memref<32768xf32, #tpu.memory_space<vmem>>, vector<16xf32>,
        tpu.vector_store %arg9[%swap3A_2070], %add3A_2047 {strides = array<i32>} : memref<32768xf32, #tpu.memory_space<vmem>>, vector<16xf32>,
        %mul3A_2072 = arith.constant 128 : i32
        %mul3A_2073 = arith.muli %add3A_1111, %mul3A_2072 : i32
        %add3A_2074 = arith.constant 64 : i32
        %add3A_2075 = arith.addi %mul3A_2073, %add3A_2074 : i32
        %get3A_2076 = arith.index_cast %add3A_2075 : i32 to index
        %get3A_2077 = tpu.vector_load %arg9[%get3A_2076] {strides = array<i32>} : memref<32768xf32, #tpu.memory_space<vmem>>, vector<16xf32>,
        %mul3A_2078 = arith.constant 128 : i32
        %mul3A_2079 = arith.muli %add3A_1140, %mul3A_2078 : i32
        %add3A_2080 = arith.constant 64 : i32
        %add3A_2081 = arith.addi %mul3A_2079, %add3A_2080 : i32
        %get3A_2082 = arith.index_cast %add3A_2081 : i32 to index
        %get3A_2083 = tpu.vector_load %arg9[%get3A_2082] {strides = array<i32>} : memref<32768xf32, #tpu.memory_space<vmem>>, vector<16xf32>,
        %mul3A_2084 = arith.constant 128 : i32
        %mul3A_2085 = arith.muli %add3A_1171, %mul3A_2084 : i32
        %add3A_2086 = arith.constant 64 : i32
        %add3A_2087 = arith.addi %mul3A_2085, %add3A_2086 : i32
        %get3A_2088 = arith.index_cast %add3A_2087 : i32 to index
        %get3A_2089 = tpu.vector_load %arg9[%get3A_2088] {strides = array<i32>} : memref<32768xf32, #tpu.memory_space<vmem>>, vector<16xf32>,
        %mul3A_2090 = arith.constant 128 : i32
        %mul3A_2091 = arith.muli %add3A_1202, %mul3A_2090 : i32
        %add3A_2092 = arith.constant 64 : i32
        %add3A_2093 = arith.addi %mul3A_2091, %add3A_2092 : i32
        %get3A_2094 = arith.index_cast %add3A_2093 : i32 to index
        %get3A_2095 = tpu.vector_load %arg9[%get3A_2094] {strides = array<i32>} : memref<32768xf32, #tpu.memory_space<vmem>>, vector<16xf32>,
        %sub3A_2096 = arith.subf %get3A_834, %get3A_2077 : vector<16xf32>
        %mul3A_2097 = vector.broadcast %select_n3A_1114 : f32 to vector<16xf32>
        %mul3A_2098 = arith.mulf %mul3A_2097, %sub3A_2096 : vector<16xf32>
        %add3A_2099 = arith.addf %get3A_2077, %mul3A_2098 : vector<16xf32>
        %sub3A_2100 = arith.subf %get3A_834, %get3A_2083 : vector<16xf32>
        %mul3A_2101 = vector.broadcast %select_n3A_1143 : f32 to vector<16xf32>
        %mul3A_2102 = arith.mulf %mul3A_2101, %sub3A_2100 : vector<16xf32>
        %add3A_2103 = arith.addf %get3A_2083, %mul3A_2102 : vector<16xf32>
        %sub3A_2104 = arith.subf %get3A_834, %get3A_2089 : vector<16xf32>
        %mul3A_2105 = vector.broadcast %select_n3A_1174 : f32 to vector<16xf32>
        %mul3A_2106 = arith.mulf %mul3A_2105, %sub3A_2104 : vector<16xf32>
        %add3A_2107 = arith.addf %get3A_2089, %mul3A_2106 : vector<16xf32>
        %sub3A_2108 = arith.subf %get3A_834, %get3A_2095 : vector<16xf32>
        %mul3A_2109 = vector.broadcast %select_n3A_1205 : f32 to vector<16xf32>
        %mul3A_2110 = arith.mulf %mul3A_2109, %sub3A_2108 : vector<16xf32>
        %add3A_2111 = arith.addf %get3A_2095, %mul3A_2110 : vector<16xf32>
        %mul3A_2112 = arith.constant 128 : i32
        %mul3A_2113 = arith.muli %add3A_1111, %mul3A_2112 : i32
        %add3A_2114 = arith.constant 64 : i32
        %add3A_2115 = arith.addi %mul3A_2113, %add3A_2114 : i32
        %swap3A_2116 = arith.index_cast %add3A_2115 : i32 to index
        %swap3A_2117 = tpu.vector_load %arg9[%swap3A_2116] {strides = array<i32>} : memref<32768xf32, #tpu.memory_space<vmem>>, vector<16xf32>,
        tpu.vector_store %arg9[%swap3A_2116], %add3A_2099 {strides = array<i32>} : memref<32768xf32, #tpu.memory_space<vmem>>, vector<16xf32>,
        %mul3A_2118 = arith.constant 128 : i32
        %mul3A_2119 = arith.muli %add3A_1140, %mul3A_2118 : i32
        %add3A_2120 = arith.constant 64 : i32
        %add3A_2121 = arith.addi %mul3A_2119, %add3A_2120 : i32
        %swap3A_2122 = arith.index_cast %add3A_2121 : i32 to index
        %swap3A_2123 = tpu.vector_load %arg9[%swap3A_2122] {strides = array<i32>} : memref<32768xf32, #tpu.memory_space<vmem>>, vector<16xf32>,
        tpu.vector_store %arg9[%swap3A_2122], %add3A_2103 {strides = array<i32>} : memref<32768xf32, #tpu.memory_space<vmem>>, vector<16xf32>,
        %mul3A_2124 = arith.constant 128 : i32
        %mul3A_2125 = arith.muli %add3A_1171, %mul3A_2124 : i32
        %add3A_2126 = arith.constant 64 : i32
        %add3A_2127 = arith.addi %mul3A_2125, %add3A_2126 : i32
        %swap3A_2128 = arith.index_cast %add3A_2127 : i32 to index
        %swap3A_2129 = tpu.vector_load %arg9[%swap3A_2128] {strides = array<i32>} : memref<32768xf32, #tpu.memory_space<vmem>>, vector<16xf32>,
        tpu.vector_store %arg9[%swap3A_2128], %add3A_2107 {strides = array<i32>} : memref<32768xf32, #tpu.memory_space<vmem>>, vector<16xf32>,
        %mul3A_2130 = arith.constant 128 : i32
        %mul3A_2131 = arith.muli %add3A_1202, %mul3A_2130 : i32
        %add3A_2132 = arith.constant 64 : i32
        %add3A_2133 = arith.addi %mul3A_2131, %add3A_2132 : i32
        %swap3A_2134 = arith.index_cast %add3A_2133 : i32 to index
        %swap3A_2135 = tpu.vector_load %arg9[%swap3A_2134] {strides = array<i32>} : memref<32768xf32, #tpu.memory_space<vmem>>, vector<16xf32>,
        tpu.vector_store %arg9[%swap3A_2134], %add3A_2111 {strides = array<i32>} : memref<32768xf32, #tpu.memory_space<vmem>>, vector<16xf32>,
        %mul3A_2136 = arith.constant 128 : i32
        %mul3A_2137 = arith.muli %add3A_1111, %mul3A_2136 : i32
        %add3A_2138 = arith.constant 80 : i32
        %add3A_2139 = arith.addi %mul3A_2137, %add3A_2138 : i32
        %get3A_2140 = arith.index_cast %add3A_2139 : i32 to index
        %get3A_2141 = tpu.vector_load %arg9[%get3A_2140] {strides = array<i32>} : memref<32768xf32, #tpu.memory_space<vmem>>, vector<16xf32>,
        %mul3A_2142 = arith.constant 128 : i32
        %mul3A_2143 = arith.muli %add3A_1140, %mul3A_2142 : i32
        %add3A_2144 = arith.constant 80 : i32
        %add3A_2145 = arith.addi %mul3A_2143, %add3A_2144 : i32
        %get3A_2146 = arith.index_cast %add3A_2145 : i32 to index
        %get3A_2147 = tpu.vector_load %arg9[%get3A_2146] {strides = array<i32>} : memref<32768xf32, #tpu.memory_space<vmem>>, vector<16xf32>,
        %mul3A_2148 = arith.constant 128 : i32
        %mul3A_2149 = arith.muli %add3A_1171, %mul3A_2148 : i32
        %add3A_2150 = arith.constant 80 : i32
        %add3A_2151 = arith.addi %mul3A_2149, %add3A_2150 : i32
        %get3A_2152 = arith.index_cast %add3A_2151 : i32 to index
        %get3A_2153 = tpu.vector_load %arg9[%get3A_2152] {strides = array<i32>} : memref<32768xf32, #tpu.memory_space<vmem>>, vector<16xf32>,
        %mul3A_2154 = arith.constant 128 : i32
        %mul3A_2155 = arith.muli %add3A_1202, %mul3A_2154 : i32
        %add3A_2156 = arith.constant 80 : i32
        %add3A_2157 = arith.addi %mul3A_2155, %add3A_2156 : i32
        %get3A_2158 = arith.index_cast %add3A_2157 : i32 to index
        %get3A_2159 = tpu.vector_load %arg9[%get3A_2158] {strides = array<i32>} : memref<32768xf32, #tpu.memory_space<vmem>>, vector<16xf32>,
        %sub3A_2160 = arith.subf %get3A_840, %get3A_2141 : vector<16xf32>
        %mul3A_2161 = vector.broadcast %select_n3A_1114 : f32 to vector<16xf32>
        %mul3A_2162 = arith.mulf %mul3A_2161, %sub3A_2160 : vector<16xf32>
        %add3A_2163 = arith.addf %get3A_2141, %mul3A_2162 : vector<16xf32>
        %sub3A_2164 = arith.subf %get3A_840, %get3A_2147 : vector<16xf32>
        %mul3A_2165 = vector.broadcast %select_n3A_1143 : f32 to vector<16xf32>
        %mul3A_2166 = arith.mulf %mul3A_2165, %sub3A_2164 : vector<16xf32>
        %add3A_2167 = arith.addf %get3A_2147, %mul3A_2166 : vector<16xf32>
        %sub3A_2168 = arith.subf %get3A_840, %get3A_2153 : vector<16xf32>
        %mul3A_2169 = vector.broadcast %select_n3A_1174 : f32 to vector<16xf32>
        %mul3A_2170 = arith.mulf %mul3A_2169, %sub3A_2168 : vector<16xf32>
        %add3A_2171 = arith.addf %get3A_2153, %mul3A_2170 : vector<16xf32>
        %sub3A_2172 = arith.subf %get3A_840, %get3A_2159 : vector<16xf32>
        %mul3A_2173 = vector.broadcast %select_n3A_1205 : f32 to vector<16xf32>
        %mul3A_2174 = arith.mulf %mul3A_2173, %sub3A_2172 : vector<16xf32>
        %add3A_2175 = arith.addf %get3A_2159, %mul3A_2174 : vector<16xf32>
        %mul3A_2176 = arith.constant 128 : i32
        %mul3A_2177 = arith.muli %add3A_1111, %mul3A_2176 : i32
        %add3A_2178 = arith.constant 80 : i32
        %add3A_2179 = arith.addi %mul3A_2177, %add3A_2178 : i32
        %swap3A_2180 = arith.index_cast %add3A_2179 : i32 to index
        %swap3A_2181 = tpu.vector_load %arg9[%swap3A_2180] {strides = array<i32>} : memref<32768xf32, #tpu.memory_space<vmem>>, vector<16xf32>,
        tpu.vector_store %arg9[%swap3A_2180], %add3A_2163 {strides = array<i32>} : memref<32768xf32, #tpu.memory_space<vmem>>, vector<16xf32>,
        %mul3A_2182 = arith.constant 128 : i32
        %mul3A_2183 = arith.muli %add3A_1140, %mul3A_2182 : i32
        %add3A_2184 = arith.constant 80 : i32
        %add3A_2185 = arith.addi %mul3A_2183, %add3A_2184 : i32
        %swap3A_2186 = arith.index_cast %add3A_2185 : i32 to index
        %swap3A_2187 = tpu.vector_load %arg9[%swap3A_2186] {strides = array<i32>} : memref<32768xf32, #tpu.memory_space<vmem>>, vector<16xf32>,
        tpu.vector_store %arg9[%swap3A_2186], %add3A_2167 {strides = array<i32>} : memref<32768xf32, #tpu.memory_space<vmem>>, vector<16xf32>,
        %mul3A_2188 = arith.constant 128 : i32
        %mul3A_2189 = arith.muli %add3A_1171, %mul3A_2188 : i32
        %add3A_2190 = arith.constant 80 : i32
        %add3A_2191 = arith.addi %mul3A_2189, %add3A_2190 : i32
        %swap3A_2192 = arith.index_cast %add3A_2191 : i32 to index
        %swap3A_2193 = tpu.vector_load %arg9[%swap3A_2192] {strides = array<i32>} : memref<32768xf32, #tpu.memory_space<vmem>>, vector<16xf32>,
        tpu.vector_store %arg9[%swap3A_2192], %add3A_2171 {strides = array<i32>} : memref<32768xf32, #tpu.memory_space<vmem>>, vector<16xf32>,
        %mul3A_2194 = arith.constant 128 : i32
        %mul3A_2195 = arith.muli %add3A_1202, %mul3A_2194 : i32
        %add3A_2196 = arith.constant 80 : i32
        %add3A_2197 = arith.addi %mul3A_2195, %add3A_2196 : i32
        %swap3A_2198 = arith.index_cast %add3A_2197 : i32 to index
        %swap3A_2199 = tpu.vector_load %arg9[%swap3A_2198] {strides = array<i32>} : memref<32768xf32, #tpu.memory_space<vmem>>, vector<16xf32>,
        tpu.vector_store %arg9[%swap3A_2198], %add3A_2175 {strides = array<i32>} : memref<32768xf32, #tpu.memory_space<vmem>>, vector<16xf32>,
        %mul3A_2200 = arith.constant 128 : i32
        %mul3A_2201 = arith.muli %add3A_1111, %mul3A_2200 : i32
        %add3A_2202 = arith.constant 96 : i32
        %add3A_2203 = arith.addi %mul3A_2201, %add3A_2202 : i32
        %get3A_2204 = arith.index_cast %add3A_2203 : i32 to index
        %get3A_2205 = tpu.vector_load %arg9[%get3A_2204] {strides = array<i32>} : memref<32768xf32, #tpu.memory_space<vmem>>, vector<16xf32>,
        %mul3A_2206 = arith.constant 128 : i32
        %mul3A_2207 = arith.muli %add3A_1140, %mul3A_2206 : i32
        %add3A_2208 = arith.constant 96 : i32
        %add3A_2209 = arith.addi %mul3A_2207, %add3A_2208 : i32
        %get3A_2210 = arith.index_cast %add3A_2209 : i32 to index
        %get3A_2211 = tpu.vector_load %arg9[%get3A_2210] {strides = array<i32>} : memref<32768xf32, #tpu.memory_space<vmem>>, vector<16xf32>,
        %mul3A_2212 = arith.constant 128 : i32
        %mul3A_2213 = arith.muli %add3A_1171, %mul3A_2212 : i32
        %add3A_2214 = arith.constant 96 : i32
        %add3A_2215 = arith.addi %mul3A_2213, %add3A_2214 : i32
        %get3A_2216 = arith.index_cast %add3A_2215 : i32 to index
        %get3A_2217 = tpu.vector_load %arg9[%get3A_2216] {strides = array<i32>} : memref<32768xf32, #tpu.memory_space<vmem>>, vector<16xf32>,
        %mul3A_2218 = arith.constant 128 : i32
        %mul3A_2219 = arith.muli %add3A_1202, %mul3A_2218 : i32
        %add3A_2220 = arith.constant 96 : i32
        %add3A_2221 = arith.addi %mul3A_2219, %add3A_2220 : i32
        %get3A_2222 = arith.index_cast %add3A_2221 : i32 to index
        %get3A_2223 = tpu.vector_load %arg9[%get3A_2222] {strides = array<i32>} : memref<32768xf32, #tpu.memory_space<vmem>>, vector<16xf32>,
        %sub3A_2224 = arith.subf %get3A_846, %get3A_2205 : vector<16xf32>
        %mul3A_2225 = vector.broadcast %select_n3A_1114 : f32 to vector<16xf32>
        %mul3A_2226 = arith.mulf %mul3A_2225, %sub3A_2224 : vector<16xf32>
        %add3A_2227 = arith.addf %get3A_2205, %mul3A_2226 : vector<16xf32>
        %sub3A_2228 = arith.subf %get3A_846, %get3A_2211 : vector<16xf32>
        %mul3A_2229 = vector.broadcast %select_n3A_1143 : f32 to vector<16xf32>
        %mul3A_2230 = arith.mulf %mul3A_2229, %sub3A_2228 : vector<16xf32>
        %add3A_2231 = arith.addf %get3A_2211, %mul3A_2230 : vector<16xf32>
        %sub3A_2232 = arith.subf %get3A_846, %get3A_2217 : vector<16xf32>
        %mul3A_2233 = vector.broadcast %select_n3A_1174 : f32 to vector<16xf32>
        %mul3A_2234 = arith.mulf %mul3A_2233, %sub3A_2232 : vector<16xf32>
        %add3A_2235 = arith.addf %get3A_2217, %mul3A_2234 : vector<16xf32>
        %sub3A_2236 = arith.subf %get3A_846, %get3A_2223 : vector<16xf32>
        %mul3A_2237 = vector.broadcast %select_n3A_1205 : f32 to vector<16xf32>
        %mul3A_2238 = arith.mulf %mul3A_2237, %sub3A_2236 : vector<16xf32>
        %add3A_2239 = arith.addf %get3A_2223, %mul3A_2238 : vector<16xf32>
        %mul3A_2240 = arith.constant 128 : i32
        %mul3A_2241 = arith.muli %add3A_1111, %mul3A_2240 : i32
        %add3A_2242 = arith.constant 96 : i32
        %add3A_2243 = arith.addi %mul3A_2241, %add3A_2242 : i32
        %swap3A_2244 = arith.index_cast %add3A_2243 : i32 to index
        %swap3A_2245 = tpu.vector_load %arg9[%swap3A_2244] {strides = array<i32>} : memref<32768xf32, #tpu.memory_space<vmem>>, vector<16xf32>,
        tpu.vector_store %arg9[%swap3A_2244], %add3A_2227 {strides = array<i32>} : memref<32768xf32, #tpu.memory_space<vmem>>, vector<16xf32>,
        %mul3A_2246 = arith.constant 128 : i32
        %mul3A_2247 = arith.muli %add3A_1140, %mul3A_2246 : i32
        %add3A_2248 = arith.constant 96 : i32
        %add3A_2249 = arith.addi %mul3A_2247, %add3A_2248 : i32
        %swap3A_2250 = arith.index_cast %add3A_2249 : i32 to index
        %swap3A_2251 = tpu.vector_load %arg9[%swap3A_2250] {strides = array<i32>} : memref<32768xf32, #tpu.memory_space<vmem>>, vector<16xf32>,
        tpu.vector_store %arg9[%swap3A_2250], %add3A_2231 {strides = array<i32>} : memref<32768xf32, #tpu.memory_space<vmem>>, vector<16xf32>,
        %mul3A_2252 = arith.constant 128 : i32
        %mul3A_2253 = arith.muli %add3A_1171, %mul3A_2252 : i32
        %add3A_2254 = arith.constant 96 : i32
        %add3A_2255 = arith.addi %mul3A_2253, %add3A_2254 : i32
        %swap3A_2256 = arith.index_cast %add3A_2255 : i32 to index
        %swap3A_2257 = tpu.vector_load %arg9[%swap3A_2256] {strides = array<i32>} : memref<32768xf32, #tpu.memory_space<vmem>>, vector<16xf32>,
        tpu.vector_store %arg9[%swap3A_2256], %add3A_2235 {strides = array<i32>} : memref<32768xf32, #tpu.memory_space<vmem>>, vector<16xf32>,
        %mul3A_2258 = arith.constant 128 : i32
        %mul3A_2259 = arith.muli %add3A_1202, %mul3A_2258 : i32
        %add3A_2260 = arith.constant 96 : i32
        %add3A_2261 = arith.addi %mul3A_2259, %add3A_2260 : i32
        %swap3A_2262 = arith.index_cast %add3A_2261 : i32 to index
        %swap3A_2263 = tpu.vector_load %arg9[%swap3A_2262] {strides = array<i32>} : memref<32768xf32, #tpu.memory_space<vmem>>, vector<16xf32>,
        tpu.vector_store %arg9[%swap3A_2262], %add3A_2239 {strides = array<i32>} : memref<32768xf32, #tpu.memory_space<vmem>>, vector<16xf32>,
        %mul3A_2264 = arith.constant 128 : i32
        %mul3A_2265 = arith.muli %add3A_1111, %mul3A_2264 : i32
        %add3A_2266 = arith.constant 112 : i32
        %add3A_2267 = arith.addi %mul3A_2265, %add3A_2266 : i32
        %get3A_2268 = arith.index_cast %add3A_2267 : i32 to index
        %get3A_2269 = tpu.vector_load %arg9[%get3A_2268] {strides = array<i32>} : memref<32768xf32, #tpu.memory_space<vmem>>, vector<16xf32>,
        %mul3A_2270 = arith.constant 128 : i32
        %mul3A_2271 = arith.muli %add3A_1140, %mul3A_2270 : i32
        %add3A_2272 = arith.constant 112 : i32
        %add3A_2273 = arith.addi %mul3A_2271, %add3A_2272 : i32
        %get3A_2274 = arith.index_cast %add3A_2273 : i32 to index
        %get3A_2275 = tpu.vector_load %arg9[%get3A_2274] {strides = array<i32>} : memref<32768xf32, #tpu.memory_space<vmem>>, vector<16xf32>,
        %mul3A_2276 = arith.constant 128 : i32
        %mul3A_2277 = arith.muli %add3A_1171, %mul3A_2276 : i32
        %add3A_2278 = arith.constant 112 : i32
        %add3A_2279 = arith.addi %mul3A_2277, %add3A_2278 : i32
        %get3A_2280 = arith.index_cast %add3A_2279 : i32 to index
        %get3A_2281 = tpu.vector_load %arg9[%get3A_2280] {strides = array<i32>} : memref<32768xf32, #tpu.memory_space<vmem>>, vector<16xf32>,
        %mul3A_2282 = arith.constant 128 : i32
        %mul3A_2283 = arith.muli %add3A_1202, %mul3A_2282 : i32
        %add3A_2284 = arith.constant 112 : i32
        %add3A_2285 = arith.addi %mul3A_2283, %add3A_2284 : i32
        %get3A_2286 = arith.index_cast %add3A_2285 : i32 to index
        %get3A_2287 = tpu.vector_load %arg9[%get3A_2286] {strides = array<i32>} : memref<32768xf32, #tpu.memory_space<vmem>>, vector<16xf32>,
        %sub3A_2288 = arith.subf %get3A_852, %get3A_2269 : vector<16xf32>
        %mul3A_2289 = vector.broadcast %select_n3A_1114 : f32 to vector<16xf32>
        %mul3A_2290 = arith.mulf %mul3A_2289, %sub3A_2288 : vector<16xf32>
        %add3A_2291 = arith.addf %get3A_2269, %mul3A_2290 : vector<16xf32>
        %sub3A_2292 = arith.subf %get3A_852, %get3A_2275 : vector<16xf32>
        %mul3A_2293 = vector.broadcast %select_n3A_1143 : f32 to vector<16xf32>
        %mul3A_2294 = arith.mulf %mul3A_2293, %sub3A_2292 : vector<16xf32>
        %add3A_2295 = arith.addf %get3A_2275, %mul3A_2294 : vector<16xf32>
        %sub3A_2296 = arith.subf %get3A_852, %get3A_2281 : vector<16xf32>
        %mul3A_2297 = vector.broadcast %select_n3A_1174 : f32 to vector<16xf32>
        %mul3A_2298 = arith.mulf %mul3A_2297, %sub3A_2296 : vector<16xf32>
        %add3A_2299 = arith.addf %get3A_2281, %mul3A_2298 : vector<16xf32>
        %sub3A_2300 = arith.subf %get3A_852, %get3A_2287 : vector<16xf32>
        %mul3A_2301 = vector.broadcast %select_n3A_1205 : f32 to vector<16xf32>
        %mul3A_2302 = arith.mulf %mul3A_2301, %sub3A_2300 : vector<16xf32>
        %add3A_2303 = arith.addf %get3A_2287, %mul3A_2302 : vector<16xf32>
        %mul3A_2304 = arith.constant 128 : i32
        %mul3A_2305 = arith.muli %add3A_1111, %mul3A_2304 : i32
        %add3A_2306 = arith.constant 112 : i32
        %add3A_2307 = arith.addi %mul3A_2305, %add3A_2306 : i32
        %swap3A_2308 = arith.index_cast %add3A_2307 : i32 to index
        %swap3A_2309 = tpu.vector_load %arg9[%swap3A_2308] {strides = array<i32>} : memref<32768xf32, #tpu.memory_space<vmem>>, vector<16xf32>,
        tpu.vector_store %arg9[%swap3A_2308], %add3A_2291 {strides = array<i32>} : memref<32768xf32, #tpu.memory_space<vmem>>, vector<16xf32>,
        %mul3A_2310 = arith.constant 128 : i32
        %mul3A_2311 = arith.muli %add3A_1140, %mul3A_2310 : i32
        %add3A_2312 = arith.constant 112 : i32
        %add3A_2313 = arith.addi %mul3A_2311, %add3A_2312 : i32
        %swap3A_2314 = arith.index_cast %add3A_2313 : i32 to index
        %swap3A_2315 = tpu.vector_load %arg9[%swap3A_2314] {strides = array<i32>} : memref<32768xf32, #tpu.memory_space<vmem>>, vector<16xf32>,
        tpu.vector_store %arg9[%swap3A_2314], %add3A_2295 {strides = array<i32>} : memref<32768xf32, #tpu.memory_space<vmem>>, vector<16xf32>,
        %mul3A_2316 = arith.constant 128 : i32
        %mul3A_2317 = arith.muli %add3A_1171, %mul3A_2316 : i32
        %add3A_2318 = arith.constant 112 : i32
        %add3A_2319 = arith.addi %mul3A_2317, %add3A_2318 : i32
        %swap3A_2320 = arith.index_cast %add3A_2319 : i32 to index
        %swap3A_2321 = tpu.vector_load %arg9[%swap3A_2320] {strides = array<i32>} : memref<32768xf32, #tpu.memory_space<vmem>>, vector<16xf32>,
        tpu.vector_store %arg9[%swap3A_2320], %add3A_2299 {strides = array<i32>} : memref<32768xf32, #tpu.memory_space<vmem>>, vector<16xf32>,
        %mul3A_2322 = arith.constant 128 : i32
        %mul3A_2323 = arith.muli %add3A_1202, %mul3A_2322 : i32
        %add3A_2324 = arith.constant 112 : i32
        %add3A_2325 = arith.addi %mul3A_2323, %add3A_2324 : i32
        %swap3A_2326 = arith.index_cast %add3A_2325 : i32 to index
        %swap3A_2327 = tpu.vector_load %arg9[%swap3A_2326] {strides = array<i32>} : memref<32768xf32, #tpu.memory_space<vmem>>, vector<16xf32>,
        tpu.vector_store %arg9[%swap3A_2326], %add3A_2303 {strides = array<i32>} : memref<32768xf32, #tpu.memory_space<vmem>>, vector<16xf32>,
      }
      %scan3A_107 = arith.constant 768 : i32
      %dma_wait3A_108 = arith.constant 0 : i32
      %dma_wait3A_109 = arith.constant 0 : i32
      %dma_wait3A_110 = tpu.memref_slice %arg12[%dma_wait3A_109] : memref<512xf32, #tpu.memory_space<vmem>> -> memref<256xf32, #tpu.memory_space<vmem>>
      %dma_wait3A_111 = arith.constant 0 : i32
      %dma_wait3A_112 = tpu.memref_slice %arg15[%shift_right_arithmetic3A_3, %dma_wait3A_108, %dma_wait3A_111] : memref<2x256x256xf32, #tpu.memory_space<vmem_shared>> -> memref<1x1x256xf32, #tpu.memory_space<vmem_shared>>
      %dma_wait3A_113 = tpu.memref_squeeze %dma_wait3A_112 : memref<1x1x256xf32, #tpu.memory_space<vmem_shared>> -> memref<256xf32, #tpu.memory_space<vmem_shared>>
      %dma_wait3A_114 = arith.constant 0 : i32
      %dma_wait3A_115 = tpu.memref_slice %arg12[%dma_wait3A_114] : memref<512xf32, #tpu.memory_space<vmem>> -> memref<256xf32, #tpu.memory_space<vmem>>
      %dma_wait3A_116 = arith.constant 0 : i32
      %dma_wait3A_117 = tpu.memref_slice %arg15[%shift_right_arithmetic3A_3, %dma_wait3A_108, %dma_wait3A_116] : memref<2x256x256xf32, #tpu.memory_space<vmem_shared>> -> memref<1x1x256xf32, #tpu.memory_space<vmem_shared>>
      %dma_wait3A_118 = tpu.memref_squeeze %dma_wait3A_117 : memref<1x1x256xf32, #tpu.memory_space<vmem_shared>> -> memref<256xf32, #tpu.memory_space<vmem_shared>>
      tpu.wait_dma2 semaphore(%arg17 : memref<!tpu.dma_semaphore, #tpu.memory_space<semaphore_mem>>) src(%dma_wait3A_118 : memref<256xf32, #tpu.memory_space<vmem_shared>>) dst(%dma_wait3A_115 : memref<256xf32, #tpu.memory_space<vmem>>)
      %dma_wait3A_119 = arith.constant 0 : i32
      %dma_wait3A_120 = arith.constant 0 : i32
      %dma_wait3A_121 = tpu.memref_slice %arg13[%dma_wait3A_120] : memref<256xf32, #tpu.memory_space<vmem>> -> memref<128xf32, #tpu.memory_space<vmem>>
      %dma_wait3A_122 = arith.constant 0 : i32
      %dma_wait3A_123 = tpu.memref_slice %arg16[%shift_right_arithmetic3A_3, %dma_wait3A_119, %dma_wait3A_122] : memref<2x256x128xf32, #tpu.memory_space<vmem_shared>> -> memref<1x1x128xf32, #tpu.memory_space<vmem_shared>>
      %dma_wait3A_124 = tpu.memref_squeeze %dma_wait3A_123 : memref<1x1x128xf32, #tpu.memory_space<vmem_shared>> -> memref<128xf32, #tpu.memory_space<vmem_shared>>
      %dma_wait3A_125 = arith.constant 0 : i32
      %dma_wait3A_126 = tpu.memref_slice %arg13[%dma_wait3A_125] : memref<256xf32, #tpu.memory_space<vmem>> -> memref<128xf32, #tpu.memory_space<vmem>>
      %dma_wait3A_127 = arith.constant 0 : i32
      %dma_wait3A_128 = tpu.memref_slice %arg16[%shift_right_arithmetic3A_3, %dma_wait3A_119, %dma_wait3A_127] : memref<2x256x128xf32, #tpu.memory_space<vmem_shared>> -> memref<1x1x128xf32, #tpu.memory_space<vmem_shared>>
      %dma_wait3A_129 = tpu.memref_squeeze %dma_wait3A_128 : memref<1x1x128xf32, #tpu.memory_space<vmem_shared>> -> memref<128xf32, #tpu.memory_space<vmem_shared>>
      tpu.wait_dma2 semaphore(%arg18 : memref<!tpu.dma_semaphore, #tpu.memory_space<semaphore_mem>>) src(%dma_wait3A_129 : memref<128xf32, #tpu.memory_space<vmem_shared>>) dst(%dma_wait3A_126 : memref<128xf32, #tpu.memory_space<vmem>>)
      %broadcast_in_dim3A_130 = arith.constant 0.000000e+00 : f32
      %broadcast_in_dim3A_131 = vector.broadcast %broadcast_in_dim3A_130 : f32 to vector<16xf32>
      %broadcast_in_dim3A_132 = arith.constant 0.000000e+00 : f32
      %broadcast_in_dim3A_133 = vector.broadcast %broadcast_in_dim3A_132 : f32 to vector<16xf32>
      %broadcast_in_dim3A_134 = arith.constant 0.000000e+00 : f32
      %broadcast_in_dim3A_135 = vector.broadcast %broadcast_in_dim3A_134 : f32 to vector<16xf32>
      %broadcast_in_dim3A_136 = arith.constant 0.000000e+00 : f32
      %broadcast_in_dim3A_137 = vector.broadcast %broadcast_in_dim3A_136 : f32 to vector<16xf32>
      %broadcast_in_dim3A_138 = arith.constant 0.000000e+00 : f32
      %broadcast_in_dim3A_139 = vector.broadcast %broadcast_in_dim3A_138 : f32 to vector<16xf32>
      %broadcast_in_dim3A_140 = arith.constant 0.000000e+00 : f32
      %broadcast_in_dim3A_141 = vector.broadcast %broadcast_in_dim3A_140 : f32 to vector<16xf32>
      %broadcast_in_dim3A_142 = arith.constant 0.000000e+00 : f32
      %broadcast_in_dim3A_143 = vector.broadcast %broadcast_in_dim3A_142 : f32 to vector<16xf32>
      %broadcast_in_dim3A_144 = arith.constant 0.000000e+00 : f32
      %broadcast_in_dim3A_145 = vector.broadcast %broadcast_in_dim3A_144 : f32 to vector<16xf32>
      %scan3A_146 = arith.constant 0 : i32
      %scan3A_147 = arith.constant 256 : i32
      %scan3A_148 = arith.addi %scan3A_146, %scan3A_147 : i32
      %scan3A_149 = arith.constant 1 : i32
      %scan3A_150:8 = scf.for %scan3A_168 = %scan3A_146 to %scan3A_148 step %scan3A_149 iter_args(%scan3A_169 = %broadcast_in_dim3A_131, %scan3A_170 = %broadcast_in_dim3A_133, %scan3A_171 = %broadcast_in_dim3A_135, %scan3A_172 = %broadcast_in_dim3A_137, %scan3A_173 = %broadcast_in_dim3A_139, %scan3A_174 = %broadcast_in_dim3A_141, %scan3A_175 = %broadcast_in_dim3A_143, %scan3A_176 = %broadcast_in_dim3A_145) -> (vector<16xf32>, vector<16xf32>, vector<16xf32>, vector<16xf32>, vector<16xf32>, vector<16xf32>, vector<16xf32>, vector<16xf32>)  : i32 {
        %mul3A_177 = arith.constant 128 : i32
        %mul3A_178 = arith.muli %scan3A_168, %mul3A_177 : i32
        %add3A_179 = arith.constant 0 : i32
        %add3A_180 = arith.addi %mul3A_178, %add3A_179 : i32
        %get3A = arith.index_cast %add3A_180 : i32 to index
        %get3A_181 = tpu.vector_load %arg9[%get3A] {strides = array<i32>} : memref<32768xf32, #tpu.memory_space<vmem>>, vector<16xf32>,
        %add3A_182 = arith.addf %scan3A_169, %get3A_181 : vector<16xf32>
        %mul3A_183 = arith.constant 128 : i32
        %mul3A_184 = arith.muli %scan3A_168, %mul3A_183 : i32
        %add3A_185 = arith.constant 16 : i32
        %add3A_186 = arith.addi %mul3A_184, %add3A_185 : i32
        %get3A_187 = arith.index_cast %add3A_186 : i32 to index
        %get3A_188 = tpu.vector_load %arg9[%get3A_187] {strides = array<i32>} : memref<32768xf32, #tpu.memory_space<vmem>>, vector<16xf32>,
        %add3A_189 = arith.addf %scan3A_170, %get3A_188 : vector<16xf32>
        %mul3A_190 = arith.constant 128 : i32
        %mul3A_191 = arith.muli %scan3A_168, %mul3A_190 : i32
        %add3A_192 = arith.constant 32 : i32
        %add3A_193 = arith.addi %mul3A_191, %add3A_192 : i32
        %get3A_194 = arith.index_cast %add3A_193 : i32 to index
        %get3A_195 = tpu.vector_load %arg9[%get3A_194] {strides = array<i32>} : memref<32768xf32, #tpu.memory_space<vmem>>, vector<16xf32>,
        %add3A_196 = arith.addf %scan3A_171, %get3A_195 : vector<16xf32>
        %mul3A_197 = arith.constant 128 : i32
        %mul3A_198 = arith.muli %scan3A_168, %mul3A_197 : i32
        %add3A_199 = arith.constant 48 : i32
        %add3A_200 = arith.addi %mul3A_198, %add3A_199 : i32
        %get3A_201 = arith.index_cast %add3A_200 : i32 to index
        %get3A_202 = tpu.vector_load %arg9[%get3A_201] {strides = array<i32>} : memref<32768xf32, #tpu.memory_space<vmem>>, vector<16xf32>,
        %add3A_203 = arith.addf %scan3A_172, %get3A_202 : vector<16xf32>
        %mul3A_204 = arith.constant 128 : i32
        %mul3A_205 = arith.muli %scan3A_168, %mul3A_204 : i32
        %add3A_206 = arith.constant 64 : i32
        %add3A_207 = arith.addi %mul3A_205, %add3A_206 : i32
        %get3A_208 = arith.index_cast %add3A_207 : i32 to index
        %get3A_209 = tpu.vector_load %arg9[%get3A_208] {strides = array<i32>} : memref<32768xf32, #tpu.memory_space<vmem>>, vector<16xf32>,
        %add3A_210 = arith.addf %scan3A_173, %get3A_209 : vector<16xf32>
        %mul3A_211 = arith.constant 128 : i32
        %mul3A_212 = arith.muli %scan3A_168, %mul3A_211 : i32
        %add3A_213 = arith.constant 80 : i32
        %add3A_214 = arith.addi %mul3A_212, %add3A_213 : i32
        %get3A_215 = arith.index_cast %add3A_214 : i32 to index
        %get3A_216 = tpu.vector_load %arg9[%get3A_215] {strides = array<i32>} : memref<32768xf32, #tpu.memory_space<vmem>>, vector<16xf32>,
        %add3A_217 = arith.addf %scan3A_174, %get3A_216 : vector<16xf32>
        %mul3A_218 = arith.constant 128 : i32
        %mul3A_219 = arith.muli %scan3A_168, %mul3A_218 : i32
        %add3A_220 = arith.constant 96 : i32
        %add3A_221 = arith.addi %mul3A_219, %add3A_220 : i32
        %get3A_222 = arith.index_cast %add3A_221 : i32 to index
        %get3A_223 = tpu.vector_load %arg9[%get3A_222] {strides = array<i32>} : memref<32768xf32, #tpu.memory_space<vmem>>, vector<16xf32>,
        %add3A_224 = arith.addf %scan3A_175, %get3A_223 : vector<16xf32>
        %mul3A_225 = arith.constant 128 : i32
        %mul3A_226 = arith.muli %scan3A_168, %mul3A_225 : i32
        %add3A_227 = arith.constant 112 : i32
        %add3A_228 = arith.addi %mul3A_226, %add3A_227 : i32
        %get3A_229 = arith.index_cast %add3A_228 : i32 to index
        %get3A_230 = tpu.vector_load %arg9[%get3A_229] {strides = array<i32>} : memref<32768xf32, #tpu.memory_space<vmem>>, vector<16xf32>,
        %add3A_231 = arith.addf %scan3A_176, %get3A_230 : vector<16xf32>
        scf.yield %add3A_182, %add3A_189, %add3A_196, %add3A_203, %add3A_210, %add3A_217, %add3A_224, %add3A_231 : vector<16xf32>, vector<16xf32>, vector<16xf32>, vector<16xf32>, vector<16xf32>, vector<16xf32>, vector<16xf32>, vector<16xf32>
      }
      %scan3A_151 = arith.constant 256 : i32
      %swap3A_152 = arith.constant 0 : index
      %swap3A_153 = tpu.vector_load %arg14[%swap3A_152] {strides = array<i32>} : memref<128xf32, #tpu.memory_space<vmem>>, vector<16xf32>,
      tpu.vector_store %arg14[%swap3A_152], %scan3A_150#0 {strides = array<i32>} : memref<128xf32, #tpu.memory_space<vmem>>, vector<16xf32>,
      %swap3A_154 = arith.constant 16 : index
      %swap3A_155 = tpu.vector_load %arg14[%swap3A_154] {strides = array<i32>} : memref<128xf32, #tpu.memory_space<vmem>>, vector<16xf32>,
      tpu.vector_store %arg14[%swap3A_154], %scan3A_150#1 {strides = array<i32>} : memref<128xf32, #tpu.memory_space<vmem>>, vector<16xf32>,
      %swap3A_156 = arith.constant 32 : index
      %swap3A_157 = tpu.vector_load %arg14[%swap3A_156] {strides = array<i32>} : memref<128xf32, #tpu.memory_space<vmem>>, vector<16xf32>,
      tpu.vector_store %arg14[%swap3A_156], %scan3A_150#2 {strides = array<i32>} : memref<128xf32, #tpu.memory_space<vmem>>, vector<16xf32>,
      %swap3A_158 = arith.constant 48 : index
      %swap3A_159 = tpu.vector_load %arg14[%swap3A_158] {strides = array<i32>} : memref<128xf32, #tpu.memory_space<vmem>>, vector<16xf32>,
      tpu.vector_store %arg14[%swap3A_158], %scan3A_150#3 {strides = array<i32>} : memref<128xf32, #tpu.memory_space<vmem>>, vector<16xf32>,
      %swap3A_160 = arith.constant 64 : index
      %swap3A_161 = tpu.vector_load %arg14[%swap3A_160] {strides = array<i32>} : memref<128xf32, #tpu.memory_space<vmem>>, vector<16xf32>,
      tpu.vector_store %arg14[%swap3A_160], %scan3A_150#4 {strides = array<i32>} : memref<128xf32, #tpu.memory_space<vmem>>, vector<16xf32>,
      %swap3A_162 = arith.constant 80 : index
      %swap3A_163 = tpu.vector_load %arg14[%swap3A_162] {strides = array<i32>} : memref<128xf32, #tpu.memory_space<vmem>>, vector<16xf32>,
      tpu.vector_store %arg14[%swap3A_162], %scan3A_150#5 {strides = array<i32>} : memref<128xf32, #tpu.memory_space<vmem>>, vector<16xf32>,
      %swap3A_164 = arith.constant 96 : index
      %swap3A_165 = tpu.vector_load %arg14[%swap3A_164] {strides = array<i32>} : memref<128xf32, #tpu.memory_space<vmem>>, vector<16xf32>,
      tpu.vector_store %arg14[%swap3A_164], %scan3A_150#6 {strides = array<i32>} : memref<128xf32, #tpu.memory_space<vmem>>, vector<16xf32>,
      %swap3A_166 = arith.constant 112 : index
      %swap3A_167 = tpu.vector_load %arg14[%swap3A_166] {strides = array<i32>} : memref<128xf32, #tpu.memory_space<vmem>>, vector<16xf32>,
      tpu.vector_store %arg14[%swap3A_166], %scan3A_150#7 {strides = array<i32>} : memref<128xf32, #tpu.memory_space<vmem>>, vector<16xf32>,
      "tpu.region"() ({
        %run_scoped3A = tpu.sem_alloc : memref<!tpu.dma_semaphore, #tpu.memory_space<semaphore_mem>>
        %dma_start3A_168 = arith.constant 0 : i32
        %dma_start3A_169 = tpu.memref_slice %arg7[%add3A, %dma_start3A_168] : memref<4x128xf32, #tpu.memory_space<hbm>> -> memref<1x128xf32, #tpu.memory_space<hbm>>
        %dma_start3A_170 = tpu.memref_squeeze %dma_start3A_169 : memref<1x128xf32, #tpu.memory_space<hbm>> -> memref<128xf32, #tpu.memory_space<hbm>>
        %dma_start3A_171 = arith.constant 0 : i32
        %dma_start3A_172 = tpu.memref_slice %arg7[%add3A, %dma_start3A_171] : memref<4x128xf32, #tpu.memory_space<hbm>> -> memref<1x128xf32, #tpu.memory_space<hbm>>
        %dma_start3A_173 = tpu.memref_squeeze %dma_start3A_172 : memref<1x128xf32, #tpu.memory_space<hbm>> -> memref<128xf32, #tpu.memory_space<hbm>>
        tpu.enqueue_dma source(%arg14 : memref<128xf32, #tpu.memory_space<vmem>>) target(%dma_start3A_173 : memref<128xf32, #tpu.memory_space<hbm>>) target_semaphore(%run_scoped3A : memref<!tpu.dma_semaphore, #tpu.memory_space<semaphore_mem>>)
        %dma_wait3A_174 = arith.constant 0 : i32
        %dma_wait3A_175 = tpu.memref_slice %arg7[%add3A, %dma_wait3A_174] : memref<4x128xf32, #tpu.memory_space<hbm>> -> memref<1x128xf32, #tpu.memory_space<hbm>>
        %dma_wait3A_176 = tpu.memref_squeeze %dma_wait3A_175 : memref<1x128xf32, #tpu.memory_space<hbm>> -> memref<128xf32, #tpu.memory_space<hbm>>
        %dma_wait3A_177 = arith.constant 0 : i32
        %dma_wait3A_178 = tpu.memref_slice %arg7[%add3A, %dma_wait3A_177] : memref<4x128xf32, #tpu.memory_space<hbm>> -> memref<1x128xf32, #tpu.memory_space<hbm>>
        %dma_wait3A_179 = tpu.memref_squeeze %dma_wait3A_178 : memref<1x128xf32, #tpu.memory_space<hbm>> -> memref<128xf32, #tpu.memory_space<hbm>>
        tpu.wait_dma2 semaphore(%run_scoped3A : memref<!tpu.dma_semaphore, #tpu.memory_space<semaphore_mem>>) src(%arg14 : memref<128xf32, #tpu.memory_space<vmem>>) dst(%dma_wait3A_179 : memref<128xf32, #tpu.memory_space<hbm>>)
        tpu.yield
      }) : () -> ()
    } else {
    }
    return
  }
}

module attributes {stable_mosaic.version = 14 : i64} {
  func.func @_gram_body(%arg0: memref<4x256x128xf32, #tpu.memory_space<vmem>>, %arg1: memref<256x128xf32, #tpu.memory_space<vmem>>, %arg2: memref<4x256x257xf32, #tpu.memory_space<vmem>>, %arg3: memref<4x256x256xf32, #tpu.memory_space<vmem>>, %arg4: memref<256x1xf32, #tpu.memory_space<vmem>>) attributes {dimension_semantics = [], scalar_prefetch = 0 : i64, scratch_operands = 0 : i64, tpu.core_type = #tpu.core_type<tc>} {
    %get3A = arith.constant 0 : index
    %get3A_0 = arith.constant 0 : index
    %get3A_1 = vector.load %arg1[%get3A, %get3A_0] : memref<256x128xf32, #tpu.memory_space<vmem>>, vector<256x128xf32>
    %mul3A = arith.mulf %get3A_1, %get3A_1 : vector<256x128xf32>
    %reduce_sum3A = arith.constant dense<0.000000e+00> : vector<256xf32>
    %reduce_sum3A_2 = vector.multi_reduction <add>, %mul3A, %reduce_sum3A [1] : vector<256x128xf32> to vector<256xf32>
    %broadcast_in_dim3A = vector.shape_cast %reduce_sum3A_2 : vector<256xf32> to vector<256x1xf32>
    %swap3A = arith.constant 0 : index
    %swap3A_3 = arith.constant 0 : index
    %swap3A_4 = vector.load %arg4[%swap3A, %swap3A_3] : memref<256x1xf32, #tpu.memory_space<vmem>>, vector<256x1xf32>
    tpu.vector_store %arg4[%swap3A, %swap3A_3], %broadcast_in_dim3A {strides = array<i32>} : memref<256x1xf32, #tpu.memory_space<vmem>>, vector<256x1xf32>,
    %get3A_5 = arith.constant 0 : index
    %get3A_6 = arith.constant 0 : index
    %get3A_7 = arith.constant 0 : index
    %get3A_8 = vector.load %arg0[%get3A_5, %get3A_6, %get3A_7] : memref<4x256x128xf32, #tpu.memory_space<vmem>>, vector<1x256x128xf32>
    %get3A_9 = vector.shape_cast %get3A_8 : vector<1x256x128xf32> to vector<256x128xf32>
    %dot_general3A = arith.constant dense<0.000000e+00> : vector<256x256xf32>
    %dot_general3A_10 = tpu.matmul %get3A_1, %get3A_9, %dot_general3A {dimension_numbers = #tpu.dot_dimension_numbers<[1], [1], [0], [0], [0, 0, 1, 0], [], []>, precision = #tpu.contract_precision<fp32>, transpose_lhs_hint = false} : vector<256x128xf32>, vector<256x128xf32>, vector<256x256xf32> -> vector<256x256xf32>
    %swap3A_11 = arith.constant 0 : index
    %swap3A_12 = arith.constant 0 : index
    %swap3A_13 = arith.constant 0 : index
    %swap3A_14 = vector.load %arg2[%swap3A_11, %swap3A_12, %swap3A_13] : memref<4x256x257xf32, #tpu.memory_space<vmem>>, vector<1x256x256xf32>
    %swap3A_15 = vector.shape_cast %swap3A_14 : vector<1x256x256xf32> to vector<256x256xf32>
    %swap3A_16 = vector.shape_cast %dot_general3A_10 : vector<256x256xf32> to vector<1x256x256xf32>
    tpu.vector_store %arg2[%swap3A_11, %swap3A_12, %swap3A_13], %swap3A_16 {strides = array<i32>} : memref<4x256x257xf32, #tpu.memory_space<vmem>>, vector<1x256x256xf32>,
    %dot_general3A_17 = arith.constant dense<0.000000e+00> : vector<256x256xf32>
    %dot_general3A_18 = tpu.matmul %get3A_9, %get3A_9, %dot_general3A_17 {dimension_numbers = #tpu.dot_dimension_numbers<[1], [1], [0], [0], [0, 0, 1, 0], [], []>, precision = #tpu.contract_precision<fp32>, transpose_lhs_hint = false} : vector<256x128xf32>, vector<256x128xf32>, vector<256x256xf32> -> vector<256x256xf32>
    %swap3A_19 = arith.constant 0 : index
    %swap3A_20 = arith.constant 0 : index
    %swap3A_21 = arith.constant 0 : index
    %swap3A_22 = vector.load %arg3[%swap3A_19, %swap3A_20, %swap3A_21] : memref<4x256x256xf32, #tpu.memory_space<vmem>>, vector<1x256x256xf32>
    %swap3A_23 = vector.shape_cast %swap3A_22 : vector<1x256x256xf32> to vector<256x256xf32>
    %swap3A_24 = vector.shape_cast %dot_general3A_18 : vector<256x256xf32> to vector<1x256x256xf32>
    tpu.vector_store %arg3[%swap3A_19, %swap3A_20, %swap3A_21], %swap3A_24 {strides = array<i32>} : memref<4x256x256xf32, #tpu.memory_space<vmem>>, vector<1x256x256xf32>,
    %get3A_25 = arith.constant 1 : index
    %get3A_26 = arith.constant 0 : index
    %get3A_27 = arith.constant 0 : index
    %get3A_28 = vector.load %arg0[%get3A_25, %get3A_26, %get3A_27] : memref<4x256x128xf32, #tpu.memory_space<vmem>>, vector<1x256x128xf32>
    %get3A_29 = vector.shape_cast %get3A_28 : vector<1x256x128xf32> to vector<256x128xf32>
    %dot_general3A_30 = arith.constant dense<0.000000e+00> : vector<256x256xf32>
    %dot_general3A_31 = tpu.matmul %get3A_1, %get3A_29, %dot_general3A_30 {dimension_numbers = #tpu.dot_dimension_numbers<[1], [1], [0], [0], [0, 0, 1, 0], [], []>, precision = #tpu.contract_precision<fp32>, transpose_lhs_hint = false} : vector<256x128xf32>, vector<256x128xf32>, vector<256x256xf32> -> vector<256x256xf32>
    %swap3A_32 = arith.constant 1 : index
    %swap3A_33 = arith.constant 0 : index
    %swap3A_34 = arith.constant 0 : index
    %swap3A_35 = vector.load %arg2[%swap3A_32, %swap3A_33, %swap3A_34] : memref<4x256x257xf32, #tpu.memory_space<vmem>>, vector<1x256x256xf32>
    %swap3A_36 = vector.shape_cast %swap3A_35 : vector<1x256x256xf32> to vector<256x256xf32>
    %swap3A_37 = vector.shape_cast %dot_general3A_31 : vector<256x256xf32> to vector<1x256x256xf32>
    tpu.vector_store %arg2[%swap3A_32, %swap3A_33, %swap3A_34], %swap3A_37 {strides = array<i32>} : memref<4x256x257xf32, #tpu.memory_space<vmem>>, vector<1x256x256xf32>,
    %dot_general3A_38 = arith.constant dense<0.000000e+00> : vector<256x256xf32>
    %dot_general3A_39 = tpu.matmul %get3A_29, %get3A_29, %dot_general3A_38 {dimension_numbers = #tpu.dot_dimension_numbers<[1], [1], [0], [0], [0, 0, 1, 0], [], []>, precision = #tpu.contract_precision<fp32>, transpose_lhs_hint = false} : vector<256x128xf32>, vector<256x128xf32>, vector<256x256xf32> -> vector<256x256xf32>
    %swap3A_40 = arith.constant 1 : index
    %swap3A_41 = arith.constant 0 : index
    %swap3A_42 = arith.constant 0 : index
    %swap3A_43 = vector.load %arg3[%swap3A_40, %swap3A_41, %swap3A_42] : memref<4x256x256xf32, #tpu.memory_space<vmem>>, vector<1x256x256xf32>
    %swap3A_44 = vector.shape_cast %swap3A_43 : vector<1x256x256xf32> to vector<256x256xf32>
    %swap3A_45 = vector.shape_cast %dot_general3A_39 : vector<256x256xf32> to vector<1x256x256xf32>
    tpu.vector_store %arg3[%swap3A_40, %swap3A_41, %swap3A_42], %swap3A_45 {strides = array<i32>} : memref<4x256x256xf32, #tpu.memory_space<vmem>>, vector<1x256x256xf32>,
    %get3A_46 = arith.constant 2 : index
    %get3A_47 = arith.constant 0 : index
    %get3A_48 = arith.constant 0 : index
    %get3A_49 = vector.load %arg0[%get3A_46, %get3A_47, %get3A_48] : memref<4x256x128xf32, #tpu.memory_space<vmem>>, vector<1x256x128xf32>
    %get3A_50 = vector.shape_cast %get3A_49 : vector<1x256x128xf32> to vector<256x128xf32>
    %dot_general3A_51 = arith.constant dense<0.000000e+00> : vector<256x256xf32>
    %dot_general3A_52 = tpu.matmul %get3A_1, %get3A_50, %dot_general3A_51 {dimension_numbers = #tpu.dot_dimension_numbers<[1], [1], [0], [0], [0, 0, 1, 0], [], []>, precision = #tpu.contract_precision<fp32>, transpose_lhs_hint = false} : vector<256x128xf32>, vector<256x128xf32>, vector<256x256xf32> -> vector<256x256xf32>
    %swap3A_53 = arith.constant 2 : index
    %swap3A_54 = arith.constant 0 : index
    %swap3A_55 = arith.constant 0 : index
    %swap3A_56 = vector.load %arg2[%swap3A_53, %swap3A_54, %swap3A_55] : memref<4x256x257xf32, #tpu.memory_space<vmem>>, vector<1x256x256xf32>
    %swap3A_57 = vector.shape_cast %swap3A_56 : vector<1x256x256xf32> to vector<256x256xf32>
    %swap3A_58 = vector.shape_cast %dot_general3A_52 : vector<256x256xf32> to vector<1x256x256xf32>
    tpu.vector_store %arg2[%swap3A_53, %swap3A_54, %swap3A_55], %swap3A_58 {strides = array<i32>} : memref<4x256x257xf32, #tpu.memory_space<vmem>>, vector<1x256x256xf32>,
    %dot_general3A_59 = arith.constant dense<0.000000e+00> : vector<256x256xf32>
    %dot_general3A_60 = tpu.matmul %get3A_50, %get3A_50, %dot_general3A_59 {dimension_numbers = #tpu.dot_dimension_numbers<[1], [1], [0], [0], [0, 0, 1, 0], [], []>, precision = #tpu.contract_precision<fp32>, transpose_lhs_hint = false} : vector<256x128xf32>, vector<256x128xf32>, vector<256x256xf32> -> vector<256x256xf32>
    %swap3A_61 = arith.constant 2 : index
    %swap3A_62 = arith.constant 0 : index
    %swap3A_63 = arith.constant 0 : index
    %swap3A_64 = vector.load %arg3[%swap3A_61, %swap3A_62, %swap3A_63] : memref<4x256x256xf32, #tpu.memory_space<vmem>>, vector<1x256x256xf32>
    %swap3A_65 = vector.shape_cast %swap3A_64 : vector<1x256x256xf32> to vector<256x256xf32>
    %swap3A_66 = vector.shape_cast %dot_general3A_60 : vector<256x256xf32> to vector<1x256x256xf32>
    tpu.vector_store %arg3[%swap3A_61, %swap3A_62, %swap3A_63], %swap3A_66 {strides = array<i32>} : memref<4x256x256xf32, #tpu.memory_space<vmem>>, vector<1x256x256xf32>,
    %get3A_67 = arith.constant 3 : index
    %get3A_68 = arith.constant 0 : index
    %get3A_69 = arith.constant 0 : index
    %get3A_70 = vector.load %arg0[%get3A_67, %get3A_68, %get3A_69] : memref<4x256x128xf32, #tpu.memory_space<vmem>>, vector<1x256x128xf32>
    %get3A_71 = vector.shape_cast %get3A_70 : vector<1x256x128xf32> to vector<256x128xf32>
    %dot_general3A_72 = arith.constant dense<0.000000e+00> : vector<256x256xf32>
    %dot_general3A_73 = tpu.matmul %get3A_1, %get3A_71, %dot_general3A_72 {dimension_numbers = #tpu.dot_dimension_numbers<[1], [1], [0], [0], [0, 0, 1, 0], [], []>, precision = #tpu.contract_precision<fp32>, transpose_lhs_hint = false} : vector<256x128xf32>, vector<256x128xf32>, vector<256x256xf32> -> vector<256x256xf32>
    %swap3A_74 = arith.constant 3 : index
    %swap3A_75 = arith.constant 0 : index
    %swap3A_76 = arith.constant 0 : index
    %swap3A_77 = vector.load %arg2[%swap3A_74, %swap3A_75, %swap3A_76] : memref<4x256x257xf32, #tpu.memory_space<vmem>>, vector<1x256x256xf32>
    %swap3A_78 = vector.shape_cast %swap3A_77 : vector<1x256x256xf32> to vector<256x256xf32>
    %swap3A_79 = vector.shape_cast %dot_general3A_73 : vector<256x256xf32> to vector<1x256x256xf32>
    tpu.vector_store %arg2[%swap3A_74, %swap3A_75, %swap3A_76], %swap3A_79 {strides = array<i32>} : memref<4x256x257xf32, #tpu.memory_space<vmem>>, vector<1x256x256xf32>,
    %dot_general3A_80 = arith.constant dense<0.000000e+00> : vector<256x256xf32>
    %dot_general3A_81 = tpu.matmul %get3A_71, %get3A_71, %dot_general3A_80 {dimension_numbers = #tpu.dot_dimension_numbers<[1], [1], [0], [0], [0, 0, 1, 0], [], []>, precision = #tpu.contract_precision<fp32>, transpose_lhs_hint = false} : vector<256x128xf32>, vector<256x128xf32>, vector<256x256xf32> -> vector<256x256xf32>
    %swap3A_82 = arith.constant 3 : index
    %swap3A_83 = arith.constant 0 : index
    %swap3A_84 = arith.constant 0 : index
    %swap3A_85 = vector.load %arg3[%swap3A_82, %swap3A_83, %swap3A_84] : memref<4x256x256xf32, #tpu.memory_space<vmem>>, vector<1x256x256xf32>
    %swap3A_86 = vector.shape_cast %swap3A_85 : vector<1x256x256xf32> to vector<256x256xf32>
    %swap3A_87 = vector.shape_cast %dot_general3A_81 : vector<256x256xf32> to vector<1x256x256xf32>
    tpu.vector_store %arg3[%swap3A_82, %swap3A_83, %swap3A_84], %swap3A_87 {strides = array<i32>} : memref<4x256x256xf32, #tpu.memory_space<vmem>>, vector<1x256x256xf32>,
    return
  }
}

</mosaic_0001>

<sc_bundles>
// kernel: kernel.4.cloned.1.call-start
scs
__scs_entry_jumppad:
0x0: {  	(pc) =	sbr.rel $0x88, $3  }
0x1: {  	(tag) =	ssettag $0x0;
	lr =	simm.s32 $0x1  }
0x2: {  	[smem:$0x3F9F] =	sst lr;
	_ =	strace $0xD0000000  }
0x3: {  	_ = 	snop  }
0x4: {  	_ = 	snop  }
0x5: {  	_ = 	snop  }
0x6: {  	_ = 	snop  }
0x7: {  	_ = 	snop  }
__scs_overlays_trampoline_lowered:
0x8: {  	[smem:$0x3FAE] =	sst s0  }
0x9: {  	[smem:$0x3FAF] =	sst s1  }
0xa: {  	[smem:$0x3FB0] =	sst s2  }
0xb: {  	[smem:$0x3FB1] =	sst s3  }
0xc: {  	[smem:$0x3FB2] =	sst s4  }
0xd: {  	[smem:$0x3FB3] =	sst s5  }
0xe: {  	[smem:$0x3FB4] =	sst s6  }
0xf: {  	[smem:$0x3FB5] =	sst s7  }
0x10: {  	[smem:$0x3FB6] =	sst s8  }
0x11: {  	[smem:$0x3FB7] =	sst s9;
	s0 =	simm.s32 @!p0 $0x0  }
0x12: {  	s1 =	sld [smem:$0x3F9D];
	s0 =	simm.s32 @p0 $0x1  }
0x13: {  	[smem:$0x3FB8] =	sst s0;
	s0 =	simm.s32 @!p1 $0x0  }
0x14: {  	s2 =	sld [smem:$0x3F9C];
	s0 =	simm.s32 @p1 $0x1  }
0x15: {  	[smem:$0x3FB9] =	sst s0;
	s0 =	simm.s32 @!p2 $0x0  }
0x16: {  	s3 =	sld [smem:$0x3FDB];
	s0 =	simm.s32 @p2 $0x1  }
0x17: {  	s4 =	simm.s32 $0x1BF5;
	[smem:$0x3FBB] =	sst s0  }
0x18: {  	s0 =	sld [smem:$0x3F9E];
	_ =	swait.ge [sflag:s4], $0x0  }
0x19: {  	s7 =	sld [smem:$0x3F9F]  }
0x1a: {  	s8 =	sadd.s32 $0xFFFFE003, lr  }
0x1b: {  	s9 =	sadd.s32 $0xFFFFFEF7, lr;
	s5 =	simm.s32 $0xFFFFFFFF;
	p2 =	slt.u32 s8, $0xFFFFF086  }
0x1c: {  	p1 =	slt.u32 s9, $0xF7A;
	s5 =	simm.s32 @!p2 $0x0  }
0x1d: {  	s5 =	simm.s32 @p1 $0x1;
	p0 =	seq.s32 s7, s2  }
0x1e: {  	s7 =	smul.u32 @!p0 $0xF7A, s2;
	p2 =	seq.s32 @!p0 s5, $0x0  }
0x1f: {  	s9 =	smul.u32 $0xF7A, s1;
	s8 =	simm.s32 @!p0 $0x1BF5;
	p2 =	por !p2, p0  }
0x20: {  	[sflag:s8] =	ssyncset.s32 @!p0 $0xFFFFF086;
	s6 =	sadd.s32 @!p0 s3, s7;
	s7 =	simm.s32 @!p0 $0x108  }
0x21: {  	s3 =	sadd.s32 s3, s9;
	s6 =	sadd.s32 @!p0 $0x88, s6;
	s7 =	simm.s32 @p2 $0x1082  }
0x22: {  	[simem:s7], [sflag:s8] =	dma.local @!p0 [hbm:s6], $0xF7A  }
0x23: {  	s9 =	sor.u32 $0xD0000000, s2;
	s6 =	simm.s32 $0x108;
	_ =	swait.ge @!p0 [sflag:s8], $0x0  }
0x24: {  	s3 =	sadd.s32 $0x88, s3;
	s6 =	simm.s32 @!p1 $0x1082;
	[sflag:s4] =	ssyncset.s32 $0xFFFFF086  }
0x25: {  	[simem:s6], [sflag:s4] =	dma.local [hbm:s3], $0xF7A  }
0x26: {  	[smem:$0x3F9F] =	sst s1;
	(tag) =	ssettag s2;
	_ =	strace s9  }
0x27: {  	s1 =	sld [smem:$0x3FAF]  }
0x28: {  	s2 =	sld [smem:$0x3FB0]  }
0x29: {  	s4 =	sld [smem:$0x3FB2]  }
0x2a: {  	p0 =	seq.s32 s5, $0x0;
	s5 =	sld [smem:$0x3FB3]  }
0x2b: {  	s6 =	sld [smem:$0x3FB4]  }
0x2c: {  	s7 =	sld [smem:$0x3FB5]  }
0x2d: {  	s3 =	simm.s32 $0x108;
	s8 =	sld [smem:$0x3FB6]  }
0x2e: {  	s3 =	simm.s32 @!p0 $0x1082;
	s9 =	sld [smem:$0x3FB7]  }
0x2f: {  	lr =	sadd.s32 s0, s3;
	s0 =	sld [smem:$0x3FAE]  }
0x30: {  	s3 =	sld [smem:$0x3FB1]  }
0x31: {  	[smem:$0x3FBA] =	sst s10  }
0x32: {  	s10 =	sld [smem:$0x3FB8];
	_ =	sdelay $0x3  }
0x33: {  	p0 =	seq.s32 s10, $0x1;
	s10 =	sld [smem:$0x3FBA];
	_ =	sdelay $0x3  }
0x34: {  	[smem:$0x3FBA] =	sst s10  }
0x35: {  	s10 =	sld [smem:$0x3FB9];
	_ =	sdelay $0x3  }
0x36: {  	p1 =	seq.s32 s10, $0x1;
	s10 =	sld [smem:$0x3FBA];
	_ =	sdelay $0x3  }
0x37: {  	[smem:$0x3FBA] =	sst s10  }
0x38: {  	s10 =	sld [smem:$0x3FBB]  }
0x39: {  	_ = 	snop;
	(pc) =	sbr.ind lr, $3  }
0x3a: {  	_ = 	snop  }
0x3b: {  	_ = 	snop  }
0x3c: {  	p2 =	seq.s32 s10, $0x1;
	s10 =	sld [smem:$0x3FBA]  }
0x3d: {  	_ =	shalt  }
0x3e: {  	_ =	shalt  }
0x3f: {  	_ =	shalt  }
0x40: {  	_ =	shalt  }
0x41: {  	_ =	shalt  }
0x42: {  	_ =	shalt  }
0x43: {  	_ =	shalt  }
0x44: {  	_ =	shalt  }
0x45: {  	_ =	shalt  }
0x46: {  	_ =	shalt  }
0x47: {  	_ =	shalt  }
0x48: {  	_ =	shalt  }
0x49: {  	_ =	shalt  }
0x4a: {  	_ =	shalt  }
0x4b: {  	_ =	shalt  }
0x4c: {  	_ =	shalt  }
0x4d: {  	_ =	shalt  }
0x4e: {  	_ =	shalt  }
0x4f: {  	_ =	shalt  }
0x50: {  	_ =	shalt  }
0x51: {  	_ =	shalt  }
0x52: {  	_ =	shalt  }
0x53: {  	_ =	shalt  }
0x54: {  	_ =	shalt  }
0x55: {  	_ =	shalt  }
0x56: {  	_ =	shalt  }
0x57: {  	_ =	shalt  }
0x58: {  	_ =	shalt  }
0x59: {  	_ =	shalt  }
0x5a: {  	_ =	shalt  }
0x5b: {  	_ =	shalt  }
0x5c: {  	_ =	shalt  }
0x5d: {  	_ =	shalt  }
0x5e: {  	_ =	shalt  }
0x5f: {  	_ =	shalt  }
0x60: {  	_ =	shalt  }
0x61: {  	_ =	shalt  }
0x62: {  	_ =	shalt  }
0x63: {  	_ =	shalt  }
0x64: {  	_ =	shalt  }
0x65: {  	_ =	shalt  }
0x66: {  	_ =	shalt  }
0x67: {  	_ =	shalt  }
0x68: {  	_ =	shalt  }
0x69: {  	_ =	shalt  }
0x6a: {  	_ =	shalt  }
0x6b: {  	_ =	shalt  }
0x6c: {  	_ =	shalt  }
0x6d: {  	_ =	shalt  }
0x6e: {  	_ =	shalt  }
0x6f: {  	_ =	shalt  }
0x70: {  	_ =	shalt  }
0x71: {  	_ =	shalt  }
0x72: {  	_ =	shalt  }
0x73: {  	_ =	shalt  }
0x74: {  	_ =	shalt  }
0x75: {  	_ =	shalt  }
0x76: {  	_ =	shalt  }
0x77: {  	_ =	shalt  }
0x78: {  	_ =	shalt  }
0x79: {  	_ =	shalt  }
0x7a: {  	_ =	shalt  }
0x7b: {  	_ =	shalt  }
0x7c: {  	_ =	shalt  }
0x7d: {  	_ =	shalt  }
0x7e: {  	_ =	shalt  }
0x7f: {  	_ =	shalt  }
0x80: {  	_ =	shalt  }
0x81: {  	_ =	shalt  }
0x82: {  	_ =	shalt  }
0x83: {  	_ =	shalt  }
0x84: {  	_ =	shalt  }
0x85: {  	_ =	shalt  }
0x86: {  	_ =	shalt  }
0x87: {  	_ =	shalt  }
.Lfunc_end0:
.L_simem_size_0:
called_computation_lowered:
.L_overlay_start_0:
0x88: {  	s2 =	sld [smem:$0x3FD9]  }
0x89: {  	s3 =	sld [smem:$0x3FFE];
	_ =	sdelay $0x1  }
0x8a: {  	s1 =	srdreg.scid  }
0x8b: {  	s0 =	sand.u32 $0x1, s1  }
0x8c: {  	s17 =	sshll.u32 s0, $0xA;
	s2 =	sadd.s32 s3, s2  }
0x8d: {  	s2 =	sadd.s32 s2, s17  }
0x8e: {  	[smem:$0x3FC6] =	sst s2  }
0x8f: {  	_ = 	snop  }
0x90: {  	s2 =	sld [smem:$0x3FC9]  }
0x91: {  	s18 =	sld [smem:$0x3FC8]  }
0x92: {  	s4 =	sld [smem:$0x3FD0];
	(tm) =	ssettm $0x1  }
0x93: {  	s5 =	sld [smem:$0x3FFB];
	_ =	sdelay $0x3  }
0x94: {  	_ =	strace s5  }
0x95: {  	s5 =	sld [smem:$0x3FFC];
	_ =	sdelay $0x3  }
0x96: {  	_ =	strace s5  }
0x97: {  	s5 =	sld [smem:$0x3FFD];
	_ =	sdelay $0x3  }
0x98: {  	_ =	strace s5  }
0x99: {  	_ =	strace $0x8FFFFFFF  }
0x9a: {  	s19 =	sld [smem:$0x3FDB];
	_ =	sdelay $0x1  }
0x9b: {  	s6 =	simm.s32 $_scs_section_size  }
0x9c: {  	s7 =	simm.s32 $_size__tile_overlayer_lowered;
	s8 =	simm.s32 $_tile_overlayer_lowered  }
0x9d: {  	s22 =	simm.s32 $0x1BFF;
	s21 =	sshll.u32 s8, $0x1;
	s5 =	sadd.s32 s6, s19  }
0x9e: {  	s9 =	simm.s32 $0x0;
	s20 =	sshll.u32 s7, $0x1;
	s7 =	sadd.s32 s21, s5  }
0x9f: {  	[timem:s9], [sflag:s22] =	dma.local [hbm:s7], s20  }
0xa0: {  	_ =	swait.ge [sflag:s22], s20  }
0xa1: {  	s6 =	ssub.s32 $0x0, s20;
	[sflag:s22] =	ssyncset.done $0x0  }
0xa2: {  	[sflag:s22] =	ssyncadd.s32 s6;
	_ =	sdelay $0x1  }
0xa3: {  	s23 =	simm.s32 $0x1B8B  }
0xa4: {  	_ =	swait.ge [sflag:s23], $0x1  }
0xa5: {  	[sflag:s23] =	ssyncset.done $0x0  }
0xa6: {  	s25 =	simm.s32 $0x1B8E;
	s24 =	sld [smem:$0x3FFE];
	[sflag:s23] =	ssyncadd.s32 $0xFFFFFFFF  }
0xa7: {  	s26 =	simm.s32 $execute0_lowered;
	[smem:$0x3FD2] =	sst s25  }
0xa8: {  	s7 =	sshll.u32 s26, $0x1;
	_ =	strace $0x80000046;
	[dreg:$0x1] =	wrdreg $0xFFFFFFFF  }
0xa9: {  	s28 =	simm.s32 $_size_execute0_lowered;
	s5 =	sadd.s32 s5, s7;
	[dreg:$0x0] =	wrdreg $0x0  }
0xaa: {  	s7 =	sshll.u32 s28, $0x1;
	[dreg:$0x2] =	wrdreg s5  }
0xab: {  	[dreg:$0x3] =	wrdreg s7  }
0xac: {  	[dreg:$0x4] =	wrdreg $0xC0  }
0xad: {  	_ =	task [dreg:s9], $0x5FFFF  }
0xae: {  	[dreg:$0x1] =	wrdreg $0xFFFFFFFF  }
0xaf: {  	[dreg:$0x0] =	wrdreg $0x60  }
0xb0: {  	[dreg:$0x2] =	wrdreg s2  }
0xb1: {  	[dreg:$0x3] =	wrdreg s18  }
0xb2: {  	[dreg:$0x4] =	wrdreg s24  }
0xb3: {  	[dreg:$0x5] =	wrdreg s4  }
0xb4: {  	[dreg:$0x6] =	wrdreg $0x186800  }
0xb5: {  	[dreg:$0x7] =	wrdreg $0x1A6800  }
0xb6: {  	[dreg:$0x8] =	wrdreg $0x9  }
0xb7: {  	_ =	task.clear_ibuf [dreg:s9], $0x9FFFF;
	_ =	strace $0x90000046  }
0xb8: {  	s29 =	simm.s32 $0x9;
	_ =	strace $0x80000048  }
0xb9: {  	_ =	swait.ge [sflag:s29], $0x1  }
0xba: {  	[sflag:s29] =	ssyncadd.s32 $0xFFFFFFFF  }
0xbb: {  	_ =	strace $0x90000048  }
0xbc: {  	_ =	sfence  }
0xbd: {  	s30 =	sld [smem:$0x0];
	_ =	sdelay $0x2  }
0xbe: {  	s31 =	sshll.u32 s1, $0xD;
	s1 =	sshrl.u32 s1, $0x2  }
0xbf: {  	s3 =	sand.u32 $0x4000, s31;
	s1 =	sadd.s32 s1, s30  }
0xc0: {  	s0 =	sor.u32 s3, s0;
	s1 =	sshll.u32 s1, $0x11  }
0xc1: {  	s0 =	sor.u32 s1, s0  }
0xc2: {  	s0 =	sadd.s32 $0x8F2B, s0  }
0xc3: {  	[sflag:s0] =	ssyncadd.remote.s32 $0x1  }
0xc4: {  	_ =	sfence.sel $0xFFFF  }
0xc5: {  	[dreg:$0x0] =	wrdreg $0xFFFFFFFF;
	(pc) =	sbr.abs _section_cstart, $3  }
0xc6: {  	[dreg:$0x1] =	wrdreg $0xFFFFFFFF  }
0xc7: {  	_ =	task.clear_ibuf [dreg:s9], $0x2FFFF;
	_ =	strace $0x9FFFFFFF  }
0xc8: {  	(tm) =	ssettm $0x7FFFFFFF  }
0xc9: {  	_ =	shalt  }
tec
execute0_lowered:
.L_overlay_start_1:
0x0: {  	(tag) =	ssettag $0x1  }
0x1: {  	s6 =	stileid.u32  }
0x2: {  	s1 =	rddreg [dreg:$0x0];
	p0 =	sgt.u32 s6, $0x1  }
.Ltmp0:
0x3: {  	s5 =	rddreg [dreg:$0x2];
	(pc) =	sbr.rel @p0 .LBB2_7-.Ltmp0, $4  }
0x4: {  	s0 =	rddreg [dreg:$0x3]  }
0x5: {  	s4 =	rddreg [dreg:$0x4];
	s3 =	simm.s32 $0x0  }
0x6: {  	[smem:$0x7FF] =	sst s3  }
0x7: {  	s2 =	rddreg [dreg:$0x5];
	_ =	strace $0x80000047  }
0x8: {  	s6 =	sadd.s32 $0x10800, s5  }
0x9: {  	s20 =	srdreg.scid;
	s7 =	sadd.s32 $0x8600, s5;
	s12 =	stileid.u32  }
0xa: {  	s9 =	sadd.s32 $0x600, s5;
	s14 =	simm.s32 $0x18100;
	s17 =	simm.s32 $0x3  }
0xb: {  	v0 =	vlaneseq.u32;
	s18 =	simm.s32 $0x18300;
	[dreg:$0x7] =	wrdreg s6;
	s8 =	sand.u32 $0x1, s20  }
0xc: {  	v1 =	vimm.f32 $1.000000000e+00;
	v13 =	vimm.s32 $0x31;
	v15 =	vimm.s32 $0xFF000100;
	s21 =	sshll.u32 s12, $0x1;
	s22 =	sshll.u32 s12, $0x10;
	s23 =	sshll.u32 s12, $0xF  }
0xd: {  	vm0 =	vcmask $0x1300;
	vm1 =	vcmask $0xF00;
	v21 =	vimm.f32 $0.0e+00;
	s31 =	sshll.u32 s12, $0x6;
	s20 =	simm.s32 $0x1;
	s10 =	sor.u32 s8, s21  }
0xe: {  	v2 =	vmul.u32 $0x101, v0;
	v3 =	vor.u32 $0x10, v0;
	v4 =	vor.u32 $0x20, v0;
	s5 =	sadd.s32 s22, s4;
	s6 =	sadd.s32 s23, s2;
	s24 =	ssub.s32 $0x2, s8  }
0xf: {  	v5 =	vor.u32 $0x30, v0;
	v6 =	vor.u32 $0x40, v0;
	v7 =	vor.u32 $0x50, v0;
	s21 =	simm.s32 $0x2;
	s22 =	simm.s32 $0x18200;
	s11 =	sshll.u32 s10, $0xC  }
0x10: {  	v8 =	vor.u32 $0x60, v0;
	v9 =	vor.u32 $0x70, v0;
	v10 =	vor.u32 $0x80, v0;
	s25 =	sshll.u32 s10, $0x4;
	s26 =	sshrl.u32 s24, $0x1;
	s28 =	smul.u32 $0x2020, s10  }
0x11: {  	v11 =	vor.u32 $0x90, v0;
	v12 =	vor.u32 $0xA0, v0;
	v16 =	vunpack.c.l.s2.s4 v13;
	s30 =	sshll.u32 s10, $0xD;
	s15 =	sshrl.u32 s5, $0x3;
	s16 =	sshrl.u32 s6, $0x3  }
0x12: {  	v13 =	vor.u32 $0xB0, v0;
	v14 =	vor.u32 $0xC0, v0;
	v18 =	vunpack.c.0.s8.s32 v15;
	s1 =	sadd.s32 s1, s11;
	s0 =	sadd.s32 s0, s25;
	s29 =	ssub.s32 s24, s26  }
0x13: {  	v15 =	vor.u32 $0xD0, v0;
	v17 =	vor.u32 $0xF0, v0;
	v19 =	vunpack.c.l.s4.s8 v16;
	s11 =	sor.u32 $0x1C03, s31;
	s24 =	simm.s32 $0x4;
	[dreg:$0x8] =	wrdreg s1  }
0x14: {  	v20 =	vsel vm1, $0x3C23D70A, v21;
	v21 =	vsel vm1, $0x38D1B717, v21;
	v16 =	vor.u32 $0xE0, v0;
	s25 =	simm.s32 $0x0;
	[dreg:$0x9] =	wrdreg s0;
	s1 =	sadd.s32 s9, s30  }
0x15: {  	v18 =	vnsel vm0, $0x0, v18;
	vm0 =	vmmov $0xf;
	s10 =	sadd.s32 s7, s28;
	s12 =	smax.u32 s29, $0x1;
	v19 =	vunpack.c.0.s8.s32 v19;
	[dreg:$0xa] =	wrdreg s1  }
.LBB2_2:
0x16: {  	[tilespmem:s3], [sflag:$0x3] =	stream.linear.gather [hbm4b:s10+s3], $0x10100, $0x38;
	[tilespmem:$0x1B680] =	vst v63  }
0x17: {  	s0 =	rddreg [dreg:$0x1]  }
0x18: {  	s1 =	simm.s32 $0x10100;
	s29 =	rddreg [dreg:$0x7]  }
0x19: {  	[tilespmem:s1], [sflag:$0x3] =	stream.linear.gather [hbm4b:s0+s3], $0x8000, $0x38;
	[tilespmem:$0x1B680] =	vst v63  }
0x1a: {  	s30 =	rddreg [dreg:$0xa]  }
0x1b: {  	[tilespmem:s14], [sflag:$0x3] =	stream.linear.gather [hbm4b:s29+s3], $0x100, $0x38;
	[tilespmem:$0x1B680] =	vst v63  }
0x1c: {  	[spmem:s15], [sflag:s11] =	dma.local [hbm:s30], $0x2000  }
0x1d: {  	s0 =	rddreg [dreg:$0x8]  }
0x1e: {  	[spmem:s16], [sflag:s11] =	dma.local [hbm:s0], $0x1000  }
0x1f: {  	_ =	swait.ge [sflag:s17], $0x10100  }
0x20: {  	[sflag:s17] =	ssyncset.done $0x0  }
0x21: {  	[sflag:s17] =	ssyncadd.s32 $0xFFFEFF00  }
0x22: {  	_ =	swait.ge [sflag:s17], $0x8000  }
0x23: {  	[sflag:s17] =	ssyncset.done $0x0  }
0x24: {  	[sflag:s17] =	ssyncadd.s32 $0xFFFF8000  }
0x25: {  	_ =	swait.ge [sflag:s17], $0x100  }
0x26: {  	[sflag:s17] =	ssyncset.done $0x0  }
0x27: {  	[sflag:s17] =	ssyncadd.s32 $0xFFFFFF00  }
0x28: {  	_ =	swait.ge [sflag:s17], $0x2000  }
0x29: {  	[sflag:s17] =	ssyncset.done $0x0  }
0x2a: {  	[sflag:s17] =	ssyncadd.s32 $0xFFFFE000  }
0x2b: {  	_ =	swait.ge [sflag:s17], $0x1000  }
0x2c: {  	[sflag:s17] =	ssyncset.done $0x0  }
0x2d: {  	[sflag:s17] =	ssyncadd.s32 $0xFFFFF000  }
0x2e: {  	[tilespmem:s18], [sflag:$0x1] =	stream.linear.gather [spmem:s5], $0x100, $0x38;
	[tilespmem:$0x1B680] =	vst v63  }
0x2f: {  	s31 =	simm.s32 $0x18500  }
0x30: {  	[tilespmem:s31], [sflag:$0x2] =	stream.linear.gather [spmem:s6], $0x80, $0x38;
	[tilespmem:$0x1B680] =	vst v63  }
0x31: {  	[tilespmem:$0x18200] =	vst v1  }
0x32: {  	[tilespmem:$0x18210] =	vst v1  }
0x33: {  	[tilespmem:$0x18220] =	vst v1  }
0x34: {  	[tilespmem:$0x18230] =	vst v1  }
0x35: {  	[tilespmem:$0x18240] =	vst v1  }
0x36: {  	[tilespmem:$0x18250] =	vst v1  }
0x37: {  	[tilespmem:$0x18260] =	vst v1  }
0x38: {  	[tilespmem:$0x18270] =	vst v1  }
0x39: {  	[tilespmem:$0x18280] =	vst v1  }
0x3a: {  	[tilespmem:$0x18290] =	vst v1  }
0x3b: {  	[tilespmem:$0x182A0] =	vst v1  }
0x3c: {  	[tilespmem:$0x182B0] =	vst v1  }
0x3d: {  	[tilespmem:$0x182C0] =	vst v1  }
0x3e: {  	[tilespmem:$0x182D0] =	vst v1  }
0x3f: {  	[tilespmem:$0x182E0] =	vst v1  }
0x40: {  	s26 =	simm.s32 $0x1;
	[tilespmem:$0x182F0] =	vst v1  }
.LBB2_3:
0x41: {  	v24 =	vld [tilespmem:$0x18100]  }
0x42: {  	v26 =	vld [tilespmem:$0x18200]  }
0x43: {  	v27 =	vld [tilespmem:$0x18110]  }
0x44: {  	v29 =	vld [tilespmem:$0x18210]  }
0x45: {  	v30 =	vld [tilespmem:$0x18120]  }
0x46: {  	v54 =	vld [tilespmem:$0x18220]  }
0x47: {  	s29 =	sadd.s32 $0xFFFFFFFF, s26;
	v32 =	vld [tilespmem:$0x18130]  }
0x48: {  	v55 =	vld [tilespmem:$0x18230];
	s28 =	sand.u32 $0xFF, s29  }
0x49: {  	v57 =	vld [tilespmem:$0x18240];
	v22 =	vadd.s32 s28, v2;
	s0 =	sadd.s32 $0x1010, s28  }
0x4a: {  	v62 =	vld [tilespmem:$0x18250];
	s2 =	sadd.s32 $0x2020, s28;
	v23 =	vadd.s32 s0, v2  }
0x4b: {  	v45 =	vld [tilespmem:$0x18260];
	s4 =	sadd.s32 $0x3030, s28;
	v25 =	vadd.s32 s2, v2  }
0x4c: {  	v39 =	vld [tilespmem:$0x18270];
	s19 =	sadd.s32 $0x8080, s28;
	v28 =	vadd.s32 s4, v2  }
0x4d: {  	v53 =	vld [tilespmem:$0x18280];
	v37 =	vadd.s32 s19, v2  }
0x4e: {  	s7 =	sadd.s32 $0x4040, s28;
	v22 =	vld.idx.msk [tilespmem:v22+s3+$0x0], $0xffff  }
0x4f: {  	s8 =	sadd.s32 $0x5050, s28;
	v31 =	vadd.s32 s7, v2;
	v23 =	vld.idx.msk [tilespmem:v23+s3+$0x0], $0xffff  }
0x50: {  	s9 =	sadd.s32 $0x6060, s28;
	v33 =	vadd.s32 s8, v2;
	v25 =	vld.idx.msk [tilespmem:v25+s3+$0x0], $0xffff  }
0x51: {  	s13 =	sadd.s32 $0x7070, s28;
	v34 =	vadd.s32 s9, v2;
	v28 =	vld.idx.msk [tilespmem:v28+s3+$0x0], $0xffff  }
0x52: {  	v60 =	vadd.s32 s13, v2;
	v50 =	vld.idx.msk [tilespmem:v37+s3+$0x0], $0xffff  }
0x53: {  	v52 =	vld [tilespmem:$0x18180]  }
0x54: {  	s23 =	sadd.s32 $0x9090, s28;
	v56 =	vld.idx.msk [tilespmem:v31+s3+$0x0], $0xffff  }
0x55: {  	s30 =	sadd.s32 $0xA0A0, s28;
	v49 =	vadd.s32 s23, v2;
	v58 =	vld.idx.msk [tilespmem:v33+s3+$0x0], $0xffff;
	v22 =	vmul.f32 v26, v22;
	v23 =	vmul.f32 v29, v23  }
0x56: {  	v41 =	vadd.s32 s30, v2;
	v63 =	vld.idx.msk [tilespmem:v34+s3+$0x0], $0xffff;
	v25 =	vmul.f32 v54, v25;
	v28 =	vmul.f32 v55, v28  }
0x57: {  	s2 =	sadd.s32 $0xD0D0, s28;
	v46 =	vld.idx.msk [tilespmem:v60+s3+$0x0], $0xffff;
	v29 =	vmul.f32 v53, v50;
	v22 =	vadd.f32 v22, v22;
	v23 =	vadd.f32 v23, v23  }
0x58: {  	v43 =	vadd.s32 s2, v2;
	v25 =	vadd.f32 v25, v25;
	v28 =	vadd.f32 v28, v28  }
0x59: {  	s31 =	sadd.s32 $0xB0B0, s28;
	v29 =	vadd.f32 v29, v29;
	v22 =	vsub.f32 v24, v22;
	v24 =	vmul.f32 v57, v56  }
0x5a: {  	v56 =	vadd.s32 s31, v2;
	v23 =	vsub.f32 v27, v23;
	v25 =	vsub.f32 v30, v25  }
0x5b: {  	v36 =	vld [tilespmem:$0x18140];
	v28 =	vsub.f32 v32, v28;
	v27 =	vmul.f32 v62, v58;
	v30 =	vmul.f32 v45, v63  }
0x5c: {  	v59 =	vld [tilespmem:$0x18150];
	v32 =	vmul.f32 v39, v46;
	v29 =	vsub.f32 v52, v29;
	v35 =	vshra.s32 v22, $0x1F  }
0x5d: {  	v44 =	vld [tilespmem:$0x18160];
	v22 =	vand.u32 $0xFFFFFF00, v22;
	v24 =	vadd.f32 v24, v24;
	v35 =	vand.u32 $0x7FFFFF00, v35  }
0x5e: {  	v48 =	vld [tilespmem:$0x18170];
	v61 =	vshra.s32 v23, $0x1F;
	v23 =	vand.u32 $0xFFFFFF00, v23;
	v47 =	vshra.s32 v25, $0x1F  }
0x5f: {  	v54 =	vld.idx.msk [tilespmem:v49+s3+$0x0], $0xffff;
	v25 =	vand.u32 $0xFFFFFF00, v25;
	v38 =	vshra.s32 v28, $0x1F;
	v27 =	vadd.f32 v27, v27  }
0x60: {  	v57 =	vld [tilespmem:$0x18290];
	v28 =	vand.u32 $0xFFFFFF00, v28;
	v30 =	vadd.f32 v30, v30;
	v32 =	vadd.f32 v32, v32  }
0x61: {  	s1 =	sadd.s32 $0xC0C0, s28;
	v22 =	vxor.u32 v22, v35;
	v35 =	vand.u32 $0x7FFFFF00, v61;
	v24 =	vsub.f32 v36, v24  }
0x62: {  	v33 =	vand.u32 $0x7FFFFF00, v47;
	v38 =	vand.u32 $0x7FFFFF00, v38;
	v61 =	vadd.s32 s1, v2  }
0x63: {  	v23 =	vxor.u32 v23, v35;
	v22 =	vor.u32 v0, v22;
	v25 =	vxor.u32 v25, v33  }
0x64: {  	v28 =	vxor.u32 v28, v38;
	v27 =	vsub.f32 v59, v27;
	v30 =	vsub.f32 v44, v30  }
0x65: {  	v32 =	vsub.f32 v48, v32;
	v47 =	vmul.f32 v57, v54;
	v44 =	vshra.s32 v29, $0x1F  }
0x66: {  	v62 =	vld [tilespmem:$0x182A0];
	v29 =	vand.u32 $0xFFFFFF00, v29;
	v23 =	vor.u32 v3, v23;
	v40 =	vshra.s32 v24, $0x1F  }
0x67: {  	v63 =	vld [tilespmem:$0x182B0];
	v24 =	vand.u32 $0xFFFFFF00, v24;
	v25 =	vor.u32 v4, v25;
	v26 =	vor.u32 v5, v28  }
0x68: {  	v59 =	vld.idx.msk [tilespmem:v41+s3+$0x0], $0xffff;
	v51 =	vand.u32 $0x7FFFFF00, v40;
	v58 =	vshra.s32 v27, $0x1F;
	v27 =	vand.u32 $0xFFFFFF00, v27  }
0x69: {  	v37 =	vld.idx.msk [tilespmem:v56+s3+$0x0], $0xffff;
	v42 =	vshra.s32 v30, $0x1F;
	v30 =	vand.u32 $0xFFFFFF00, v30;
	v49 =	vshra.s32 v32, $0x1F  }
0x6a: {  	v54 =	vld.idx.msk [tilespmem:v43+s3+$0x0], $0xffff;
	v32 =	vand.u32 $0xFFFFFF00, v32;
	vm1 =	vlt.s32 v22, v23;
	vm2 =	vlt.s32 v25, v26  }
0x6b: {  	s4 =	sadd.s32 $0xE0E0, s28;
	v56 =	vld [tilespmem:$0x182D0];
	v24 =	vxor.u32 v24, v51;
	v28 =	vand.u32 $0x7FFFFF00, v58;
	v42 =	vand.u32 $0x7FFFFF00, v42  }
0x6c: {  	v55 =	vld [tilespmem:$0x18190];
	v51 =	vadd.s32 s4, v2;
	v38 =	vand.u32 $0x7FFFFF00, v49;
	v24 =	vor.u32 v6, v24  }
0x6d: {  	v27 =	vxor.u32 v27, v28;
	v46 =	vxor.u32 v30, v42;
	v30 =	vadd.f32 v47, v47  }
0x6e: {  	s7 =	sadd.s32 $0xF0F0, s28;
	v60 =	vld [tilespmem:$0x181A0];
	v32 =	vxor.u32 v32, v38;
	v28 =	vor.u32 v7, v27;
	v27 =	vor.u32 v8, v46  }
0x6f: {  	v45 =	vld [tilespmem:$0x182C0];
	v46 =	vadd.s32 s7, v2;
	v31 =	vmul.f32 v62, v59;
	v53 =	vmul.f32 v63, v37  }
0x70: {  	v48 =	vld [tilespmem:$0x181B0];
	v32 =	vor.u32 v9, v32;
	v35 =	vmul.f32 v56, v54;
	v54 =	vsel vm1, v22, v23  }
0x71: {  	v50 =	vld.idx.msk [tilespmem:v61+s3+$0x0], $0xffff;
	v30 =	vsub.f32 v55, v30;
	v55 =	vand.u32 $0x7FFFFF00, v44;
	vm3 =	vlt.s32 v24, v28  }
0x72: {  	v63 =	vld [tilespmem:$0x181D0];
	vm1 =	vlt.s32 v27, v32;
	v31 =	vadd.f32 v31, v31;
	v34 =	vadd.f32 v53, v53  }
0x73: {  	v52 =	vld [tilespmem:$0x181C0];
	v29 =	vxor.u32 v29, v55;
	v35 =	vadd.f32 v35, v35;
	v55 =	vsel vm2, v25, v26  }
0x74: {  	v61 =	vld [tilespmem:$0x182F0];
	v56 =	vsel vm3, v24, v28;
	v57 =	vshra.s32 v30, $0x1F;
	v30 =	vand.u32 $0xFFFFFF00, v30  }
0x75: {  	v59 =	vld [tilespmem:$0x182E0];
	v29 =	vor.u32 v10, v29;
	v58 =	vand.u32 $0x7FFFFF00, v57;
	v31 =	vsub.f32 v60, v31  }
0x76: {  	v41 =	vld.idx.msk [tilespmem:v51+s3+$0x0], $0xffff;
	v33 =	vsub.f32 v48, v34;
	v40 =	vmul.f32 v45, v50;
	v30 =	vxor.u32 v30, v58  }
0x77: {  	v57 =	vsel vm1, v27, v32;
	v60 =	vld.idx.msk [tilespmem:v46+s3+$0x0], $0xffff;
	v35 =	vsub.f32 v63, v35;
	v30 =	vor.u32 v11, v30  }
0x78: {  	v39 =	vshra.s32 v31, $0x1F;
	v62 =	vshra.s32 v33, $0x1F;
	v31 =	vand.u32 $0xFFFFFF00, v31  }
0x79: {  	v33 =	vand.u32 $0xFFFFFF00, v33;
	v40 =	vadd.f32 v40, v40;
	v39 =	vand.u32 $0x7FFFFF00, v39  }
0x7a: {  	v47 =	vld [tilespmem:$0x181F0];
	v43 =	vand.u32 $0x7FFFFF00, v62;
	v51 =	vshra.s32 v35, $0x1F;
	v35 =	vand.u32 $0xFFFFFF00, v35  }
0x7b: {  	v46 =	vld [tilespmem:$0x181E0];
	vm2 =	vlt.s32 v29, v30;
	v31 =	vxor.u32 v31, v39;
	v33 =	vxor.u32 v33, v43  }
0x7c: {  	v38 =	vmul.f32 v59, v41;
	v40 =	vsub.f32 v52, v40;
	v34 =	vmul.f32 v61, v60  }
0x7d: {  	v58 =	vsel vm2, v29, v30;
	v31 =	vor.u32 v12, v31;
	v33 =	vor.u32 v13, v33  }
0x7e: {  	v48 =	vadd.f32 v38, v38;
	v49 =	vshra.s32 v40, $0x1F;
	v34 =	vadd.f32 v34, v34  }
0x7f: {  	v40 =	vand.u32 $0xFFFFFF00, v40;
	vm3 =	vlt.s32 v31, v33;
	v38 =	vand.u32 $0x7FFFFF00, v49  }
0x80: {  	v36 =	vsub.f32 v46, v48;
	v50 =	vxor.u32 v40, v38;
	v34 =	vsub.f32 v47, v34  }
0x81: {  	v59 =	vsel vm3, v31, v33;
	v38 =	vand.u32 $0x7FFFFF00, v51;
	v37 =	vor.u32 v14, v50  }
0x82: {  	v52 =	vshra.s32 v36, $0x1F;
	v36 =	vand.u32 $0xFFFFFF00, v36;
	v53 =	vshra.s32 v34, $0x1F  }
0x83: {  	v39 =	vand.u32 $0x7FFFFF00, v52;
	v34 =	vand.u32 $0xFFFFFF00, v34;
	v40 =	vand.u32 $0x7FFFFF00, v53  }
0x84: {  	v35 =	vxor.u32 v35, v38;
	v36 =	vxor.u32 v36, v39;
	v34 =	vxor.u32 v34, v40  }
0x85: {  	v35 =	vor.u32 v15, v35;
	v36 =	vor.u32 v16, v36;
	v34 =	vor.u32 v17, v34  }
0x86: {  	vm3 =	vlt.s32 v54, v55;
	vm1 =	vlt.s32 v37, v35;
	vm2 =	vlt.s32 v36, v34  }
0x87: {  	v38 =	vsel vm3, v54, v55;
	v60 =	vsel vm1, v37, v35;
	v61 =	vsel vm2, v36, v34  }
0x88: {  	vm1 =	vlt.s32 v56, v57;
	vm2 =	vlt.s32 v58, v59;
	vm3 =	vlt.s32 v60, v61  }
0x89: {  	v62 =	vsel vm1, v56, v57;
	v63 =	vsel vm2, v58, v59;
	v46 =	vsel vm3, v60, v61  }
0x8a: {  	vm1 =	vlt.s32 v38, v62;
	vm2 =	vlt.s32 v63, v46  }
0x8b: {  	v38 =	vsel vm1, v38, v62;
	v47 =	vsel vm2, v63, v46  }
0x8c: {  	vm1 =	vlt.s32 v38, v47  }
0x8d: {  	v38 =	vsel vm1, v38, v47  }
0x8e: {  	v38 =	vxor.u32 $0x80000000, v38  }
0x8f: {  	(xrf0) =	vmin.scan.msk.u32 $0xffff, v38;
	_ =	sdelay $0x5  }
0x90: {  	v38, _, _ =	vpop (xrf0)  }
0x91: {  	(v2sf) =	vpush v38, $0xF;
	_ =	sdelay $0xe  }
0x92: {  	s1 =	spop (v2sf)  }
0x93: {  	s8 =	sxor.u32 $0x80000000, s1  }
0x94: {  	vm1 =	veq.s32 v22, s8;
	vm2 =	veq.s32 v23, s8  }
0x95: {  	vm3 =	veq.s32 v26, s8;
	vm4 =	veq.s32 v28, s8;
	vm5 =	veq.s32 v32, s8  }
0x96: {  	vm6 =	veq.s32 v30, s8;
	vm7 =	veq.s32 v33, s8;
	vm8 =	veq.s32 v35, s8  }
0x97: {  	vm12 =	veq.s32 v34, s8;
	vm14 =	veq.s32 v36, s8;
	v23 =	vsel vm2, $0x7FFFFFFF, v23  }
0x98: {  	vm2 =	veq.s32 v25, s8;
	v26 =	vsel vm3, $0x7FFFFFFF, v26;
	vm3 =	veq.s32 v24, s8  }
0x99: {  	v28 =	vsel vm4, $0x7FFFFFFF, v28;
	vm4 =	veq.s32 v27, s8;
	v32 =	vsel vm5, $0x7FFFFFFF, v32  }
0x9a: {  	vm5 =	veq.s32 v29, s8;
	v30 =	vsel vm6, $0x7FFFFFFF, v30;
	vm6 =	veq.s32 v31, s8  }
0x9b: {  	v33 =	vsel vm7, $0x7FFFFFFF, v33;
	vm7 =	veq.s32 v37, s8;
	v35 =	vsel vm8, $0x7FFFFFFF, v35  }
0x9c: {  	v34 =	vsel vm12, $0x7FFFFFFF, v34;
	vm9 =	vlt.s32 v22, v23;
	vm13 =	vlt.s32 v25, v26  }
0x9d: {  	vm15 =	vlt.s32 v24, v28;
	v22 =	vsel vm9, v22, v23;
	v25 =	vsel vm13, v25, v26  }
0x9e: {  	v24 =	vsel vm15, v24, v28;
	v22 =	vsel vm1, v23, v22;
	v23 =	vsel vm2, v26, v25  }
0x9f: {  	v24 =	vsel vm3, v28, v24;
	vm1 =	vlt.s32 v27, v32;
	vm2 =	vlt.s32 v29, v30  }
0xa0: {  	v48 =	vsel vm1, v27, v32;
	v49 =	vsel vm2, v29, v30;
	vm1 =	vlt.s32 v31, v33  }
0xa1: {  	vm2 =	vlt.s32 v36, v34;
	v25 =	vsel vm4, v32, v48;
	v26 =	vsel vm5, v30, v49  }
0xa2: {  	v50 =	vsel vm1, v31, v33;
	vm1 =	vlt.s32 v37, v35;
	v52 =	vsel vm2, v36, v34  }
0xa3: {  	v27 =	vsel vm6, v33, v50;
	v51 =	vsel vm1, v37, v35;
	vm1 =	vlt.s32 v22, v23  }
0xa4: {  	v29 =	vsel vm14, v34, v52;
	v28 =	vsel vm7, v35, v51;
	v22 =	vsel vm1, v22, v23  }
0xa5: {  	vm1 =	vlt.s32 v24, v25;
	vm2 =	vlt.s32 v26, v27;
	vm3 =	vlt.s32 v28, v29  }
0xa6: {  	v23 =	vsel vm1, v24, v25;
	v53 =	vsel vm2, v26, v27;
	v54 =	vsel vm3, v28, v29  }
0xa7: {  	vm1 =	vlt.s32 v22, v23;
	vm2 =	vlt.s32 v53, v54  }
0xa8: {  	v22 =	vsel vm1, v22, v23;
	v23 =	vsel vm2, v53, v54  }
0xa9: {  	vm1 =	vlt.s32 v22, v23  }
0xaa: {  	v22 =	vsel vm1, v22, v23  }
0xab: {  	v22 =	vxor.u32 $0x80000000, v22  }
0xac: {  	(xrf0) =	vmin.scan.msk.u32 $0xffff, v22;
	_ =	sdelay $0x5  }
0xad: {  	v22, _, _ =	vpop (xrf0)  }
0xae: {  	(v2sf) =	vpush v22, $0xF;
	_ =	sdelay $0xe  }
0xaf: {  	s2 =	spop (v2sf)  }
0xb0: {  	s9 =	sand.u32 $0x1, s29;
	_ =	swait.ge [sflag:s20], $0x100  }
0xb1: {  	s4 =	sxor.u32 $0x1, s9;
	[sflag:s20] =	ssyncset.done $0x0  }
0xb2: {  	s13 =	sshll.u32 s4, $0x8;
	[sflag:s20] =	ssyncadd.s32 $0xFFFFFF00  }
0xb3: {  	s4 =	sshll.u32 s4, $0x7;
	s7 =	sand.u32 $0xFF, s26;
	_ =	swait.ge [sflag:s21], $0x80  }
0xb4: {  	s13 =	sadd.s32 $0x18300, s13;
	s19 =	sshll.u32 s7, $0x8;
	[sflag:s21] =	ssyncset.done $0x0  }
0xb5: {  	s7 =	sshll.u32 s7, $0x7;
	s19 =	sadd.s32 s19, s5;
	[sflag:s21] =	ssyncadd.s32 $0xFFFFFF80  }
0xb6: {  	[tilespmem:s13], [sflag:$0x1] =	stream.linear.gather [spmem:s19], $0x100, $0x38;
	[tilespmem:$0x1B680] =	vst v63  }
0xb7: {  	s4 =	sor.u32 $0x18500, s4;
	s7 =	sadd.s32 s7, s6;
	s19 =	sshll.u32 s9, $0x7  }
0xb8: {  	[tilespmem:s4], [sflag:$0x2] =	stream.linear.gather [spmem:s7], $0x80, $0x38;
	[tilespmem:$0x1B680] =	vst v63  }
0xb9: {  	v29 =	vld [tilespmem:s19+$0x18500]  }
0xba: {  	v28 =	vld [tilespmem:s19+$0x18510]  }
0xbb: {  	v27 =	vld [tilespmem:s19+$0x18520]  }
0xbc: {  	v26 =	vld [tilespmem:s19+$0x18530]  }
0xbd: {  	v25 =	vld [tilespmem:s19+$0x18540]  }
0xbe: {  	v24 =	vld [tilespmem:s19+$0x18550]  }
0xbf: {  	s1 =	sand.u32 $0xFF, s1;
	v23 =	vld [tilespmem:s19+$0x18560]  }
0xc0: {  	s23 =	sshll.u32 s1, $0x7;
	s2 =	sand.u32 $0xFF, s2;
	v22 =	vld [tilespmem:s19+$0x18570]  }
0xc1: {  	s29 =	sshll.u32 s2, $0x7;
	v55 =	vld [tilespmem:s23+$0x10100]  }
0xc2: {  	v56 =	vld [tilespmem:s29+$0x10100]  }
0xc3: {  	v57 =	vld [tilespmem:s23+$0x10110]  }
0xc4: {  	v58 =	vld [tilespmem:s29+$0x10110]  }
0xc5: {  	v59 =	vld [tilespmem:s23+$0x10120]  }
0xc6: {  	v60 =	vld [tilespmem:s29+$0x10120]  }
0xc7: {  	v61 =	vld [tilespmem:s23+$0x10130]  }
0xc8: {  	v62 =	vld [tilespmem:s29+$0x10130];
	v30 =	vsub.f32 v55, v29;
	v32 =	vsub.f32 v57, v28  }
0xc9: {  	v63 =	vld [tilespmem:s23+$0x10140];
	v31 =	vsub.f32 v56, v29;
	v33 =	vsub.f32 v58, v28  }
0xca: {  	v44 =	vld [tilespmem:s29+$0x10140];
	v34 =	vsub.f32 v59, v27;
	v30 =	vmul.f32 v30, v30;
	v32 =	vmul.f32 v32, v32  }
0xcb: {  	v45 =	vld [tilespmem:s23+$0x10150];
	v35 =	vsub.f32 v60, v27;
	v31 =	vmul.f32 v31, v31;
	v33 =	vmul.f32 v33, v33  }
0xcc: {  	v48 =	vld [tilespmem:s29+$0x10150];
	v47 =	vsub.f32 v61, v26;
	v46 =	vmul.f32 v34, v34;
	v30 =	vadd.f32 v32, v30  }
0xcd: {  	v51 =	vld [tilespmem:s23+$0x10160];
	v50 =	vsub.f32 v62, v26;
	v49 =	vmul.f32 v35, v35;
	v31 =	vadd.f32 v33, v31  }
0xce: {  	v54 =	vld [tilespmem:s29+$0x10160];
	v53 =	vsub.f32 v63, v25;
	v52 =	vmul.f32 v47, v47;
	v30 =	vadd.f32 v46, v30  }
0xcf: {  	v56 =	vsub.f32 v44, v25;
	v57 =	vld [tilespmem:s23+$0x10170];
	v55 =	vmul.f32 v50, v50;
	v31 =	vadd.f32 v49, v31  }
0xd0: {  	v59 =	vsub.f32 v45, v24;
	v60 =	vld [tilespmem:s29+$0x10170];
	v58 =	vmul.f32 v53, v53;
	v30 =	vadd.f32 v52, v30  }
0xd1: {  	v62 =	vsub.f32 v48, v24;
	v61 =	vmul.f32 v56, v56;
	v31 =	vadd.f32 v55, v31  }
0xd2: {  	v36 =	vsub.f32 v51, v23;
	v63 =	vmul.f32 v59, v59;
	v30 =	vadd.f32 v58, v30  }
0xd3: {  	v41 =	vsub.f32 v54, v23;
	v37 =	vmul.f32 v62, v62;
	v31 =	vadd.f32 v61, v31  }
0xd4: {  	v42 =	vmul.f32 v36, v36;
	v43 =	vsub.f32 v57, v22;
	v30 =	vadd.f32 v63, v30  }
0xd5: {  	v44 =	vmul.f32 v41, v41;
	v45 =	vsub.f32 v60, v22;
	v31 =	vadd.f32 v37, v31  }
0xd6: {  	v46 =	vmul.f32 v43, v43;
	v30 =	vadd.f32 v42, v30  }
0xd7: {  	v47 =	vmul.f32 v45, v45;
	v31 =	vadd.f32 v44, v31  }
0xd8: {  	v30 =	vadd.f32 v46, v30  }
0xd9: {  	v31 =	vadd.f32 v47, v31  }
0xda: {  	(xrf2) =	vadd.scan.msk.f32 $0xffff, v30  }
0xdb: {  	(xrf2) =	vadd.scan.msk.f32 $0xffff, v31;
	_ =	sdelay $0x8  }
0xdc: {  	v30, _, _ =	vpop (xrf2)  }
0xdd: {  	(v2sf) =	vpush v30, $0xF;
	v48, _, _ =	vpop (xrf2)  }
0xde: {  	(v2sf) =	vpush v48, $0xF;
	_ =	sdelay $0xd  }
0xdf: {  	s30 =	spop (v2sf)  }
0xe0: {  	s31 =	spop (v2sf)  }
0xe1: {  	p0 =	seq.f32 s31, s30  }
0xe2: {  	s13 =	smov.u32 s1  }
0xe3: {  	p2 =	slt.u32 s2, s1;
	p1 =	slt.f32 s31, s30;
	s13 =	smov.u32 @p0 s2  }
0xe4: {  	s1 =	smov.u32 @p2 s13  }
0xe5: {  	s1 =	smov.u32 @p1 s2  }
0xe6: {  	s29 =	sshrl.u32 s1, $0x4  }
0xe7: {  	s30 =	sand.u32 $0xF, s1;
	v49 =	vadd.s32 s29, v18  }
0xe8: {  	v50 =	vadd.s32 s30, v19;
	vm1 =	vgt.s32 v49, $0x0  }
0xe9: {  	v51 =	vnsel vm1, $0x0, v49;
	vm1 =	vgt.s32 v50, $0x0  }
0xea: {  	v32 =	vmin.u32 v51, $0xF;
	v52 =	vnsel vm1, $0x0, v50  }
0xeb: {  	v32 =	vshll.u32 v32, $0x4;
	v33 =	vmin.u32 v52, $0xF  }
0xec: {  	v32 =	vor.u32 v33, v32  }
0xed: {  	v33 =	vmul.u32 $0x101, v32;
	_ =	sdelay $0x1  }
0xee: {  	s8 =	sshll.u32 s9, $0x8;
	v33 =	vadd.s32 s28, v33  }
0xef: {  	s0 =	sor.u32 s28, s8  }
0xf0: {  	v53 =	vmov s0  }
0xf1: {  	v34 =	vbroadcast v53, $0x0  }
0xf2: {  	v30 =	vor.u32 v49, v50;
	v54 =	vld.idx.msk [tilespmem:v32+s22+$0x0], $0xffff  }
0xf3: {  	vm1 =	vlt.u32 v30, $0x10;
	v33 =	vld.idx.msk [tilespmem:v33+s3+$0x0], $0xffff  }
0xf4: {  	v30 =	vnsel vm1, $0x0, v20  }
0xf5: {  	v56 =	vsub.f32 $1.000000000e+00, v30;
	v55 =	vld.idx.msk [tilespmem:v32+s14+$0x0], $0xffff  }
0xf6: {  	v57 =	vadd.f32 v30, v30  }
0xf7: {  	v34 =	vld.idx.msk [tilespmem:v34+s18+$0x0], $0xffff;
	v58 =	vmul.f32 v56, v56  }
0xf8: {  	v37 =	vmul.f32 v56, v57;
	v33 =	vmul.f32 v33, v54;
	_ =	sdelay $0x1  }
0xf9: {  	vm2 =	vmand vm1, vm0;
	v31 =	vmul.f32 v58, v55;
	v33 =	vmul.f32 v37, v33  }
0xfa: {  	v59 =	vnsel vm1, $0x0, v21  }
0xfb: {  	v60 =	vmul.f32 v59, v34;
	v31 =	vadd.f32 v33, v31;
	_ =	sdelay $0x1  }
0xfc: {  	v31 =	vadd.f32 v31, v60  }
0xfd: {  	v61 =	vmul.f32 v56, v54  }
0xfe: {  	[tilespmem:v32+s14+$0x0] =	vst.idx.msk vm2, v31  }
0xff: {  	[tilespmem:v32+s22+$0x0] =	vst.idx.msk vm2, v61  }
0x100: {  	(erf) = vrcp.f32 v61;
	v62 =	vld [tilespmem:s8+$0x18300]  }
0x101: {  	v63 =	vld [tilespmem:s8+$0x18310]  }
0x102: {  	v45 =	vld [tilespmem:s8+$0x18320]  }
0x103: {  	v46 =	vld [tilespmem:s8+$0x18330]  }
0x104: {  	v47 =	vld [tilespmem:s8+$0x18340]  }
0x105: {  	v48 =	vld [tilespmem:s8+$0x18350]  }
0x106: {  	v49 =	vld [tilespmem:s8+$0x18360]  }
0x107: {  	v42 =	vld [tilespmem:s8+$0x18370]  }
0x108: {  	v41 =	vld [tilespmem:s8+$0x18380]  }
0x109: {  	v54 =	vpop (erf);
	v40 =	vld [tilespmem:s8+$0x18390]  }
0x10a: {  	s13 =	sand.u32 $0xF0, s1;
	v55 =	vmul.f32 v54, v30;
	v39 =	vld [tilespmem:s8+$0x183A0]  }
0x10b: {  	s1 =	sor.u32 $0xFFFFFFF0, s1;
	s9 =	smin.u32 s29, $0xE;
	s19 =	smin.u32 s30, $0xE;
	v38 =	vld [tilespmem:s8+$0x183B0]  }
0x10c: {  	s23 =	smax.u32 s30, $0x1;
	s0 =	sshll.u32 s9, $0x4;
	s7 =	sor.u32 s13, s19;
	v37 =	vld [tilespmem:s8+$0x183C0];
	v30 =	vbroadcast v55, $0x0  }
0x10d: {  	s4 =	sor.u32 s13, s23;
	s0 =	sor.u32 s30, s0;
	s31 =	sadd.s32 $0x1, s7;
	v36 =	vld [tilespmem:s8+$0x183D0];
	v31 =	vbroadcast v55, $0x1  }
0x10e: {  	s7 =	smax.u32 s29, $0x1;
	s13 =	smul.u32 $0x101, s31;
	s28 =	sadd.s32 $0x10, s0;
	v35 =	vld [tilespmem:s8+$0x183E0];
	v32 =	vbroadcast v55, $0x2;
	v50 =	vmul.f32 v30, v62  }
0x10f: {  	s0 =	sadd.s32 $0xFFFFFFFF, s4;
	s4 =	sshll.u32 s7, $0x4;
	s19 =	smul.u32 $0x101, s28;
	v33 =	vld [tilespmem:s8+$0x183F0];
	v34 =	vbroadcast v55, $0x3;
	v51 =	vmul.f32 v31, v62  }
0x110: {  	s2 =	sadd.s32 s1, s4;
	s1 =	smul.u32 $0x101, s0;
	v56 =	vmul.f32 v32, v62;
	[tilespmem:s13+$0x0] =	vst.add.f32.msk $0xffff, v50  }
0x111: {  	s7 =	smul.u32 $0x101, s2;
	s8 =	sadd.s32 $0x10, s13;
	v43 =	vmul.f32 v34, v62;
	[tilespmem:s19+$0x0] =	vst.add.f32.msk $0xffff, v51  }
0x112: {  	s23 =	sand.u32 $0x7, s13;
	s4 =	sand.u32 $0x7FFF8, s8;
	s8 =	sadd.s32 $0x10, s19;
	v57 =	vmul.f32 v30, v63;
	[tilespmem:s1+$0x0] =	vst.add.f32.msk $0xffff, v56  }
0x113: {  	s9 =	sor.u32 s23, s4;
	s8 =	sand.u32 $0x7FFF8, s8;
	s4 =	sand.u32 $0x7, s19;
	v58 =	vmul.f32 v31, v63;
	[tilespmem:s7+$0x0] =	vst.add.f32.msk $0xffff, v43  }
0x114: {  	s8 =	sor.u32 s4, s8;
	v59 =	vmul.f32 v32, v63;
	[tilespmem:s9+$0x0] =	vst.add.f32.msk $0xffff, v57  }
0x115: {  	v60 =	vmul.f32 v34, v63;
	s9 =	sadd.s32 $0x20, s13;
	[tilespmem:s8+$0x0] =	vst.add.f32.msk $0xffff, v58  }
0x116: {  	v61 =	vmul.f32 v30, v45;
	s7 =	sand.u32 $0x7FFFFFFF, s7;
	s8 =	sand.u32 $0x7FFF8, s9;
	s9 =	sadd.s32 $0x20, s19;
	[tilespmem:s1+$0x10] =	vst.add.f32.msk $0xffff, v59  }
0x117: {  	v62 =	vmul.f32 v31, v45;
	s8 =	sor.u32 s23, s8;
	s9 =	sand.u32 $0x7FFF8, s9;
	[tilespmem:s7+$0x10] =	vst.add.f32.msk $0xffff, v60  }
0x118: {  	v63 =	vmul.f32 v32, v45;
	s9 =	sor.u32 s4, s9;
	[tilespmem:s8+$0x0] =	vst.add.f32.msk $0xffff, v61  }
0x119: {  	v50 =	vmul.f32 v34, v45;
	[tilespmem:s9+$0x0] =	vst.add.f32.msk $0xffff, v62;
	s9 =	sadd.s32 $0x30, s13  }
0x11a: {  	v51 =	vmul.f32 v30, v46;
	[tilespmem:s1+$0x20] =	vst.add.f32.msk $0xffff, v63;
	s8 =	sand.u32 $0x7FFF8, s9;
	s9 =	sadd.s32 $0x30, s19  }
0x11b: {  	v52 =	vmul.f32 v31, v46;
	[tilespmem:s7+$0x20] =	vst.add.f32.msk $0xffff, v50;
	s8 =	sor.u32 s23, s8;
	s9 =	sand.u32 $0x7FFF8, s9  }
0x11c: {  	v53 =	vmul.f32 v32, v46;
	[tilespmem:s8+$0x0] =	vst.add.f32.msk $0xffff, v51;
	s9 =	sor.u32 s4, s9  }
0x11d: {  	v54 =	vmul.f32 v34, v46;
	[tilespmem:s9+$0x0] =	vst.add.f32.msk $0xffff, v52;
	s9 =	sadd.s32 $0x40, s13  }
0x11e: {  	v55 =	vmul.f32 v30, v47;
	[tilespmem:s1+$0x30] =	vst.add.f32.msk $0xffff, v53;
	s8 =	sand.u32 $0x7FFF8, s9;
	s9 =	sadd.s32 $0x40, s19  }
0x11f: {  	v56 =	vmul.f32 v31, v47;
	[tilespmem:s7+$0x30] =	vst.add.f32.msk $0xffff, v54;
	s8 =	sor.u32 s23, s8;
	s9 =	sand.u32 $0x7FFF8, s9  }
0x120: {  	v57 =	vmul.f32 v32, v47;
	[tilespmem:s8+$0x0] =	vst.add.f32.msk $0xffff, v55;
	s9 =	sor.u32 s4, s9  }
0x121: {  	v58 =	vmul.f32 v34, v47;
	[tilespmem:s9+$0x0] =	vst.add.f32.msk $0xffff, v56;
	s9 =	sadd.s32 $0x50, s13  }
0x122: {  	v59 =	vmul.f32 v30, v48;
	[tilespmem:s1+$0x40] =	vst.add.f32.msk $0xffff, v57;
	s8 =	sand.u32 $0x7FFF8, s9;
	s9 =	sadd.s32 $0x50, s19  }
0x123: {  	v60 =	vmul.f32 v31, v48;
	[tilespmem:s7+$0x40] =	vst.add.f32.msk $0xffff, v58;
	s8 =	sor.u32 s23, s8;
	s9 =	sand.u32 $0x7FFF8, s9  }
0x124: {  	v61 =	vmul.f32 v32, v48;
	[tilespmem:s8+$0x0] =	vst.add.f32.msk $0xffff, v59;
	s9 =	sor.u32 s4, s9  }
0x125: {  	v62 =	vmul.f32 v34, v48;
	[tilespmem:s9+$0x0] =	vst.add.f32.msk $0xffff, v60;
	s9 =	sadd.s32 $0x60, s13  }
0x126: {  	v63 =	vmul.f32 v30, v49;
	[tilespmem:s1+$0x50] =	vst.add.f32.msk $0xffff, v61;
	s8 =	sand.u32 $0x7FFF8, s9;
	s9 =	sadd.s32 $0x60, s19  }
0x127: {  	v48 =	vmul.f32 v31, v49;
	[tilespmem:s7+$0x50] =	vst.add.f32.msk $0xffff, v62;
	s8 =	sor.u32 s23, s8;
	s9 =	sand.u32 $0x7FFF8, s9  }
0x128: {  	v50 =	vmul.f32 v32, v49;
	[tilespmem:s8+$0x0] =	vst.add.f32.msk $0xffff, v63;
	s9 =	sor.u32 s4, s9  }
0x129: {  	v51 =	vmul.f32 v34, v49;
	[tilespmem:s9+$0x0] =	vst.add.f32.msk $0xffff, v48;
	s9 =	sadd.s32 $0x70, s13  }
0x12a: {  	v52 =	vmul.f32 v30, v42;
	[tilespmem:s1+$0x60] =	vst.add.f32.msk $0xffff, v50;
	s8 =	sand.u32 $0x7FFF8, s9;
	s9 =	sadd.s32 $0x70, s19  }
0x12b: {  	v53 =	vmul.f32 v31, v42;
	[tilespmem:s7+$0x60] =	vst.add.f32.msk $0xffff, v51;
	s8 =	sor.u32 s23, s8;
	s9 =	sand.u32 $0x7FFF8, s9  }
0x12c: {  	v54 =	vmul.f32 v32, v42;
	[tilespmem:s8+$0x0] =	vst.add.f32.msk $0xffff, v52;
	s9 =	sor.u32 s4, s9  }
0x12d: {  	v42 =	vmul.f32 v34, v42;
	[tilespmem:s9+$0x0] =	vst.add.f32.msk $0xffff, v53;
	s9 =	sadd.s32 $0x80, s13  }
0x12e: {  	v55 =	vmul.f32 v30, v41;
	[tilespmem:s1+$0x70] =	vst.add.f32.msk $0xffff, v54;
	s8 =	sand.u32 $0x7FFF8, s9;
	s9 =	sadd.s32 $0x80, s19  }
0x12f: {  	v56 =	vmul.f32 v31, v41;
	[tilespmem:s7+$0x70] =	vst.add.f32.msk $0xffff, v42;
	s8 =	sor.u32 s23, s8;
	s9 =	sand.u32 $0x7FFF8, s9  }
0x130: {  	v57 =	vmul.f32 v32, v41;
	[tilespmem:s8+$0x0] =	vst.add.f32.msk $0xffff, v55;
	s9 =	sor.u32 s4, s9  }
0x131: {  	v41 =	vmul.f32 v34, v41;
	[tilespmem:s9+$0x0] =	vst.add.f32.msk $0xffff, v56;
	s9 =	sadd.s32 $0x90, s13  }
0x132: {  	v58 =	vmul.f32 v30, v40;
	[tilespmem:s1+$0x80] =	vst.add.f32.msk $0xffff, v57;
	s8 =	sand.u32 $0x7FFF8, s9;
	s9 =	sadd.s32 $0x90, s19  }
0x133: {  	v59 =	vmul.f32 v31, v40;
	[tilespmem:s7+$0x80] =	vst.add.f32.msk $0xffff, v41;
	s8 =	sor.u32 s23, s8;
	s9 =	sand.u32 $0x7FFF8, s9  }
0x134: {  	v60 =	vmul.f32 v32, v40;
	[tilespmem:s8+$0x0] =	vst.add.f32.msk $0xffff, v58;
	s9 =	sor.u32 s4, s9  }
0x135: {  	v40 =	vmul.f32 v34, v40;
	[tilespmem:s9+$0x0] =	vst.add.f32.msk $0xffff, v59;
	s9 =	sadd.s32 $0xA0, s13  }
0x136: {  	v61 =	vmul.f32 v30, v39;
	[tilespmem:s1+$0x90] =	vst.add.f32.msk $0xffff, v60;
	s8 =	sand.u32 $0x7FFF8, s9;
	s9 =	sadd.s32 $0xA0, s19  }
0x137: {  	v62 =	vmul.f32 v31, v39;
	[tilespmem:s7+$0x90] =	vst.add.f32.msk $0xffff, v40;
	s8 =	sor.u32 s23, s8;
	s9 =	sand.u32 $0x7FFF8, s9  }
0x138: {  	v63 =	vmul.f32 v32, v39;
	[tilespmem:s8+$0x0] =	vst.add.f32.msk $0xffff, v61;
	s9 =	sor.u32 s4, s9  }
0x139: {  	v39 =	vmul.f32 v34, v39;
	[tilespmem:s9+$0x0] =	vst.add.f32.msk $0xffff, v62;
	s9 =	sadd.s32 $0xB0, s13  }
0x13a: {  	v44 =	vmul.f32 v30, v38;
	[tilespmem:s1+$0xA0] =	vst.add.f32.msk $0xffff, v63;
	s8 =	sand.u32 $0x7FFF8, s9;
	s9 =	sadd.s32 $0xB0, s19  }
0x13b: {  	v45 =	vmul.f32 v31, v38;
	[tilespmem:s7+$0xA0] =	vst.add.f32.msk $0xffff, v39;
	s8 =	sor.u32 s23, s8;
	s9 =	sand.u32 $0x7FFF8, s9  }
0x13c: {  	v46 =	vmul.f32 v32, v38;
	[tilespmem:s8+$0x0] =	vst.add.f32.msk $0xffff, v44;
	s9 =	sor.u32 s4, s9  }
0x13d: {  	v38 =	vmul.f32 v34, v38;
	[tilespmem:s9+$0x0] =	vst.add.f32.msk $0xffff, v45;
	s9 =	sadd.s32 $0xC0, s13  }
0x13e: {  	v47 =	vmul.f32 v30, v37;
	[tilespmem:s1+$0xB0] =	vst.add.f32.msk $0xffff, v46;
	s8 =	sand.u32 $0x7FFF8, s9;
	s9 =	sadd.s32 $0xC0, s19  }
0x13f: {  	v48 =	vmul.f32 v31, v37;
	[tilespmem:s7+$0xB0] =	vst.add.f32.msk $0xffff, v38;
	s8 =	sor.u32 s23, s8;
	s9 =	sand.u32 $0x7FFF8, s9  }
0x140: {  	v49 =	vmul.f32 v32, v37;
	[tilespmem:s8+$0x0] =	vst.add.f32.msk $0xffff, v47;
	s9 =	sor.u32 s4, s9  }
0x141: {  	v37 =	vmul.f32 v34, v37;
	[tilespmem:s9+$0x0] =	vst.add.f32.msk $0xffff, v48;
	s9 =	sadd.s32 $0xD0, s13  }
0x142: {  	v50 =	vmul.f32 v30, v36;
	[tilespmem:s1+$0xC0] =	vst.add.f32.msk $0xffff, v49;
	s8 =	sand.u32 $0x7FFF8, s9;
	s9 =	sadd.s32 $0xD0, s19  }
0x143: {  	v51 =	vmul.f32 v31, v36;
	[tilespmem:s7+$0xC0] =	vst.add.f32.msk $0xffff, v37;
	s8 =	sor.u32 s23, s8;
	s9 =	sand.u32 $0x7FFF8, s9  }
0x144: {  	v52 =	vmul.f32 v32, v36;
	[tilespmem:s8+$0x0] =	vst.add.f32.msk $0xffff, v50;
	s9 =	sor.u32 s4, s9  }
0x145: {  	v36 =	vmul.f32 v34, v36;
	[tilespmem:s9+$0x0] =	vst.add.f32.msk $0xffff, v51;
	s9 =	sadd.s32 $0xE0, s13  }
0x146: {  	v53 =	vmul.f32 v30, v35;
	[tilespmem:s1+$0xD0] =	vst.add.f32.msk $0xffff, v52;
	s8 =	sand.u32 $0x7FFF8, s9;
	s9 =	sadd.s32 $0xE0, s19  }
0x147: {  	v54 =	vmul.f32 v31, v35;
	[tilespmem:s7+$0xD0] =	vst.add.f32.msk $0xffff, v36;
	s8 =	sor.u32 s23, s8;
	s9 =	sand.u32 $0x7FFF8, s9  }
0x148: {  	v55 =	vmul.f32 v32, v35;
	[tilespmem:s8+$0x0] =	vst.add.f32.msk $0xffff, v53;
	s9 =	sor.u32 s4, s9  }
0x149: {  	v35 =	vmul.f32 v34, v35;
	s13 =	sadd.s32 $0xF0, s13;
	[tilespmem:s9+$0x0] =	vst.add.f32.msk $0xffff, v54  }
0x14a: {  	v30 =	vmul.f32 v33, v30;
	s19 =	sadd.s32 $0xF0, s19;
	s8 =	sand.u32 $0x7FFF8, s13;
	[tilespmem:s1+$0xE0] =	vst.add.f32.msk $0xffff, v55  }
0x14b: {  	v31 =	vmul.f32 v33, v31;
	s8 =	sor.u32 s23, s8;
	s9 =	sand.u32 $0x7FFF8, s19;
	[tilespmem:s7+$0xE0] =	vst.add.f32.msk $0xffff, v35  }
0x14c: {  	v56 =	vmul.f32 v33, v32;
	s4 =	sor.u32 s4, s9;
	[tilespmem:s8+$0x0] =	vst.add.f32.msk $0xffff, v30  }
0x14d: {  	v57 =	vmul.f32 v33, v34;
	[tilespmem:s4+$0x0] =	vst.add.f32.msk $0xffff, v31  }
0x14e: {  	[tilespmem:s1+$0xF0] =	vst.add.f32.msk $0xffff, v56  }
0x14f: {  	s9 =	sshll.u32 s31, $0x7;
	[tilespmem:s7+$0xF0] =	vst.add.f32.msk $0xffff, v57  }
0x150: {  	s31 =	sshll.u32 s28, $0x7;
	v30 =	vld [tilespmem:s9+$0x10100]  }
0x151: {  	s0 =	sshll.u32 s0, $0x7;
	s2 =	sshll.u32 s2, $0x7;
	v31 =	vld [tilespmem:s31+$0x10100]  }
0x152: {  	s2 =	sand.u32 $0x3FFFFF80, s2;
	v58 =	vld [tilespmem:s0+$0x10100]  }
0x153: {  	v59 =	vld [tilespmem:s2+$0x10100];
	_ =	sdelay $0x1  }
0x154: {  	p0 =	seq.s32 s30, $0xF;
	s7 =	simm.f32 $0.0e+00;
	v60 =	vsub.f32 v29, v30  }
0x155: {  	s13 =	simm.f32 $0.0e+00;
	s7 =	simm.s32 @!p0 $0x3C23D70A;
	p0 =	seq.s32 s29, $0xF;
	v61 =	vsub.f32 v29, v31  }
0x156: {  	s19 =	simm.f32 $0.0e+00;
	s13 =	simm.s32 @!p0 $0x3C23D70A;
	p0 =	seq.s32 s30, $0x0;
	v62 =	vsub.f32 v29, v58;
	v34 =	vmul.f32 s7, v60  }
0x157: {  	s23 =	simm.f32 $0.0e+00;
	s19 =	simm.s32 @!p0 $0x3C23D70A;
	p0 =	seq.s32 s29, $0x0;
	v29 =	vsub.f32 v29, v59;
	v35 =	vmul.f32 s13, v61  }
0x158: {  	s23 =	simm.s32 @!p0 $0x3C23D70A;
	v63 =	vmul.f32 s19, v62;
	v30 =	vadd.f32 v34, v30  }
0x159: {  	v29 =	vmul.f32 s23, v29;
	v31 =	vadd.f32 v35, v31  }
0x15a: {  	v32 =	vadd.f32 v63, v58;
	[tilespmem:s9+$0x10100] =	vst v30  }
0x15b: {  	v29 =	vadd.f32 v29, v59;
	[tilespmem:s31+$0x10100] =	vst v31  }
0x15c: {  	[tilespmem:s0+$0x10100] =	vst v32  }
0x15d: {  	[tilespmem:s2+$0x10100] =	vst v29  }
0x15e: {  	v29 =	vld [tilespmem:s9+$0x10110]  }
0x15f: {  	v30 =	vld [tilespmem:s31+$0x10110]  }
0x160: {  	v31 =	vld [tilespmem:s0+$0x10110]  }
0x161: {  	v32 =	vld [tilespmem:s2+$0x10110];
	_ =	sdelay $0x1  }
0x162: {  	v36 =	vsub.f32 v28, v29  }
0x163: {  	v37 =	vsub.f32 v28, v30  }
0x164: {  	v38 =	vsub.f32 v28, v31;
	v33 =	vmul.f32 s7, v36  }
0x165: {  	v28 =	vsub.f32 v28, v32;
	v34 =	vmul.f32 s13, v37  }
0x166: {  	v39 =	vmul.f32 s19, v38;
	v29 =	vadd.f32 v33, v29  }
0x167: {  	v28 =	vmul.f32 s23, v28;
	v30 =	vadd.f32 v34, v30  }
0x168: {  	v31 =	vadd.f32 v39, v31;
	[tilespmem:s9+$0x10110] =	vst v29  }
0x169: {  	v28 =	vadd.f32 v28, v32;
	[tilespmem:s31+$0x10110] =	vst v30  }
0x16a: {  	[tilespmem:s0+$0x10110] =	vst v31  }
0x16b: {  	[tilespmem:s2+$0x10110] =	vst v28  }
0x16c: {  	v28 =	vld [tilespmem:s9+$0x10120]  }
0x16d: {  	v29 =	vld [tilespmem:s31+$0x10120]  }
0x16e: {  	v30 =	vld [tilespmem:s0+$0x10120]  }
0x16f: {  	v31 =	vld [tilespmem:s2+$0x10120];
	_ =	sdelay $0x1  }
0x170: {  	v40 =	vsub.f32 v27, v28  }
0x171: {  	v41 =	vsub.f32 v27, v29  }
0x172: {  	v42 =	vsub.f32 v27, v30;
	v32 =	vmul.f32 s7, v40  }
0x173: {  	v27 =	vsub.f32 v27, v31;
	v33 =	vmul.f32 s13, v41  }
0x174: {  	v43 =	vmul.f32 s19, v42;
	v28 =	vadd.f32 v32, v28  }
0x175: {  	v27 =	vmul.f32 s23, v27;
	v29 =	vadd.f32 v33, v29  }
0x176: {  	v30 =	vadd.f32 v43, v30;
	[tilespmem:s9+$0x10120] =	vst v28  }
0x177: {  	v27 =	vadd.f32 v27, v31;
	[tilespmem:s31+$0x10120] =	vst v29  }
0x178: {  	[tilespmem:s0+$0x10120] =	vst v30  }
0x179: {  	[tilespmem:s2+$0x10120] =	vst v27  }
0x17a: {  	v27 =	vld [tilespmem:s9+$0x10130]  }
0x17b: {  	v28 =	vld [tilespmem:s31+$0x10130]  }
0x17c: {  	v29 =	vld [tilespmem:s0+$0x10130]  }
0x17d: {  	v30 =	vld [tilespmem:s2+$0x10130];
	_ =	sdelay $0x1  }
0x17e: {  	v44 =	vsub.f32 v26, v27  }
0x17f: {  	v45 =	vsub.f32 v26, v28  }
0x180: {  	v46 =	vsub.f32 v26, v29;
	v31 =	vmul.f32 s7, v44  }
0x181: {  	v26 =	vsub.f32 v26, v30;
	v32 =	vmul.f32 s13, v45  }
0x182: {  	v47 =	vmul.f32 s19, v46;
	v27 =	vadd.f32 v31, v27  }
0x183: {  	v26 =	vmul.f32 s23, v26;
	v28 =	vadd.f32 v32, v28  }
0x184: {  	v29 =	vadd.f32 v47, v29;
	[tilespmem:s9+$0x10130] =	vst v27  }
0x185: {  	v26 =	vadd.f32 v26, v30;
	[tilespmem:s31+$0x10130] =	vst v28  }
0x186: {  	[tilespmem:s0+$0x10130] =	vst v29  }
0x187: {  	[tilespmem:s2+$0x10130] =	vst v26  }
0x188: {  	v26 =	vld [tilespmem:s9+$0x10140]  }
0x189: {  	v27 =	vld [tilespmem:s31+$0x10140]  }
0x18a: {  	v28 =	vld [tilespmem:s0+$0x10140]  }
0x18b: {  	v29 =	vld [tilespmem:s2+$0x10140];
	_ =	sdelay $0x1  }
0x18c: {  	v48 =	vsub.f32 v25, v26  }
0x18d: {  	v49 =	vsub.f32 v25, v27  }
0x18e: {  	v50 =	vsub.f32 v25, v28;
	v30 =	vmul.f32 s7, v48  }
0x18f: {  	v25 =	vsub.f32 v25, v29;
	v31 =	vmul.f32 s13, v49  }
0x190: {  	v51 =	vmul.f32 s19, v50;
	v26 =	vadd.f32 v30, v26  }
0x191: {  	v25 =	vmul.f32 s23, v25;
	v27 =	vadd.f32 v31, v27  }
0x192: {  	v28 =	vadd.f32 v51, v28;
	[tilespmem:s9+$0x10140] =	vst v26  }
0x193: {  	v25 =	vadd.f32 v25, v29;
	[tilespmem:s31+$0x10140] =	vst v27  }
0x194: {  	[tilespmem:s0+$0x10140] =	vst v28  }
0x195: {  	[tilespmem:s2+$0x10140] =	vst v25  }
0x196: {  	v25 =	vld [tilespmem:s9+$0x10150]  }
0x197: {  	v26 =	vld [tilespmem:s31+$0x10150]  }
0x198: {  	v27 =	vld [tilespmem:s0+$0x10150]  }
0x199: {  	v28 =	vld [tilespmem:s2+$0x10150];
	_ =	sdelay $0x1  }
0x19a: {  	v52 =	vsub.f32 v24, v25  }
0x19b: {  	v53 =	vsub.f32 v24, v26  }
0x19c: {  	v54 =	vsub.f32 v24, v27;
	v29 =	vmul.f32 s7, v52  }
0x19d: {  	v24 =	vsub.f32 v24, v28;
	v30 =	vmul.f32 s13, v53  }
0x19e: {  	v55 =	vmul.f32 s19, v54;
	v25 =	vadd.f32 v29, v25  }
0x19f: {  	v24 =	vmul.f32 s23, v24;
	v26 =	vadd.f32 v30, v26  }
0x1a0: {  	v27 =	vadd.f32 v55, v27;
	[tilespmem:s9+$0x10150] =	vst v25  }
0x1a1: {  	v24 =	vadd.f32 v24, v28;
	[tilespmem:s31+$0x10150] =	vst v26  }
0x1a2: {  	[tilespmem:s0+$0x10150] =	vst v27  }
0x1a3: {  	[tilespmem:s2+$0x10150] =	vst v24  }
0x1a4: {  	v24 =	vld [tilespmem:s9+$0x10160]  }
0x1a5: {  	v25 =	vld [tilespmem:s31+$0x10160]  }
0x1a6: {  	v26 =	vld [tilespmem:s0+$0x10160]  }
0x1a7: {  	v27 =	vld [tilespmem:s2+$0x10160];
	_ =	sdelay $0x1  }
0x1a8: {  	v56 =	vsub.f32 v23, v24  }
0x1a9: {  	v57 =	vsub.f32 v23, v25  }
0x1aa: {  	v58 =	vsub.f32 v23, v26;
	v28 =	vmul.f32 s7, v56  }
0x1ab: {  	v23 =	vsub.f32 v23, v27;
	v29 =	vmul.f32 s13, v57  }
0x1ac: {  	v59 =	vmul.f32 s19, v58;
	v24 =	vadd.f32 v28, v24  }
0x1ad: {  	v23 =	vmul.f32 s23, v23;
	v25 =	vadd.f32 v29, v25  }
0x1ae: {  	v26 =	vadd.f32 v59, v26;
	[tilespmem:s9+$0x10160] =	vst v24  }
0x1af: {  	v23 =	vadd.f32 v23, v27;
	[tilespmem:s31+$0x10160] =	vst v25  }
0x1b0: {  	[tilespmem:s0+$0x10160] =	vst v26  }
0x1b1: {  	[tilespmem:s2+$0x10160] =	vst v23  }
0x1b2: {  	v23 =	vld [tilespmem:s9+$0x10170]  }
0x1b3: {  	v24 =	vld [tilespmem:s31+$0x10170]  }
0x1b4: {  	v25 =	vld [tilespmem:s0+$0x10170]  }
0x1b5: {  	v26 =	vld [tilespmem:s2+$0x10170];
	_ =	sdelay $0x1  }
0x1b6: {  	v60 =	vsub.f32 v22, v23  }
0x1b7: {  	v61 =	vsub.f32 v22, v24  }
0x1b8: {  	v62 =	vsub.f32 v22, v25;
	v27 =	vmul.f32 s7, v60  }
0x1b9: {  	v22 =	vsub.f32 v22, v26;
	v28 =	vmul.f32 s13, v61  }
0x1ba: {  	p0 =	sne.s32 s26, $0x300;
	v63 =	vmul.f32 s19, v62;
	v23 =	vadd.f32 v27, v23  }
.Ltmp1:
0x1bb: {  	v22 =	vmul.f32 s23, v22;
	v24 =	vadd.f32 v28, v24;
	(pc) =	sbr.rel @p0 .LBB2_3-.Ltmp1, $4  }
0x1bc: {  	v25 =	vadd.f32 v63, v25;
	[tilespmem:s9+$0x10170] =	vst v23  }
0x1bd: {  	v22 =	vadd.f32 v22, v26;
	[tilespmem:s31+$0x10170] =	vst v24  }
0x1be: {  	[tilespmem:s0+$0x10170] =	vst v25  }
0x1bf: {  	s26 =	sadd.s32 $0x1, s26;
	[tilespmem:s2+$0x10170] =	vst v22  }
0x1c0: {  	_ =	swait.ge [sflag:s20], $0x100  }
0x1c1: {  	[sflag:s20] =	ssyncset.done $0x0  }
0x1c2: {  	[sflag:s20] =	ssyncadd.s32 $0xFFFFFF00  }
0x1c3: {  	_ =	swait.ge [sflag:s21], $0x80  }
0x1c4: {  	[sflag:s21] =	ssyncset.done $0x0  }
0x1c5: {  	s2 =	simm.s32 $0x0;
	[sflag:s21] =	ssyncadd.s32 $0xFFFFFF80  }
0x1c6: {  	v22 =	vld [tilespmem:s2+$0x10170]  }
0x1c7: {  	v24 =	vld [tilespmem:s2+$0x10100]  }
0x1c8: {  	v25 =	vld [tilespmem:s2+$0x10110]  }
0x1c9: {  	v33 =	vld [tilespmem:s2+$0x10120]  }
0x1ca: {  	v32 =	vld [tilespmem:s2+$0x10130]  }
0x1cb: {  	v23 =	vimm.f32 $0.0e+00;
	v28 =	vimm.f32 $0.0e+00;
	v29 =	vld [tilespmem:s2+$0x10140]  }
0x1cc: {  	v30 =	vimm.f32 $0.0e+00;
	v26 =	vimm.f32 $0.0e+00;
	v31 =	vld [tilespmem:s2+$0x10150];
	v22 =	vadd.f32 v22, v23  }
0x1cd: {  	s0 =	simm.s32 $0x80;
	s1 =	simm.s32 $0x400;
	v34 =	vld [tilespmem:s2+$0x10160];
	v27 =	vadd.f32 v24, v23;
	v25 =	vadd.f32 v25, v23;
	v24 =	vimm.f32 $0.0e+00  }
.LBB2_5:
0x1ce: {  	p0 =	sne.s32 s1, $0x1FE00;
	v35 =	vld [tilespmem:s0+$0x10170];
	v23 =	vadd.f32 v33, v23  }
0x1cf: {  	v36 =	vld [tilespmem:s0+$0x10100];
	v28 =	vadd.f32 v32, v28  }
0x1d0: {  	v37 =	vld [tilespmem:s0+$0x10110];
	v30 =	vadd.f32 v29, v30  }
.Ltmp2:
0x1d1: {  	v33 =	vld [tilespmem:s0+$0x10120];
	v26 =	vadd.f32 v31, v26;
	(pc) =	sbr.rel @p0 .LBB2_5-.Ltmp2, $4  }
0x1d2: {  	v32 =	vld [tilespmem:s0+$0x10130];
	v24 =	vadd.f32 v34, v24  }
0x1d3: {  	v29 =	vld [tilespmem:s0+$0x10140];
	v22 =	vadd.f32 v35, v22  }
0x1d4: {  	v27 =	vadd.f32 v36, v27;
	v31 =	vld [tilespmem:s0+$0x10150]  }
0x1d5: {  	v25 =	vadd.f32 v37, v25;
	v34 =	vld [tilespmem:s0+$0x10160];
	s0 =	sshra.s32 s1, $0x2;
	s1 =	sadd.s32 $0x200, s1  }
0x1d6: {  	v36 =	vld [tilespmem:s0+$0x10100]  }
0x1d7: {  	v37 =	vld [tilespmem:s0+$0x10110]  }
0x1d8: {  	v38 =	vld [tilespmem:s0+$0x10120]  }
0x1d9: {  	v39 =	vld [tilespmem:s0+$0x10130]  }
0x1da: {  	v40 =	vld [tilespmem:s0+$0x10140]  }
0x1db: {  	v35 =	vld [tilespmem:s0+$0x10170];
	v23 =	vadd.f32 v33, v23;
	v27 =	vadd.f32 v36, v27  }
0x1dc: {  	v61 =	vld [tilespmem:s0+$0x10160];
	v28 =	vadd.f32 v32, v28;
	v25 =	vadd.f32 v37, v25  }
0x1dd: {  	v60 =	vld [tilespmem:s0+$0x10150];
	v29 =	vadd.f32 v29, v30;
	v23 =	vadd.f32 v38, v23;
	[tilespmem:$0x18600] =	vst v27  }
0x1de: {  	v62 =	vadd.f32 v39, v28;
	[tilespmem:$0x18610] =	vst v25  }
0x1df: {  	v24 =	vadd.f32 v34, v24;
	v63 =	vadd.f32 v40, v29;
	[tilespmem:$0x18620] =	vst v23  }
0x1e0: {  	v26 =	vadd.f32 v31, v26;
	v22 =	vadd.f32 v35, v22;
	[tilespmem:$0x18630] =	vst v62  }
0x1e1: {  	v24 =	vadd.f32 v61, v24;
	[tilespmem:$0x18640] =	vst v63  }
0x1e2: {  	s25 =	sadd.s32 $0x1, s25;
	v23 =	vadd.f32 v60, v26;
	[tilespmem:$0x18670] =	vst v22  }
0x1e3: {  	p0 =	sne.s32 s25, s12;
	[tilespmem:$0x18660] =	vst v24  }
.Ltmp3:
0x1e4: {  	s31 =	rddreg [dreg:$0x9];
	s1 =	simm.s32 $0x18600;
	[tilespmem:$0x18650] =	vst v23;
	(pc) =	sbr.rel @p0 .LBB2_2-.Ltmp3, $4  }
0x1e5: {  	[hbm4b:s31+s3] =	stream.linear.scatter [tilespmem:s1], [sflag:$0x4], $0x80, $0x38;
	[tilespmem:$0x1B680] =	vst v63  }
0x1e6: {  	_ =	swait.ge [sflag:s24], $0x80  }
0x1e7: {  	[sflag:s24] =	ssyncset.done $0x0  }
0x1e8: {  	[sflag:s24] =	ssyncadd.s32 $0xFFFFFF80  }
.LBB2_7:
0x1e9: {  	_ =	sfence.sel $0x180000  }
0x1ea: {  	[bflag:$0x0] =	sbarrier.arrive $0xFFFF  }
0x1eb: {  	_ =	strace $0x90000047  }
0x1ec: {  	s0 =	stileid.u32;
	[bflag:$0x2] =	sbarrier.arrive $0xFFFF  }
0x1ed: {  	p0 =	sne.s32 s0, $0x0;
	s0 =	rddreg [dreg:$0x6]  }
0x1ee: {  	s0 =	sadd.s32 @!p0 $0x100000, s0  }
0x1ef: {  	[sflag:s0] =	ssyncadd.tile.s32 @!p0 $0x1;
	_ =	shalt  }
.Lfunc_end2:
_tile_overlayer_lowered:
.L_overlay_start_2:
0x1f0: {  	(tag) =	ssettag $0x2  }
0x1f1: {  	s0 =	rddreg [dreg:$0x0];
	s2 =	stileid.u32  }
0x1f2: {  	s1 =	rddreg [dreg:$0x1];
	p0 =	sne.s32 s2, $0x0  }
0x1f3: {  	s3 =	rddreg [dreg:$0x2];
	[bflag:$0x3] =	sbarrier.arrive $0xFFFF;
	s2 =	simm.s32 @!p0 $0x1C04  }
0x1f4: {  	[timem:s3], [sflag:s2] =	dma.local @!p0 [hbm:s0], s1  }
0x1f5: {  	s0 =	simm.s32 @!p0 $0x4  }
0x1f6: {  	_ =	swait.ge @!p0 [sflag:s0], s1  }
0x1f7: {  	s1 =	ssub.s32 @!p0 $0x0, s1;
	[sflag:s0] =	ssyncset.done @!p0 $0x0  }
0x1f8: {  	[sflag:s0] =	ssyncadd.s32 @!p0 s1  }
0x1f9: {  	[bflag:$0x3] =	sbarrier.arrive $0xFFFF  }
0x1fa: {  	_ =	shalt  }

</sc_bundles>
